<compile_context>
chip_gen: v7x
topology: tpu7x:2x2x1
jax: 0.10.2.dev20260603
libtpu: 0.0.44.dev20260713+nightly
codegen_flags: <defaults>
</compile_context>

<pallas_src>
import functools

import jax
import jax.numpy as jnp
from jax import lax
from jax.experimental import pallas as pl
from jax.experimental.pallas import tpu as pltpu
from jax.experimental.pallas import tpu_sc as plsc

N = 10000
NPAD = 10240
E = 320000
D = 128
NC = 2
NS = 16
NW = NC * NS
CHUNK = 128
CPW = 80
GRP = 16
EPAD = NW * CPW * CHUNK
RPS = NPAD // NS

_MESH = plsc.VectorSubcoreMesh(
    core_axis_name="c", subcore_axis_name="s", num_cores=NC, num_subcores=NS)


def _sc_hist(idx_r, zeros, ones):

  @functools.partial(
      pl.kernel,
      out_type=jax.ShapeDtypeStruct((NC, NPAD, D), jnp.float32),
      mesh=_MESH,
      scratch_types=[
          pltpu.VMEM((CPW, CHUNK), jnp.int32),
          pltpu.VMEM((CHUNK, D), jnp.float32),
          pltpu.VMEM_SHARED((NPAD, D), jnp.float32),
      ],
  )
  def k(idx_hbm, zeros_hbm, ones_hbm, out_hbm, idx_v, ones_v, acc):
    cid = lax.axis_index("c")
    sid = lax.axis_index("s")
    wid = sid * NC + cid

    pltpu.sync_copy(zeros_hbm.at[pl.ds(sid * RPS, RPS)],
                    acc.at[pl.ds(sid * RPS, RPS)])
    pltpu.sync_copy(ones_hbm, ones_v)
    pltpu.sync_copy(idx_hbm.at[wid], idx_v)
    plsc.subcore_barrier()

    @pl.loop(0, CPW)
    def _(j):
      pltpu.sync_copy(ones_v, acc.at[idx_v.at[j]], add=True)

    plsc.subcore_barrier()

    pltpu.sync_copy(acc.at[pl.ds(sid * RPS, RPS)],
                    out_hbm.at[cid].at[pl.ds(sid * RPS, RPS)])

  return k(idx_r, zeros, ones)


def _sc_aggregate(table, src_r, dst_r, zeros):

  @functools.partial(
      pl.kernel,
      out_type=jax.ShapeDtypeStruct((NC, NPAD, D), jnp.float32),
      mesh=_MESH,
      scratch_types=[
          pltpu.VMEM((GRP, CHUNK), jnp.int32),
          pltpu.VMEM((GRP, CHUNK), jnp.int32),
          pltpu.VMEM((2, CHUNK, D), jnp.float32),
          pltpu.VMEM_SHARED((NPAD, D), jnp.float32),
          pltpu.SemaphoreType.DMA,
          pltpu.SemaphoreType.DMA,
      ],
  )
  def k(tab_hbm, src_hbm, dst_hbm, zeros_hbm, out_hbm,
        sidx, didx, rows, acc, sem0, sem1):
    cid = lax.axis_index("c")
    sid = lax.axis_index("s")
    wid = sid * NC + cid

    pltpu.sync_copy(zeros_hbm.at[pl.ds(sid * RPS, RPS)],
                    acc.at[pl.ds(sid * RPS, RPS)])
    plsc.subcore_barrier()

    SUB = 4
    SLEN = CHUNK // SUB

    def gather(idx_row, buf, sem):
      for s in range(SUB):
        pltpu.async_copy(tab_hbm.at[idx_row.at[pl.ds(s * SLEN, SLEN)]],
                         buf.at[pl.ds(s * SLEN, SLEN)], sem)

    def gather_wait(idx_row, buf, sem):
      for s in range(SUB):
        pltpu.make_async_copy(tab_hbm.at[idx_row.at[pl.ds(s * SLEN, SLEN)]],
                              buf.at[pl.ds(s * SLEN, SLEN)], sem).wait()

    @pl.loop(0, CPW // GRP)
    def _(grp):
      pltpu.sync_copy(src_hbm.at[wid].at[pl.ds(grp * GRP, GRP)], sidx)
      pltpu.sync_copy(dst_hbm.at[wid].at[pl.ds(grp * GRP, GRP)], didx)

      gather(sidx.at[0], rows.at[0], sem0)

      @pl.loop(0, GRP - 2, step=2)
      def _(j):
        gather(sidx.at[j + 1], rows.at[1], sem1)
        gather_wait(sidx.at[j], rows.at[0], sem0)
        pltpu.sync_copy(rows.at[0], acc.at[didx.at[j]], add=True)
        gather(sidx.at[j + 2], rows.at[0], sem0)
        gather_wait(sidx.at[j + 1], rows.at[1], sem1)
        pltpu.sync_copy(rows.at[1], acc.at[didx.at[j + 1]], add=True)

      gather(sidx.at[GRP - 1], rows.at[1], sem1)
      gather_wait(sidx.at[GRP - 2], rows.at[0], sem0)
      pltpu.sync_copy(rows.at[0], acc.at[didx.at[GRP - 2]], add=True)
      gather_wait(sidx.at[GRP - 1], rows.at[1], sem1)
      pltpu.sync_copy(rows.at[1], acc.at[didx.at[GRP - 1]], add=True)

    plsc.subcore_barrier()

    pltpu.sync_copy(acc.at[pl.ds(sid * RPS, RPS)],
                    out_hbm.at[cid].at[pl.ds(sid * RPS, RPS)])

  return k(table, src_r, dst_r, zeros)


_BLK = 1024


def _norm(part_ref, blk):
  d = part_ref[0, :, 0] + part_ref[1, :, 0]
  return lax.rsqrt(jnp.maximum(d, 1.0)).reshape(blk, 1)


def _tc_mm_scale(x, w, h0):

  def body(x_ref, w_ref, h0_ref, o_ref):
    o_ref[...] = jnp.dot(x_ref[...], w_ref[...],
                         preferred_element_type=jnp.float32) * _norm(h0_ref,
                                                                     _BLK)

  return pl.pallas_call(
      body,
      grid=(NPAD // _BLK,),
      in_specs=[
          pl.BlockSpec((_BLK, D), lambda i: (i, 0)),
          pl.BlockSpec((D, D), lambda i: (0, 0)),
          pl.BlockSpec((NC, _BLK, D), lambda i: (0, i, 0)),
      ],
      out_specs=pl.BlockSpec((_BLK, D), lambda i: (i, 0)),
      out_shape=jax.ShapeDtypeStruct((NPAD, D), jnp.float32),
  )(x, w, h0)


def _tc_mid(p, h0, h1, w2):

  def body(p_ref, h0_ref, h1_ref, w_ref, o_ref):
    h = jnp.maximum((p_ref[0] + p_ref[1]) * _norm(h1_ref, _BLK), 0.0)
    o_ref[...] = jnp.dot(h, w_ref[...],
                         preferred_element_type=jnp.float32) * _norm(h0_ref,
                                                                     _BLK)

  return pl.pallas_call(
      body,
      grid=(NPAD // _BLK,),
      in_specs=[
          pl.BlockSpec((NC, _BLK, D), lambda i: (0, i, 0)),
          pl.BlockSpec((NC, _BLK, D), lambda i: (0, i, 0)),
          pl.BlockSpec((NC, _BLK, D), lambda i: (0, i, 0)),
          pl.BlockSpec((D, D), lambda i: (0, 0)),
      ],
      out_specs=pl.BlockSpec((_BLK, D), lambda i: (i, 0)),
      out_shape=jax.ShapeDtypeStruct((NPAD, D), jnp.float32),
  )(p, h0, h1, w2)


def _tc_out(q, h1):
  def body(q_ref, h1_ref, o_ref):
    o_ref[...] = (q_ref[0] + q_ref[1]) * _norm(h1_ref, _BLK)

  return pl.pallas_call(
      body,
      grid=(NPAD // _BLK,),
      in_specs=[
          pl.BlockSpec((NC, _BLK, D), lambda i: (0, i, 0)),
          pl.BlockSpec((NC, _BLK, D), lambda i: (0, i, 0)),
      ],
      out_specs=pl.BlockSpec((_BLK, D), lambda i: (i, 0)),
      out_shape=jax.ShapeDtypeStruct((NPAD, D), jnp.float32),
  )(q, h1)


def kernel(g, features, W1, W2):
  src = g[0].astype(jnp.int32)
  dst = g[1].astype(jnp.int32)
  pad = EPAD - E
  fill = jnp.full((pad,), N, jnp.int32)
  src_r = jnp.concatenate([src, fill]).reshape(NW, CPW, CHUNK)
  dst_r = jnp.concatenate([dst, fill]).reshape(NW, CPW, CHUNK)
  xp = jnp.pad(features, ((0, NPAD - N), (0, 0)))
  zeros = jnp.zeros((NPAD, D), jnp.float32)
  ones = jnp.ones((CHUNK, D), jnp.float32)

  h0 = _sc_hist(src_r, zeros, ones)
  h1 = _sc_hist(dst_r, zeros, ones)
  t1 = _tc_mm_scale(xp, W1, h0)
  p = _sc_aggregate(t1, src_r, dst_r, zeros)
  t2 = _tc_mid(p, h0, h1, W2)
  q = _sc_aggregate(t2, src_r, dst_r, zeros)
  out = _tc_out(q, h1)
  return out[:N]

# --- scband reference (transcript-rebuilt; emitter-appended) ---
"""Pipeline reference for scband-gcn-25907242729571 (READ-ONLY COPY).

The authoritative reference and input builder live on the scoring server;
editing this copy changes nothing except your own understanding.
"""

import jax, jax.numpy as jnp
import numpy as np

N_NODES = 10000
N_EDGES = 320000
D_IN = 128
D_HID = 128
D_OUT = 128


def setup_inputs(seed: int = 0) -> dict:
    key = jax.random.key(seed)
    k1, k2, k3, k4 = jax.random.split(key, 4)
    features = jax.random.normal(k1, (N_NODES, D_IN), dtype=jnp.float32)
    g = jax.random.randint(k2, (2, N_EDGES), 0, N_NODES)
    scale1 = 1.0 / np.sqrt(D_IN)
    scale2 = 1.0 / np.sqrt(D_HID)
    W1 = jax.random.normal(k3, (D_IN, D_HID), dtype=jnp.float32) * scale1
    W2 = jax.random.normal(k4, (D_HID, D_OUT), dtype=jnp.float32) * scale2
    return {"g": g, "features": features, "W1": W1, "W2": W2}


def _gcn_layer(x, W, src, dst):
    # DGL GraphConv with norm='both', bias=False:
    #   h = D_in^{-1/2} * A^T * (D_out^{-1/2} * x) @ W
    # degrees clamped to min 1 as in DGL.
    E = src.shape[0]
    ones = jnp.ones((E,), dtype=x.dtype)
    deg_out = jax.ops.segment_sum(ones, src, num_segments=N_NODES)
    deg_in = jax.ops.segment_sum(ones, dst, num_segments=N_NODES)
    norm_out = jnp.power(jnp.maximum(deg_out, 1.0), -0.5)
    norm_in = jnp.power(jnp.maximum(deg_in, 1.0), -0.5)
    h = x * norm_out[:, None]
    h = h @ W
    msgs = jnp.take(h, src, axis=0)
    agg = jax.ops.segment_sum(msgs, dst, num_segments=N_NODES)
    return agg * norm_in[:, None]


def reference(g, features, W1, W2):
    src = g[0]
    dst = g[1]
    # layer 1: GraphConv(in_feats, n_hidden, bias=False, activation=relu)
    h = _gcn_layer(features, W1, src, dst)
    h = jax.nn.relu(h)
    # dropout p=0.0 -> identity
    # layer 2: GraphConv(n_hidden, out_feats, bias=False, activation=None)
    h = _gcn_layer(h, W2, src, dst)
    return h

if __name__ == "__main__":
    import jax
    _d = setup_inputs()
    print(jax.jit(kernel)(*tuple(_d.values())))

</pallas_src>

<mosaic_0001>
#map = affine_map<(d0, d1) -> (0, 0, 0)>
#map1 = affine_map<(d0, d1) -> (0, 0)>
module attributes {stable_mosaic.version = 14 : i64} {
  func.func @k(%arg0: i32, %arg1: i32, %arg2: memref<32x80x128xi32, #tpu.memory_space<hbm>>, %arg3: memref<10240x128xf32, #tpu.memory_space<hbm>>, %arg4: memref<128x128xf32, #tpu.memory_space<hbm>>, %arg5: memref<2x10240x128xf32, #tpu.memory_space<hbm>>, %arg6: memref<80x128xi32, #tpu.memory_space<vmem>>, %arg7: memref<128x128xf32, #tpu.memory_space<vmem>>, %arg8: memref<10240x128xf32, #tpu.memory_space<vmem_shared>>) attributes {dimension_semantics = [#tpu.dimension_semantics<core_parallel>, #tpu.dimension_semantics<subcore_parallel>], iteration_bounds = array<i64: 2, 16>, scalar_prefetch = 0 : i64, scratch_operands = 3 : i64, tpu.core_type = #tpu.core_type<sc_vector_subcore>, window_params = [{transform_indices = #map}, {transform_indices = #map1}, {transform_indices = #map1}, {transform_indices = #map}]} {
    %mul3A = arith.constant 2 : i32
    %mul3A_0 = arith.muli %arg1, %mul3A : i32
    %add3A = arith.addi %mul3A_0, %arg0 : i32
    %mul3A_1 = arith.constant 640 : i32
    %mul3A_2 = arith.muli %arg1, %mul3A_1 : i32
    %mul3A_3 = arith.constant 640 : i32
    %mul3A_4 = arith.muli %arg1, %mul3A_3 : i32
    "tpu.region"() ({
      %run_scoped3A = tpu.sem_alloc : memref<!tpu.dma_semaphore, #tpu.memory_space<semaphore_mem>>
      %dma_start3A = arith.constant 0 : i32
      %dma_start3A_14 = tpu.memref_slice %arg8[%mul3A_4, %dma_start3A] : memref<10240x128xf32, #tpu.memory_space<vmem_shared>> -> memref<640x128xf32, #tpu.memory_space<vmem_shared>>
      %dma_start3A_15 = arith.constant 0 : i32
      %dma_start3A_16 = tpu.memref_slice %arg3[%mul3A_2, %dma_start3A_15] : memref<10240x128xf32, #tpu.memory_space<hbm>> -> memref<640x128xf32, #tpu.memory_space<hbm>>
      tpu.enqueue_dma source(%dma_start3A_16 : memref<640x128xf32, #tpu.memory_space<hbm>>) target(%dma_start3A_14 : memref<640x128xf32, #tpu.memory_space<vmem_shared>>) target_semaphore(%run_scoped3A : memref<!tpu.dma_semaphore, #tpu.memory_space<semaphore_mem>>)
      %dma_wait3A = arith.constant 0 : i32
      %dma_wait3A_17 = tpu.memref_slice %arg8[%mul3A_4, %dma_wait3A] : memref<10240x128xf32, #tpu.memory_space<vmem_shared>> -> memref<640x128xf32, #tpu.memory_space<vmem_shared>>
      %dma_wait3A_18 = arith.constant 0 : i32
      %dma_wait3A_19 = tpu.memref_slice %arg3[%mul3A_2, %dma_wait3A_18] : memref<10240x128xf32, #tpu.memory_space<hbm>> -> memref<640x128xf32, #tpu.memory_space<hbm>>
      tpu.wait_dma2 semaphore(%run_scoped3A : memref<!tpu.dma_semaphore, #tpu.memory_space<semaphore_mem>>) src(%dma_wait3A_19 : memref<640x128xf32, #tpu.memory_space<hbm>>) dst(%dma_wait3A_17 : memref<640x128xf32, #tpu.memory_space<vmem_shared>>)
      tpu.yield
    }) : () -> ()
    "tpu.region"() ({
      %run_scoped3A = tpu.sem_alloc : memref<!tpu.dma_semaphore, #tpu.memory_space<semaphore_mem>>
      tpu.enqueue_dma source(%arg4 : memref<128x128xf32, #tpu.memory_space<hbm>>) target(%arg7 : memref<128x128xf32, #tpu.memory_space<vmem>>) target_semaphore(%run_scoped3A : memref<!tpu.dma_semaphore, #tpu.memory_space<semaphore_mem>>)
      tpu.wait_dma2 semaphore(%run_scoped3A : memref<!tpu.dma_semaphore, #tpu.memory_space<semaphore_mem>>) src(%arg4 : memref<128x128xf32, #tpu.memory_space<hbm>>) dst(%arg7 : memref<128x128xf32, #tpu.memory_space<vmem>>)
      tpu.yield
    }) : () -> ()
    "tpu.region"() ({
      %run_scoped3A = tpu.sem_alloc : memref<!tpu.dma_semaphore, #tpu.memory_space<semaphore_mem>>
      %dma_start3A = arith.constant 0 : i32
      %dma_start3A_14 = arith.constant 0 : i32
      %dma_start3A_15 = tpu.memref_slice %arg2[%add3A, %dma_start3A, %dma_start3A_14] : memref<32x80x128xi32, #tpu.memory_space<hbm>> -> memref<1x80x128xi32, #tpu.memory_space<hbm>>
      %dma_start3A_16 = tpu.memref_squeeze %dma_start3A_15 : memref<1x80x128xi32, #tpu.memory_space<hbm>> -> memref<80x128xi32, #tpu.memory_space<hbm>>
      %dma_start3A_17 = arith.constant 0 : i32
      %dma_start3A_18 = arith.constant 0 : i32
      %dma_start3A_19 = tpu.memref_slice %arg2[%add3A, %dma_start3A_17, %dma_start3A_18] : memref<32x80x128xi32, #tpu.memory_space<hbm>> -> memref<1x80x128xi32, #tpu.memory_space<hbm>>
      %dma_start3A_20 = tpu.memref_squeeze %dma_start3A_19 : memref<1x80x128xi32, #tpu.memory_space<hbm>> -> memref<80x128xi32, #tpu.memory_space<hbm>>
      tpu.enqueue_dma source(%dma_start3A_20 : memref<80x128xi32, #tpu.memory_space<hbm>>) target(%arg6 : memref<80x128xi32, #tpu.memory_space<vmem>>) target_semaphore(%run_scoped3A : memref<!tpu.dma_semaphore, #tpu.memory_space<semaphore_mem>>)
      %dma_wait3A = arith.constant 0 : i32
      %dma_wait3A_21 = arith.constant 0 : i32
      %dma_wait3A_22 = tpu.memref_slice %arg2[%add3A, %dma_wait3A, %dma_wait3A_21] : memref<32x80x128xi32, #tpu.memory_space<hbm>> -> memref<1x80x128xi32, #tpu.memory_space<hbm>>
      %dma_wait3A_23 = tpu.memref_squeeze %dma_wait3A_22 : memref<1x80x128xi32, #tpu.memory_space<hbm>> -> memref<80x128xi32, #tpu.memory_space<hbm>>
      %dma_wait3A_24 = arith.constant 0 : i32
      %dma_wait3A_25 = arith.constant 0 : i32
      %dma_wait3A_26 = tpu.memref_slice %arg2[%add3A, %dma_wait3A_24, %dma_wait3A_25] : memref<32x80x128xi32, #tpu.memory_space<hbm>> -> memref<1x80x128xi32, #tpu.memory_space<hbm>>
      %dma_wait3A_27 = tpu.memref_squeeze %dma_wait3A_26 : memref<1x80x128xi32, #tpu.memory_space<hbm>> -> memref<80x128xi32, #tpu.memory_space<hbm>>
      tpu.wait_dma2 semaphore(%run_scoped3A : memref<!tpu.dma_semaphore, #tpu.memory_space<semaphore_mem>>) src(%dma_wait3A_27 : memref<80x128xi32, #tpu.memory_space<hbm>>) dst(%arg6 : memref<80x128xi32, #tpu.memory_space<vmem>>)
      tpu.yield
    }) : () -> ()
    %barrier3A = arith.constant 0 : index
    tpu.barrier barrier_id(%barrier3A)
    %scan3A = arith.constant 0 : i32
    %scan3A_5 = arith.constant 80 : i32
    %scan3A_6 = arith.addi %scan3A, %scan3A_5 : i32
    %scan3A_7 = arith.constant 1 : i32
    scf.for %scan3A_14 = %scan3A to %scan3A_6 step %scan3A_7  : i32 {
      %mul3A_15 = arith.constant 1 : i32
      %mul3A_16 = arith.muli %scan3A_14, %mul3A_15 : i32
      %add3A_17 = arith.constant 0 : i32
      %add3A_18 = arith.addi %add3A_17, %mul3A_16 : i32
      "tpu.region"() ({
        %run_scoped3A = tpu.sem_alloc : memref<!tpu.dma_semaphore, #tpu.memory_space<semaphore_mem>>
        %dma_start3A = arith.constant 0 : i32
        %dma_start3A_19 = tpu.memref_slice %arg6[%add3A_18, %dma_start3A] : memref<80x128xi32, #tpu.memory_space<vmem>> -> memref<1x128xi32, #tpu.memory_space<vmem>>
        %dma_start3A_20 = tpu.memref_squeeze %dma_start3A_19 : memref<1x128xi32, #tpu.memory_space<vmem>> -> memref<128xi32, #tpu.memory_space<vmem>>
        %dma_start3A_21 = arith.constant 0 : i32
        %dma_start3A_22 = arith.constant 0 : i32
        %dma_start3A_23 = tpu.memref_slice %arg8[%dma_start3A_21, %dma_start3A_22] : memref<10240x128xf32, #tpu.memory_space<vmem_shared>> -> memref<10240x128xf32, #tpu.memory_space<vmem_shared>>
        tpu.enqueue_indirect_dma source(%arg7 : memref<128x128xf32, #tpu.memory_space<vmem>>) target(%dma_start3A_23 : memref<10240x128xf32, #tpu.memory_space<vmem_shared>>) offsets(%dma_start3A_20 : memref<128xi32, #tpu.memory_space<vmem>>) semaphore(%run_scoped3A : memref<!tpu.dma_semaphore, #tpu.memory_space<semaphore_mem>>) {add = true}
        %dma_wait3A = arith.constant 0 : i32
        %dma_wait3A_24 = tpu.memref_slice %arg6[%add3A_18, %dma_wait3A] : memref<80x128xi32, #tpu.memory_space<vmem>> -> memref<1x128xi32, #tpu.memory_space<vmem>>
        %dma_wait3A_25 = tpu.memref_squeeze %dma_wait3A_24 : memref<1x128xi32, #tpu.memory_space<vmem>> -> memref<128xi32, #tpu.memory_space<vmem>>
        %dma_wait3A_26 = arith.constant 0 : i32
        %dma_wait3A_27 = arith.constant 0 : i32
        %dma_wait3A_28 = tpu.memref_slice %arg8[%dma_wait3A_26, %dma_wait3A_27] : memref<10240x128xf32, #tpu.memory_space<vmem_shared>> -> memref<10240x128xf32, #tpu.memory_space<vmem_shared>>
        tpu.wait_indirect_dma semaphore(%run_scoped3A : memref<!tpu.dma_semaphore, #tpu.memory_space<semaphore_mem>>) src(%arg7 : memref<128x128xf32, #tpu.memory_space<vmem>>) dst(%dma_wait3A_28 : memref<10240x128xf32, #tpu.memory_space<vmem_shared>>)
        tpu.yield
      }) : () -> ()
    }
    %scan3A_8 = arith.constant 80 : i32
    %barrier3A_9 = arith.constant 0 : index
    tpu.barrier barrier_id(%barrier3A_9)
    %mul3A_10 = arith.constant 640 : i32
    %mul3A_11 = arith.muli %arg1, %mul3A_10 : i32
    %mul3A_12 = arith.constant 640 : i32
    %mul3A_13 = arith.muli %arg1, %mul3A_12 : i32
    "tpu.region"() ({
      %run_scoped3A = tpu.sem_alloc : memref<!tpu.dma_semaphore, #tpu.memory_space<semaphore_mem>>
      %dma_start3A = arith.constant 0 : i32
      %dma_start3A_14 = arith.constant 0 : i32
      %dma_start3A_15 = tpu.memref_slice %arg5[%arg0, %dma_start3A, %dma_start3A_14] : memref<2x10240x128xf32, #tpu.memory_space<hbm>> -> memref<1x10240x128xf32, #tpu.memory_space<hbm>>
      %dma_start3A_16 = tpu.memref_squeeze %dma_start3A_15 : memref<1x10240x128xf32, #tpu.memory_space<hbm>> -> memref<10240x128xf32, #tpu.memory_space<hbm>>
      %dma_start3A_17 = arith.constant 0 : i32
      %dma_start3A_18 = tpu.memref_slice %dma_start3A_16[%mul3A_13, %dma_start3A_17] : memref<10240x128xf32, #tpu.memory_space<hbm>> -> memref<640x128xf32, #tpu.memory_space<hbm>>
      %dma_start3A_19 = arith.constant 0 : i32
      %dma_start3A_20 = tpu.memref_slice %arg8[%mul3A_11, %dma_start3A_19] : memref<10240x128xf32, #tpu.memory_space<vmem_shared>> -> memref<640x128xf32, #tpu.memory_space<vmem_shared>>
      tpu.enqueue_dma source(%dma_start3A_20 : memref<640x128xf32, #tpu.memory_space<vmem_shared>>) target(%dma_start3A_18 : memref<640x128xf32, #tpu.memory_space<hbm>>) target_semaphore(%run_scoped3A : memref<!tpu.dma_semaphore, #tpu.memory_space<semaphore_mem>>)
      %dma_wait3A = arith.constant 0 : i32
      %dma_wait3A_21 = arith.constant 0 : i32
      %dma_wait3A_22 = tpu.memref_slice %arg5[%arg0, %dma_wait3A, %dma_wait3A_21] : memref<2x10240x128xf32, #tpu.memory_space<hbm>> -> memref<1x10240x128xf32, #tpu.memory_space<hbm>>
      %dma_wait3A_23 = tpu.memref_squeeze %dma_wait3A_22 : memref<1x10240x128xf32, #tpu.memory_space<hbm>> -> memref<10240x128xf32, #tpu.memory_space<hbm>>
      %dma_wait3A_24 = arith.constant 0 : i32
      %dma_wait3A_25 = tpu.memref_slice %dma_wait3A_23[%mul3A_13, %dma_wait3A_24] : memref<10240x128xf32, #tpu.memory_space<hbm>> -> memref<640x128xf32, #tpu.memory_space<hbm>>
      %dma_wait3A_26 = arith.constant 0 : i32
      %dma_wait3A_27 = tpu.memref_slice %arg8[%mul3A_11, %dma_wait3A_26] : memref<10240x128xf32, #tpu.memory_space<vmem_shared>> -> memref<640x128xf32, #tpu.memory_space<vmem_shared>>
      tpu.wait_dma2 semaphore(%run_scoped3A : memref<!tpu.dma_semaphore, #tpu.memory_space<semaphore_mem>>) src(%dma_wait3A_27 : memref<640x128xf32, #tpu.memory_space<vmem_shared>>) dst(%dma_wait3A_25 : memref<640x128xf32, #tpu.memory_space<hbm>>)
      tpu.yield
    }) : () -> ()
    return
  }
}

#map = affine_map<(d0, d1) -> (0, 0, 0)>
#map1 = affine_map<(d0, d1) -> (0, 0)>
module attributes {stable_mosaic.version = 14 : i64} {
  func.func @k(%arg0: i32, %arg1: i32, %arg2: memref<32x80x128xi32, #tpu.memory_space<hbm>>, %arg3: memref<10240x128xf32, #tpu.memory_space<hbm>>, %arg4: memref<128x128xf32, #tpu.memory_space<hbm>>, %arg5: memref<2x10240x128xf32, #tpu.memory_space<hbm>>, %arg6: memref<80x128xi32, #tpu.memory_space<vmem>>, %arg7: memref<128x128xf32, #tpu.memory_space<vmem>>, %arg8: memref<10240x128xf32, #tpu.memory_space<vmem_shared>>) attributes {dimension_semantics = [#tpu.dimension_semantics<core_parallel>, #tpu.dimension_semantics<subcore_parallel>], iteration_bounds = array<i64: 2, 16>, scalar_prefetch = 0 : i64, scratch_operands = 3 : i64, tpu.core_type = #tpu.core_type<sc_vector_subcore>, window_params = [{transform_indices = #map}, {transform_indices = #map1}, {transform_indices = #map1}, {transform_indices = #map}]} {
    %mul3A = arith.constant 2 : i32
    %mul3A_0 = arith.muli %arg1, %mul3A : i32
    %add3A = arith.addi %mul3A_0, %arg0 : i32
    %mul3A_1 = arith.constant 640 : i32
    %mul3A_2 = arith.muli %arg1, %mul3A_1 : i32
    %mul3A_3 = arith.constant 640 : i32
    %mul3A_4 = arith.muli %arg1, %mul3A_3 : i32
    "tpu.region"() ({
      %run_scoped3A = tpu.sem_alloc : memref<!tpu.dma_semaphore, #tpu.memory_space<semaphore_mem>>
      %dma_start3A = arith.constant 0 : i32
      %dma_start3A_14 = tpu.memref_slice %arg8[%mul3A_4, %dma_start3A] : memref<10240x128xf32, #tpu.memory_space<vmem_shared>> -> memref<640x128xf32, #tpu.memory_space<vmem_shared>>
      %dma_start3A_15 = arith.constant 0 : i32
      %dma_start3A_16 = tpu.memref_slice %arg3[%mul3A_2, %dma_start3A_15] : memref<10240x128xf32, #tpu.memory_space<hbm>> -> memref<640x128xf32, #tpu.memory_space<hbm>>
      tpu.enqueue_dma source(%dma_start3A_16 : memref<640x128xf32, #tpu.memory_space<hbm>>) target(%dma_start3A_14 : memref<640x128xf32, #tpu.memory_space<vmem_shared>>) target_semaphore(%run_scoped3A : memref<!tpu.dma_semaphore, #tpu.memory_space<semaphore_mem>>)
      %dma_wait3A = arith.constant 0 : i32
      %dma_wait3A_17 = tpu.memref_slice %arg8[%mul3A_4, %dma_wait3A] : memref<10240x128xf32, #tpu.memory_space<vmem_shared>> -> memref<640x128xf32, #tpu.memory_space<vmem_shared>>
      %dma_wait3A_18 = arith.constant 0 : i32
      %dma_wait3A_19 = tpu.memref_slice %arg3[%mul3A_2, %dma_wait3A_18] : memref<10240x128xf32, #tpu.memory_space<hbm>> -> memref<640x128xf32, #tpu.memory_space<hbm>>
      tpu.wait_dma2 semaphore(%run_scoped3A : memref<!tpu.dma_semaphore, #tpu.memory_space<semaphore_mem>>) src(%dma_wait3A_19 : memref<640x128xf32, #tpu.memory_space<hbm>>) dst(%dma_wait3A_17 : memref<640x128xf32, #tpu.memory_space<vmem_shared>>)
      tpu.yield
    }) : () -> ()
    "tpu.region"() ({
      %run_scoped3A = tpu.sem_alloc : memref<!tpu.dma_semaphore, #tpu.memory_space<semaphore_mem>>
      tpu.enqueue_dma source(%arg4 : memref<128x128xf32, #tpu.memory_space<hbm>>) target(%arg7 : memref<128x128xf32, #tpu.memory_space<vmem>>) target_semaphore(%run_scoped3A : memref<!tpu.dma_semaphore, #tpu.memory_space<semaphore_mem>>)
      tpu.wait_dma2 semaphore(%run_scoped3A : memref<!tpu.dma_semaphore, #tpu.memory_space<semaphore_mem>>) src(%arg4 : memref<128x128xf32, #tpu.memory_space<hbm>>) dst(%arg7 : memref<128x128xf32, #tpu.memory_space<vmem>>)
      tpu.yield
    }) : () -> ()
    "tpu.region"() ({
      %run_scoped3A = tpu.sem_alloc : memref<!tpu.dma_semaphore, #tpu.memory_space<semaphore_mem>>
      %dma_start3A = arith.constant 0 : i32
      %dma_start3A_14 = arith.constant 0 : i32
      %dma_start3A_15 = tpu.memref_slice %arg2[%add3A, %dma_start3A, %dma_start3A_14] : memref<32x80x128xi32, #tpu.memory_space<hbm>> -> memref<1x80x128xi32, #tpu.memory_space<hbm>>
      %dma_start3A_16 = tpu.memref_squeeze %dma_start3A_15 : memref<1x80x128xi32, #tpu.memory_space<hbm>> -> memref<80x128xi32, #tpu.memory_space<hbm>>
      %dma_start3A_17 = arith.constant 0 : i32
      %dma_start3A_18 = arith.constant 0 : i32
      %dma_start3A_19 = tpu.memref_slice %arg2[%add3A, %dma_start3A_17, %dma_start3A_18] : memref<32x80x128xi32, #tpu.memory_space<hbm>> -> memref<1x80x128xi32, #tpu.memory_space<hbm>>
      %dma_start3A_20 = tpu.memref_squeeze %dma_start3A_19 : memref<1x80x128xi32, #tpu.memory_space<hbm>> -> memref<80x128xi32, #tpu.memory_space<hbm>>
      tpu.enqueue_dma source(%dma_start3A_20 : memref<80x128xi32, #tpu.memory_space<hbm>>) target(%arg6 : memref<80x128xi32, #tpu.memory_space<vmem>>) target_semaphore(%run_scoped3A : memref<!tpu.dma_semaphore, #tpu.memory_space<semaphore_mem>>)
      %dma_wait3A = arith.constant 0 : i32
      %dma_wait3A_21 = arith.constant 0 : i32
      %dma_wait3A_22 = tpu.memref_slice %arg2[%add3A, %dma_wait3A, %dma_wait3A_21] : memref<32x80x128xi32, #tpu.memory_space<hbm>> -> memref<1x80x128xi32, #tpu.memory_space<hbm>>
      %dma_wait3A_23 = tpu.memref_squeeze %dma_wait3A_22 : memref<1x80x128xi32, #tpu.memory_space<hbm>> -> memref<80x128xi32, #tpu.memory_space<hbm>>
      %dma_wait3A_24 = arith.constant 0 : i32
      %dma_wait3A_25 = arith.constant 0 : i32
      %dma_wait3A_26 = tpu.memref_slice %arg2[%add3A, %dma_wait3A_24, %dma_wait3A_25] : memref<32x80x128xi32, #tpu.memory_space<hbm>> -> memref<1x80x128xi32, #tpu.memory_space<hbm>>
      %dma_wait3A_27 = tpu.memref_squeeze %dma_wait3A_26 : memref<1x80x128xi32, #tpu.memory_space<hbm>> -> memref<80x128xi32, #tpu.memory_space<hbm>>
      tpu.wait_dma2 semaphore(%run_scoped3A : memref<!tpu.dma_semaphore, #tpu.memory_space<semaphore_mem>>) src(%dma_wait3A_27 : memref<80x128xi32, #tpu.memory_space<hbm>>) dst(%arg6 : memref<80x128xi32, #tpu.memory_space<vmem>>)
      tpu.yield
    }) : () -> ()
    %barrier3A = arith.constant 0 : index
    tpu.barrier barrier_id(%barrier3A)
    %scan3A = arith.constant 0 : i32
    %scan3A_5 = arith.constant 80 : i32
    %scan3A_6 = arith.addi %scan3A, %scan3A_5 : i32
    %scan3A_7 = arith.constant 1 : i32
    scf.for %scan3A_14 = %scan3A to %scan3A_6 step %scan3A_7  : i32 {
      %mul3A_15 = arith.constant 1 : i32
      %mul3A_16 = arith.muli %scan3A_14, %mul3A_15 : i32
      %add3A_17 = arith.constant 0 : i32
      %add3A_18 = arith.addi %add3A_17, %mul3A_16 : i32
      "tpu.region"() ({
        %run_scoped3A = tpu.sem_alloc : memref<!tpu.dma_semaphore, #tpu.memory_space<semaphore_mem>>
        %dma_start3A = arith.constant 0 : i32
        %dma_start3A_19 = tpu.memref_slice %arg6[%add3A_18, %dma_start3A] : memref<80x128xi32, #tpu.memory_space<vmem>> -> memref<1x128xi32, #tpu.memory_space<vmem>>
        %dma_start3A_20 = tpu.memref_squeeze %dma_start3A_19 : memref<1x128xi32, #tpu.memory_space<vmem>> -> memref<128xi32, #tpu.memory_space<vmem>>
        %dma_start3A_21 = arith.constant 0 : i32
        %dma_start3A_22 = arith.constant 0 : i32
        %dma_start3A_23 = tpu.memref_slice %arg8[%dma_start3A_21, %dma_start3A_22] : memref<10240x128xf32, #tpu.memory_space<vmem_shared>> -> memref<10240x128xf32, #tpu.memory_space<vmem_shared>>
        tpu.enqueue_indirect_dma source(%arg7 : memref<128x128xf32, #tpu.memory_space<vmem>>) target(%dma_start3A_23 : memref<10240x128xf32, #tpu.memory_space<vmem_shared>>) offsets(%dma_start3A_20 : memref<128xi32, #tpu.memory_space<vmem>>) semaphore(%run_scoped3A : memref<!tpu.dma_semaphore, #tpu.memory_space<semaphore_mem>>) {add = true}
        %dma_wait3A = arith.constant 0 : i32
        %dma_wait3A_24 = tpu.memref_slice %arg6[%add3A_18, %dma_wait3A] : memref<80x128xi32, #tpu.memory_space<vmem>> -> memref<1x128xi32, #tpu.memory_space<vmem>>
        %dma_wait3A_25 = tpu.memref_squeeze %dma_wait3A_24 : memref<1x128xi32, #tpu.memory_space<vmem>> -> memref<128xi32, #tpu.memory_space<vmem>>
        %dma_wait3A_26 = arith.constant 0 : i32
        %dma_wait3A_27 = arith.constant 0 : i32
        %dma_wait3A_28 = tpu.memref_slice %arg8[%dma_wait3A_26, %dma_wait3A_27] : memref<10240x128xf32, #tpu.memory_space<vmem_shared>> -> memref<10240x128xf32, #tpu.memory_space<vmem_shared>>
        tpu.wait_indirect_dma semaphore(%run_scoped3A : memref<!tpu.dma_semaphore, #tpu.memory_space<semaphore_mem>>) src(%arg7 : memref<128x128xf32, #tpu.memory_space<vmem>>) dst(%dma_wait3A_28 : memref<10240x128xf32, #tpu.memory_space<vmem_shared>>)
        tpu.yield
      }) : () -> ()
    }
    %scan3A_8 = arith.constant 80 : i32
    %barrier3A_9 = arith.constant 0 : index
    tpu.barrier barrier_id(%barrier3A_9)
    %mul3A_10 = arith.constant 640 : i32
    %mul3A_11 = arith.muli %arg1, %mul3A_10 : i32
    %mul3A_12 = arith.constant 640 : i32
    %mul3A_13 = arith.muli %arg1, %mul3A_12 : i32
    "tpu.region"() ({
      %run_scoped3A = tpu.sem_alloc : memref<!tpu.dma_semaphore, #tpu.memory_space<semaphore_mem>>
      %dma_start3A = arith.constant 0 : i32
      %dma_start3A_14 = arith.constant 0 : i32
      %dma_start3A_15 = tpu.memref_slice %arg5[%arg0, %dma_start3A, %dma_start3A_14] : memref<2x10240x128xf32, #tpu.memory_space<hbm>> -> memref<1x10240x128xf32, #tpu.memory_space<hbm>>
      %dma_start3A_16 = tpu.memref_squeeze %dma_start3A_15 : memref<1x10240x128xf32, #tpu.memory_space<hbm>> -> memref<10240x128xf32, #tpu.memory_space<hbm>>
      %dma_start3A_17 = arith.constant 0 : i32
      %dma_start3A_18 = tpu.memref_slice %dma_start3A_16[%mul3A_13, %dma_start3A_17] : memref<10240x128xf32, #tpu.memory_space<hbm>> -> memref<640x128xf32, #tpu.memory_space<hbm>>
      %dma_start3A_19 = arith.constant 0 : i32
      %dma_start3A_20 = tpu.memref_slice %arg8[%mul3A_11, %dma_start3A_19] : memref<10240x128xf32, #tpu.memory_space<vmem_shared>> -> memref<640x128xf32, #tpu.memory_space<vmem_shared>>
      tpu.enqueue_dma source(%dma_start3A_20 : memref<640x128xf32, #tpu.memory_space<vmem_shared>>) target(%dma_start3A_18 : memref<640x128xf32, #tpu.memory_space<hbm>>) target_semaphore(%run_scoped3A : memref<!tpu.dma_semaphore, #tpu.memory_space<semaphore_mem>>)
      %dma_wait3A = arith.constant 0 : i32
      %dma_wait3A_21 = arith.constant 0 : i32
      %dma_wait3A_22 = tpu.memref_slice %arg5[%arg0, %dma_wait3A, %dma_wait3A_21] : memref<2x10240x128xf32, #tpu.memory_space<hbm>> -> memref<1x10240x128xf32, #tpu.memory_space<hbm>>
      %dma_wait3A_23 = tpu.memref_squeeze %dma_wait3A_22 : memref<1x10240x128xf32, #tpu.memory_space<hbm>> -> memref<10240x128xf32, #tpu.memory_space<hbm>>
      %dma_wait3A_24 = arith.constant 0 : i32
      %dma_wait3A_25 = tpu.memref_slice %dma_wait3A_23[%mul3A_13, %dma_wait3A_24] : memref<10240x128xf32, #tpu.memory_space<hbm>> -> memref<640x128xf32, #tpu.memory_space<hbm>>
      %dma_wait3A_26 = arith.constant 0 : i32
      %dma_wait3A_27 = tpu.memref_slice %arg8[%mul3A_11, %dma_wait3A_26] : memref<10240x128xf32, #tpu.memory_space<vmem_shared>> -> memref<640x128xf32, #tpu.memory_space<vmem_shared>>
      tpu.wait_dma2 semaphore(%run_scoped3A : memref<!tpu.dma_semaphore, #tpu.memory_space<semaphore_mem>>) src(%dma_wait3A_27 : memref<640x128xf32, #tpu.memory_space<vmem_shared>>) dst(%dma_wait3A_25 : memref<640x128xf32, #tpu.memory_space<hbm>>)
      tpu.yield
    }) : () -> ()
    return
  }
}

#map = affine_map<(d0, d1) -> (0, 0)>
#map1 = affine_map<(d0, d1) -> (0, 0, 0)>
module attributes {stable_mosaic.version = 14 : i64} {
  func.func @k(%arg0: i32, %arg1: i32, %arg2: memref<10240x128xf32, #tpu.memory_space<hbm>>, %arg3: memref<32x80x128xi32, #tpu.memory_space<hbm>>, %arg4: memref<32x80x128xi32, #tpu.memory_space<hbm>>, %arg5: memref<10240x128xf32, #tpu.memory_space<hbm>>, %arg6: memref<2x10240x128xf32, #tpu.memory_space<hbm>>, %arg7: memref<16x128xi32, #tpu.memory_space<vmem>>, %arg8: memref<16x128xi32, #tpu.memory_space<vmem>>, %arg9: memref<2x128x128xf32, #tpu.memory_space<vmem>>, %arg10: memref<10240x128xf32, #tpu.memory_space<vmem_shared>>, %arg11: memref<!tpu.dma_semaphore, #tpu.memory_space<semaphore_mem>>, %arg12: memref<!tpu.dma_semaphore, #tpu.memory_space<semaphore_mem>>) attributes {dimension_semantics = [#tpu.dimension_semantics<core_parallel>, #tpu.dimension_semantics<subcore_parallel>], iteration_bounds = array<i64: 2, 16>, scalar_prefetch = 0 : i64, scratch_operands = 6 : i64, tpu.core_type = #tpu.core_type<sc_vector_subcore>, window_params = [{transform_indices = #map}, {transform_indices = #map1}, {transform_indices = #map1}, {transform_indices = #map}, {transform_indices = #map1}]} {
    %mul3A = arith.constant 2 : i32
    %mul3A_0 = arith.muli %arg1, %mul3A : i32
    %add3A = arith.addi %mul3A_0, %arg0 : i32
    %mul3A_1 = arith.constant 640 : i32
    %mul3A_2 = arith.muli %arg1, %mul3A_1 : i32
    %mul3A_3 = arith.constant 640 : i32
    %mul3A_4 = arith.muli %arg1, %mul3A_3 : i32
    "tpu.region"() ({
      %run_scoped3A = tpu.sem_alloc : memref<!tpu.dma_semaphore, #tpu.memory_space<semaphore_mem>>
      %dma_start3A = arith.constant 0 : i32
      %dma_start3A_14 = tpu.memref_slice %arg10[%mul3A_4, %dma_start3A] : memref<10240x128xf32, #tpu.memory_space<vmem_shared>> -> memref<640x128xf32, #tpu.memory_space<vmem_shared>>
      %dma_start3A_15 = arith.constant 0 : i32
      %dma_start3A_16 = tpu.memref_slice %arg5[%mul3A_2, %dma_start3A_15] : memref<10240x128xf32, #tpu.memory_space<hbm>> -> memref<640x128xf32, #tpu.memory_space<hbm>>
      tpu.enqueue_dma source(%dma_start3A_16 : memref<640x128xf32, #tpu.memory_space<hbm>>) target(%dma_start3A_14 : memref<640x128xf32, #tpu.memory_space<vmem_shared>>) target_semaphore(%run_scoped3A : memref<!tpu.dma_semaphore, #tpu.memory_space<semaphore_mem>>)
      %dma_wait3A = arith.constant 0 : i32
      %dma_wait3A_17 = tpu.memref_slice %arg10[%mul3A_4, %dma_wait3A] : memref<10240x128xf32, #tpu.memory_space<vmem_shared>> -> memref<640x128xf32, #tpu.memory_space<vmem_shared>>
      %dma_wait3A_18 = arith.constant 0 : i32
      %dma_wait3A_19 = tpu.memref_slice %arg5[%mul3A_2, %dma_wait3A_18] : memref<10240x128xf32, #tpu.memory_space<hbm>> -> memref<640x128xf32, #tpu.memory_space<hbm>>
      tpu.wait_dma2 semaphore(%run_scoped3A : memref<!tpu.dma_semaphore, #tpu.memory_space<semaphore_mem>>) src(%dma_wait3A_19 : memref<640x128xf32, #tpu.memory_space<hbm>>) dst(%dma_wait3A_17 : memref<640x128xf32, #tpu.memory_space<vmem_shared>>)
      tpu.yield
    }) : () -> ()
    %barrier3A = arith.constant 0 : index
    tpu.barrier barrier_id(%barrier3A)
    %scan3A = arith.constant 0 : i32
    %scan3A_5 = arith.constant 5 : i32
    %scan3A_6 = arith.addi %scan3A, %scan3A_5 : i32
    %scan3A_7 = arith.constant 1 : i32
    scf.for %scan3A_14 = %scan3A to %scan3A_6 step %scan3A_7  : i32 {
      %mul3A_15 = arith.constant 1 : i32
      %mul3A_16 = arith.muli %scan3A_14, %mul3A_15 : i32
      %add3A_17 = arith.constant 0 : i32
      %add3A_18 = arith.addi %add3A_17, %mul3A_16 : i32
      %mul3A_19 = arith.constant 16 : i32
      %mul3A_20 = arith.muli %add3A_18, %mul3A_19 : i32
      "tpu.region"() ({
        %run_scoped3A_301 = tpu.sem_alloc : memref<!tpu.dma_semaphore, #tpu.memory_space<semaphore_mem>>
        %dma_start3A_302 = arith.constant 0 : i32
        %dma_start3A_303 = arith.constant 0 : i32
        %dma_start3A_304 = tpu.memref_slice %arg3[%add3A, %dma_start3A_302, %dma_start3A_303] : memref<32x80x128xi32, #tpu.memory_space<hbm>> -> memref<1x80x128xi32, #tpu.memory_space<hbm>>
        %dma_start3A_305 = tpu.memref_squeeze %dma_start3A_304 : memref<1x80x128xi32, #tpu.memory_space<hbm>> -> memref<80x128xi32, #tpu.memory_space<hbm>>
        %dma_start3A_306 = arith.constant 0 : i32
        %dma_start3A_307 = tpu.memref_slice %dma_start3A_305[%mul3A_20, %dma_start3A_306] : memref<80x128xi32, #tpu.memory_space<hbm>> -> memref<16x128xi32, #tpu.memory_space<hbm>>
        %dma_start3A_308 = arith.constant 0 : i32
        %dma_start3A_309 = arith.constant 0 : i32
        %dma_start3A_310 = tpu.memref_slice %arg3[%add3A, %dma_start3A_308, %dma_start3A_309] : memref<32x80x128xi32, #tpu.memory_space<hbm>> -> memref<1x80x128xi32, #tpu.memory_space<hbm>>
        %dma_start3A_311 = tpu.memref_squeeze %dma_start3A_310 : memref<1x80x128xi32, #tpu.memory_space<hbm>> -> memref<80x128xi32, #tpu.memory_space<hbm>>
        %dma_start3A_312 = arith.constant 0 : i32
        %dma_start3A_313 = tpu.memref_slice %dma_start3A_311[%mul3A_20, %dma_start3A_312] : memref<80x128xi32, #tpu.memory_space<hbm>> -> memref<16x128xi32, #tpu.memory_space<hbm>>
        tpu.enqueue_dma source(%dma_start3A_313 : memref<16x128xi32, #tpu.memory_space<hbm>>) target(%arg7 : memref<16x128xi32, #tpu.memory_space<vmem>>) target_semaphore(%run_scoped3A_301 : memref<!tpu.dma_semaphore, #tpu.memory_space<semaphore_mem>>)
        %dma_wait3A_314 = arith.constant 0 : i32
        %dma_wait3A_315 = arith.constant 0 : i32
        %dma_wait3A_316 = tpu.memref_slice %arg3[%add3A, %dma_wait3A_314, %dma_wait3A_315] : memref<32x80x128xi32, #tpu.memory_space<hbm>> -> memref<1x80x128xi32, #tpu.memory_space<hbm>>
        %dma_wait3A_317 = tpu.memref_squeeze %dma_wait3A_316 : memref<1x80x128xi32, #tpu.memory_space<hbm>> -> memref<80x128xi32, #tpu.memory_space<hbm>>
        %dma_wait3A_318 = arith.constant 0 : i32
        %dma_wait3A_319 = tpu.memref_slice %dma_wait3A_317[%mul3A_20, %dma_wait3A_318] : memref<80x128xi32, #tpu.memory_space<hbm>> -> memref<16x128xi32, #tpu.memory_space<hbm>>
        %dma_wait3A_320 = arith.constant 0 : i32
        %dma_wait3A_321 = arith.constant 0 : i32
        %dma_wait3A_322 = tpu.memref_slice %arg3[%add3A, %dma_wait3A_320, %dma_wait3A_321] : memref<32x80x128xi32, #tpu.memory_space<hbm>> -> memref<1x80x128xi32, #tpu.memory_space<hbm>>
        %dma_wait3A_323 = tpu.memref_squeeze %dma_wait3A_322 : memref<1x80x128xi32, #tpu.memory_space<hbm>> -> memref<80x128xi32, #tpu.memory_space<hbm>>
        %dma_wait3A_324 = arith.constant 0 : i32
        %dma_wait3A_325 = tpu.memref_slice %dma_wait3A_323[%mul3A_20, %dma_wait3A_324] : memref<80x128xi32, #tpu.memory_space<hbm>> -> memref<16x128xi32, #tpu.memory_space<hbm>>
        tpu.wait_dma2 semaphore(%run_scoped3A_301 : memref<!tpu.dma_semaphore, #tpu.memory_space<semaphore_mem>>) src(%dma_wait3A_325 : memref<16x128xi32, #tpu.memory_space<hbm>>) dst(%arg7 : memref<16x128xi32, #tpu.memory_space<vmem>>)
        tpu.yield
      }) : () -> ()
      %mul3A_21 = arith.constant 16 : i32
      %mul3A_22 = arith.muli %add3A_18, %mul3A_21 : i32
      "tpu.region"() ({
        %run_scoped3A_301 = tpu.sem_alloc : memref<!tpu.dma_semaphore, #tpu.memory_space<semaphore_mem>>
        %dma_start3A_302 = arith.constant 0 : i32
        %dma_start3A_303 = arith.constant 0 : i32
        %dma_start3A_304 = tpu.memref_slice %arg4[%add3A, %dma_start3A_302, %dma_start3A_303] : memref<32x80x128xi32, #tpu.memory_space<hbm>> -> memref<1x80x128xi32, #tpu.memory_space<hbm>>
        %dma_start3A_305 = tpu.memref_squeeze %dma_start3A_304 : memref<1x80x128xi32, #tpu.memory_space<hbm>> -> memref<80x128xi32, #tpu.memory_space<hbm>>
        %dma_start3A_306 = arith.constant 0 : i32
        %dma_start3A_307 = tpu.memref_slice %dma_start3A_305[%mul3A_22, %dma_start3A_306] : memref<80x128xi32, #tpu.memory_space<hbm>> -> memref<16x128xi32, #tpu.memory_space<hbm>>
        %dma_start3A_308 = arith.constant 0 : i32
        %dma_start3A_309 = arith.constant 0 : i32
        %dma_start3A_310 = tpu.memref_slice %arg4[%add3A, %dma_start3A_308, %dma_start3A_309] : memref<32x80x128xi32, #tpu.memory_space<hbm>> -> memref<1x80x128xi32, #tpu.memory_space<hbm>>
        %dma_start3A_311 = tpu.memref_squeeze %dma_start3A_310 : memref<1x80x128xi32, #tpu.memory_space<hbm>> -> memref<80x128xi32, #tpu.memory_space<hbm>>
        %dma_start3A_312 = arith.constant 0 : i32
        %dma_start3A_313 = tpu.memref_slice %dma_start3A_311[%mul3A_22, %dma_start3A_312] : memref<80x128xi32, #tpu.memory_space<hbm>> -> memref<16x128xi32, #tpu.memory_space<hbm>>
        tpu.enqueue_dma source(%dma_start3A_313 : memref<16x128xi32, #tpu.memory_space<hbm>>) target(%arg8 : memref<16x128xi32, #tpu.memory_space<vmem>>) target_semaphore(%run_scoped3A_301 : memref<!tpu.dma_semaphore, #tpu.memory_space<semaphore_mem>>)
        %dma_wait3A_314 = arith.constant 0 : i32
        %dma_wait3A_315 = arith.constant 0 : i32
        %dma_wait3A_316 = tpu.memref_slice %arg4[%add3A, %dma_wait3A_314, %dma_wait3A_315] : memref<32x80x128xi32, #tpu.memory_space<hbm>> -> memref<1x80x128xi32, #tpu.memory_space<hbm>>
        %dma_wait3A_317 = tpu.memref_squeeze %dma_wait3A_316 : memref<1x80x128xi32, #tpu.memory_space<hbm>> -> memref<80x128xi32, #tpu.memory_space<hbm>>
        %dma_wait3A_318 = arith.constant 0 : i32
        %dma_wait3A_319 = tpu.memref_slice %dma_wait3A_317[%mul3A_22, %dma_wait3A_318] : memref<80x128xi32, #tpu.memory_space<hbm>> -> memref<16x128xi32, #tpu.memory_space<hbm>>
        %dma_wait3A_320 = arith.constant 0 : i32
        %dma_wait3A_321 = arith.constant 0 : i32
        %dma_wait3A_322 = tpu.memref_slice %arg4[%add3A, %dma_wait3A_320, %dma_wait3A_321] : memref<32x80x128xi32, #tpu.memory_space<hbm>> -> memref<1x80x128xi32, #tpu.memory_space<hbm>>
        %dma_wait3A_323 = tpu.memref_squeeze %dma_wait3A_322 : memref<1x80x128xi32, #tpu.memory_space<hbm>> -> memref<80x128xi32, #tpu.memory_space<hbm>>
        %dma_wait3A_324 = arith.constant 0 : i32
        %dma_wait3A_325 = tpu.memref_slice %dma_wait3A_323[%mul3A_22, %dma_wait3A_324] : memref<80x128xi32, #tpu.memory_space<hbm>> -> memref<16x128xi32, #tpu.memory_space<hbm>>
        tpu.wait_dma2 semaphore(%run_scoped3A_301 : memref<!tpu.dma_semaphore, #tpu.memory_space<semaphore_mem>>) src(%dma_wait3A_325 : memref<16x128xi32, #tpu.memory_space<hbm>>) dst(%arg8 : memref<16x128xi32, #tpu.memory_space<vmem>>)
        tpu.yield
      }) : () -> ()
      %dma_start3A = arith.constant 0 : i32
      %dma_start3A_23 = arith.constant 0 : i32
      %dma_start3A_24 = arith.constant 0 : i32
      %dma_start3A_25 = arith.constant 0 : i32
      %dma_start3A_26 = tpu.memref_slice %arg9[%dma_start3A_23, %dma_start3A_24, %dma_start3A_25] : memref<2x128x128xf32, #tpu.memory_space<vmem>> -> memref<1x128x128xf32, #tpu.memory_space<vmem>>
      %dma_start3A_27 = tpu.memref_squeeze %dma_start3A_26 : memref<1x128x128xf32, #tpu.memory_space<vmem>> -> memref<128x128xf32, #tpu.memory_space<vmem>>
      %dma_start3A_28 = arith.constant 0 : i32
      %dma_start3A_29 = arith.constant 0 : i32
      %dma_start3A_30 = tpu.memref_slice %dma_start3A_27[%dma_start3A_28, %dma_start3A_29] : memref<128x128xf32, #tpu.memory_space<vmem>> -> memref<32x128xf32, #tpu.memory_space<vmem>>
      %dma_start3A_31 = arith.constant 0 : i32
      %dma_start3A_32 = tpu.memref_slice %arg7[%dma_start3A, %dma_start3A_31] : memref<16x128xi32, #tpu.memory_space<vmem>> -> memref<1x128xi32, #tpu.memory_space<vmem>>
      %dma_start3A_33 = tpu.memref_squeeze %dma_start3A_32 : memref<1x128xi32, #tpu.memory_space<vmem>> -> memref<128xi32, #tpu.memory_space<vmem>>
      %dma_start3A_34 = arith.constant 0 : i32
      %dma_start3A_35 = tpu.memref_slice %dma_start3A_33[%dma_start3A_34] : memref<128xi32, #tpu.memory_space<vmem>> -> memref<32xi32, #tpu.memory_space<vmem>>
      %dma_start3A_36 = arith.constant 0 : i32
      %dma_start3A_37 = arith.constant 0 : i32
      %dma_start3A_38 = tpu.memref_slice %arg2[%dma_start3A_36, %dma_start3A_37] : memref<10240x128xf32, #tpu.memory_space<hbm>> -> memref<10240x128xf32, #tpu.memory_space<hbm>>
      tpu.enqueue_indirect_dma source(%dma_start3A_38 : memref<10240x128xf32, #tpu.memory_space<hbm>>) target(%dma_start3A_30 : memref<32x128xf32, #tpu.memory_space<vmem>>) offsets(%dma_start3A_35 : memref<32xi32, #tpu.memory_space<vmem>>) semaphore(%arg11 : memref<!tpu.dma_semaphore, #tpu.memory_space<semaphore_mem>>)
      %dma_start3A_39 = arith.constant 0 : i32
      %dma_start3A_40 = arith.constant 0 : i32
      %dma_start3A_41 = arith.constant 0 : i32
      %dma_start3A_42 = arith.constant 0 : i32
      %dma_start3A_43 = tpu.memref_slice %arg9[%dma_start3A_40, %dma_start3A_41, %dma_start3A_42] : memref<2x128x128xf32, #tpu.memory_space<vmem>> -> memref<1x128x128xf32, #tpu.memory_space<vmem>>
      %dma_start3A_44 = tpu.memref_squeeze %dma_start3A_43 : memref<1x128x128xf32, #tpu.memory_space<vmem>> -> memref<128x128xf32, #tpu.memory_space<vmem>>
      %dma_start3A_45 = arith.constant 32 : i32
      %dma_start3A_46 = arith.constant 0 : i32
      %dma_start3A_47 = tpu.memref_slice %dma_start3A_44[%dma_start3A_45, %dma_start3A_46] : memref<128x128xf32, #tpu.memory_space<vmem>> -> memref<32x128xf32, #tpu.memory_space<vmem>>
      %dma_start3A_48 = arith.constant 0 : i32
      %dma_start3A_49 = tpu.memref_slice %arg7[%dma_start3A_39, %dma_start3A_48] : memref<16x128xi32, #tpu.memory_space<vmem>> -> memref<1x128xi32, #tpu.memory_space<vmem>>
      %dma_start3A_50 = tpu.memref_squeeze %dma_start3A_49 : memref<1x128xi32, #tpu.memory_space<vmem>> -> memref<128xi32, #tpu.memory_space<vmem>>
      %dma_start3A_51 = arith.constant 32 : i32
      %dma_start3A_52 = tpu.memref_slice %dma_start3A_50[%dma_start3A_51] : memref<128xi32, #tpu.memory_space<vmem>> -> memref<32xi32, #tpu.memory_space<vmem>>
      %dma_start3A_53 = arith.constant 0 : i32
      %dma_start3A_54 = arith.constant 0 : i32
      %dma_start3A_55 = tpu.memref_slice %arg2[%dma_start3A_53, %dma_start3A_54] : memref<10240x128xf32, #tpu.memory_space<hbm>> -> memref<10240x128xf32, #tpu.memory_space<hbm>>
      tpu.enqueue_indirect_dma source(%dma_start3A_55 : memref<10240x128xf32, #tpu.memory_space<hbm>>) target(%dma_start3A_47 : memref<32x128xf32, #tpu.memory_space<vmem>>) offsets(%dma_start3A_52 : memref<32xi32, #tpu.memory_space<vmem>>) semaphore(%arg11 : memref<!tpu.dma_semaphore, #tpu.memory_space<semaphore_mem>>)
      %dma_start3A_56 = arith.constant 0 : i32
      %dma_start3A_57 = arith.constant 0 : i32
      %dma_start3A_58 = arith.constant 0 : i32
      %dma_start3A_59 = arith.constant 0 : i32
      %dma_start3A_60 = tpu.memref_slice %arg9[%dma_start3A_57, %dma_start3A_58, %dma_start3A_59] : memref<2x128x128xf32, #tpu.memory_space<vmem>> -> memref<1x128x128xf32, #tpu.memory_space<vmem>>
      %dma_start3A_61 = tpu.memref_squeeze %dma_start3A_60 : memref<1x128x128xf32, #tpu.memory_space<vmem>> -> memref<128x128xf32, #tpu.memory_space<vmem>>
      %dma_start3A_62 = arith.constant 64 : i32
      %dma_start3A_63 = arith.constant 0 : i32
      %dma_start3A_64 = tpu.memref_slice %dma_start3A_61[%dma_start3A_62, %dma_start3A_63] : memref<128x128xf32, #tpu.memory_space<vmem>> -> memref<32x128xf32, #tpu.memory_space<vmem>>
      %dma_start3A_65 = arith.constant 0 : i32
      %dma_start3A_66 = tpu.memref_slice %arg7[%dma_start3A_56, %dma_start3A_65] : memref<16x128xi32, #tpu.memory_space<vmem>> -> memref<1x128xi32, #tpu.memory_space<vmem>>
      %dma_start3A_67 = tpu.memref_squeeze %dma_start3A_66 : memref<1x128xi32, #tpu.memory_space<vmem>> -> memref<128xi32, #tpu.memory_space<vmem>>
      %dma_start3A_68 = arith.constant 64 : i32
      %dma_start3A_69 = tpu.memref_slice %dma_start3A_67[%dma_start3A_68] : memref<128xi32, #tpu.memory_space<vmem>> -> memref<32xi32, #tpu.memory_space<vmem>>
      %dma_start3A_70 = arith.constant 0 : i32
      %dma_start3A_71 = arith.constant 0 : i32
      %dma_start3A_72 = tpu.memref_slice %arg2[%dma_start3A_70, %dma_start3A_71] : memref<10240x128xf32, #tpu.memory_space<hbm>> -> memref<10240x128xf32, #tpu.memory_space<hbm>>
      tpu.enqueue_indirect_dma source(%dma_start3A_72 : memref<10240x128xf32, #tpu.memory_space<hbm>>) target(%dma_start3A_64 : memref<32x128xf32, #tpu.memory_space<vmem>>) offsets(%dma_start3A_69 : memref<32xi32, #tpu.memory_space<vmem>>) semaphore(%arg11 : memref<!tpu.dma_semaphore, #tpu.memory_space<semaphore_mem>>)
      %dma_start3A_73 = arith.constant 0 : i32
      %dma_start3A_74 = arith.constant 0 : i32
      %dma_start3A_75 = arith.constant 0 : i32
      %dma_start3A_76 = arith.constant 0 : i32
      %dma_start3A_77 = tpu.memref_slice %arg9[%dma_start3A_74, %dma_start3A_75, %dma_start3A_76] : memref<2x128x128xf32, #tpu.memory_space<vmem>> -> memref<1x128x128xf32, #tpu.memory_space<vmem>>
      %dma_start3A_78 = tpu.memref_squeeze %dma_start3A_77 : memref<1x128x128xf32, #tpu.memory_space<vmem>> -> memref<128x128xf32, #tpu.memory_space<vmem>>
      %dma_start3A_79 = arith.constant 96 : i32
      %dma_start3A_80 = arith.constant 0 : i32
      %dma_start3A_81 = tpu.memref_slice %dma_start3A_78[%dma_start3A_79, %dma_start3A_80] : memref<128x128xf32, #tpu.memory_space<vmem>> -> memref<32x128xf32, #tpu.memory_space<vmem>>
      %dma_start3A_82 = arith.constant 0 : i32
      %dma_start3A_83 = tpu.memref_slice %arg7[%dma_start3A_73, %dma_start3A_82] : memref<16x128xi32, #tpu.memory_space<vmem>> -> memref<1x128xi32, #tpu.memory_space<vmem>>
      %dma_start3A_84 = tpu.memref_squeeze %dma_start3A_83 : memref<1x128xi32, #tpu.memory_space<vmem>> -> memref<128xi32, #tpu.memory_space<vmem>>
      %dma_start3A_85 = arith.constant 96 : i32
      %dma_start3A_86 = tpu.memref_slice %dma_start3A_84[%dma_start3A_85] : memref<128xi32, #tpu.memory_space<vmem>> -> memref<32xi32, #tpu.memory_space<vmem>>
      %dma_start3A_87 = arith.constant 0 : i32
      %dma_start3A_88 = arith.constant 0 : i32
      %dma_start3A_89 = tpu.memref_slice %arg2[%dma_start3A_87, %dma_start3A_88] : memref<10240x128xf32, #tpu.memory_space<hbm>> -> memref<10240x128xf32, #tpu.memory_space<hbm>>
      tpu.enqueue_indirect_dma source(%dma_start3A_89 : memref<10240x128xf32, #tpu.memory_space<hbm>>) target(%dma_start3A_81 : memref<32x128xf32, #tpu.memory_space<vmem>>) offsets(%dma_start3A_86 : memref<32xi32, #tpu.memory_space<vmem>>) semaphore(%arg11 : memref<!tpu.dma_semaphore, #tpu.memory_space<semaphore_mem>>)
      %scan3A_90 = arith.constant 0 : i32
      %scan3A_91 = arith.constant 7 : i32
      %scan3A_92 = arith.addi %scan3A_90, %scan3A_91 : i32
      %scan3A_93 = arith.constant 1 : i32
      scf.for %scan3A_301 = %scan3A_90 to %scan3A_92 step %scan3A_93  : i32 {
        %mul3A_302 = arith.constant 2 : i32
        %mul3A_303 = arith.muli %scan3A_301, %mul3A_302 : i32
        %add3A_304 = arith.constant 0 : i32
        %add3A_305 = arith.addi %add3A_304, %mul3A_303 : i32
        %add3A_306 = arith.constant 1 : i32
        %add3A_307 = arith.addi %add3A_305, %add3A_306 : i32
        %dma_start3A_308 = arith.constant 1 : i32
        %dma_start3A_309 = arith.constant 0 : i32
        %dma_start3A_310 = arith.constant 0 : i32
        %dma_start3A_311 = tpu.memref_slice %arg9[%dma_start3A_308, %dma_start3A_309, %dma_start3A_310] : memref<2x128x128xf32, #tpu.memory_space<vmem>> -> memref<1x128x128xf32, #tpu.memory_space<vmem>>
        %dma_start3A_312 = tpu.memref_squeeze %dma_start3A_311 : memref<1x128x128xf32, #tpu.memory_space<vmem>> -> memref<128x128xf32, #tpu.memory_space<vmem>>
        %dma_start3A_313 = arith.constant 0 : i32
        %dma_start3A_314 = arith.constant 0 : i32
        %dma_start3A_315 = tpu.memref_slice %dma_start3A_312[%dma_start3A_313, %dma_start3A_314] : memref<128x128xf32, #tpu.memory_space<vmem>> -> memref<32x128xf32, #tpu.memory_space<vmem>>
        %dma_start3A_316 = arith.constant 0 : i32
        %dma_start3A_317 = tpu.memref_slice %arg7[%add3A_307, %dma_start3A_316] : memref<16x128xi32, #tpu.memory_space<vmem>> -> memref<1x128xi32, #tpu.memory_space<vmem>>
        %dma_start3A_318 = tpu.memref_squeeze %dma_start3A_317 : memref<1x128xi32, #tpu.memory_space<vmem>> -> memref<128xi32, #tpu.memory_space<vmem>>
        %dma_start3A_319 = arith.constant 0 : i32
        %dma_start3A_320 = tpu.memref_slice %dma_start3A_318[%dma_start3A_319] : memref<128xi32, #tpu.memory_space<vmem>> -> memref<32xi32, #tpu.memory_space<vmem>>
        %dma_start3A_321 = arith.constant 0 : i32
        %dma_start3A_322 = arith.constant 0 : i32
        %dma_start3A_323 = tpu.memref_slice %arg2[%dma_start3A_321, %dma_start3A_322] : memref<10240x128xf32, #tpu.memory_space<hbm>> -> memref<10240x128xf32, #tpu.memory_space<hbm>>
        tpu.enqueue_indirect_dma source(%dma_start3A_323 : memref<10240x128xf32, #tpu.memory_space<hbm>>) target(%dma_start3A_315 : memref<32x128xf32, #tpu.memory_space<vmem>>) offsets(%dma_start3A_320 : memref<32xi32, #tpu.memory_space<vmem>>) semaphore(%arg12 : memref<!tpu.dma_semaphore, #tpu.memory_space<semaphore_mem>>)
        %dma_start3A_324 = arith.constant 1 : i32
        %dma_start3A_325 = arith.constant 0 : i32
        %dma_start3A_326 = arith.constant 0 : i32
        %dma_start3A_327 = tpu.memref_slice %arg9[%dma_start3A_324, %dma_start3A_325, %dma_start3A_326] : memref<2x128x128xf32, #tpu.memory_space<vmem>> -> memref<1x128x128xf32, #tpu.memory_space<vmem>>
        %dma_start3A_328 = tpu.memref_squeeze %dma_start3A_327 : memref<1x128x128xf32, #tpu.memory_space<vmem>> -> memref<128x128xf32, #tpu.memory_space<vmem>>
        %dma_start3A_329 = arith.constant 32 : i32
        %dma_start3A_330 = arith.constant 0 : i32
        %dma_start3A_331 = tpu.memref_slice %dma_start3A_328[%dma_start3A_329, %dma_start3A_330] : memref<128x128xf32, #tpu.memory_space<vmem>> -> memref<32x128xf32, #tpu.memory_space<vmem>>
        %dma_start3A_332 = arith.constant 0 : i32
        %dma_start3A_333 = tpu.memref_slice %arg7[%add3A_307, %dma_start3A_332] : memref<16x128xi32, #tpu.memory_space<vmem>> -> memref<1x128xi32, #tpu.memory_space<vmem>>
        %dma_start3A_334 = tpu.memref_squeeze %dma_start3A_333 : memref<1x128xi32, #tpu.memory_space<vmem>> -> memref<128xi32, #tpu.memory_space<vmem>>
        %dma_start3A_335 = arith.constant 32 : i32
        %dma_start3A_336 = tpu.memref_slice %dma_start3A_334[%dma_start3A_335] : memref<128xi32, #tpu.memory_space<vmem>> -> memref<32xi32, #tpu.memory_space<vmem>>
        %dma_start3A_337 = arith.constant 0 : i32
        %dma_start3A_338 = arith.constant 0 : i32
        %dma_start3A_339 = tpu.memref_slice %arg2[%dma_start3A_337, %dma_start3A_338] : memref<10240x128xf32, #tpu.memory_space<hbm>> -> memref<10240x128xf32, #tpu.memory_space<hbm>>
        tpu.enqueue_indirect_dma source(%dma_start3A_339 : memref<10240x128xf32, #tpu.memory_space<hbm>>) target(%dma_start3A_331 : memref<32x128xf32, #tpu.memory_space<vmem>>) offsets(%dma_start3A_336 : memref<32xi32, #tpu.memory_space<vmem>>) semaphore(%arg12 : memref<!tpu.dma_semaphore, #tpu.memory_space<semaphore_mem>>)
        %dma_start3A_340 = arith.constant 1 : i32
        %dma_start3A_341 = arith.constant 0 : i32
        %dma_start3A_342 = arith.constant 0 : i32
        %dma_start3A_343 = tpu.memref_slice %arg9[%dma_start3A_340, %dma_start3A_341, %dma_start3A_342] : memref<2x128x128xf32, #tpu.memory_space<vmem>> -> memref<1x128x128xf32, #tpu.memory_space<vmem>>
        %dma_start3A_344 = tpu.memref_squeeze %dma_start3A_343 : memref<1x128x128xf32, #tpu.memory_space<vmem>> -> memref<128x128xf32, #tpu.memory_space<vmem>>
        %dma_start3A_345 = arith.constant 64 : i32
        %dma_start3A_346 = arith.constant 0 : i32
        %dma_start3A_347 = tpu.memref_slice %dma_start3A_344[%dma_start3A_345, %dma_start3A_346] : memref<128x128xf32, #tpu.memory_space<vmem>> -> memref<32x128xf32, #tpu.memory_space<vmem>>
        %dma_start3A_348 = arith.constant 0 : i32
        %dma_start3A_349 = tpu.memref_slice %arg7[%add3A_307, %dma_start3A_348] : memref<16x128xi32, #tpu.memory_space<vmem>> -> memref<1x128xi32, #tpu.memory_space<vmem>>
        %dma_start3A_350 = tpu.memref_squeeze %dma_start3A_349 : memref<1x128xi32, #tpu.memory_space<vmem>> -> memref<128xi32, #tpu.memory_space<vmem>>
        %dma_start3A_351 = arith.constant 64 : i32
        %dma_start3A_352 = tpu.memref_slice %dma_start3A_350[%dma_start3A_351] : memref<128xi32, #tpu.memory_space<vmem>> -> memref<32xi32, #tpu.memory_space<vmem>>
        %dma_start3A_353 = arith.constant 0 : i32
        %dma_start3A_354 = arith.constant 0 : i32
        %dma_start3A_355 = tpu.memref_slice %arg2[%dma_start3A_353, %dma_start3A_354] : memref<10240x128xf32, #tpu.memory_space<hbm>> -> memref<10240x128xf32, #tpu.memory_space<hbm>>
        tpu.enqueue_indirect_dma source(%dma_start3A_355 : memref<10240x128xf32, #tpu.memory_space<hbm>>) target(%dma_start3A_347 : memref<32x128xf32, #tpu.memory_space<vmem>>) offsets(%dma_start3A_352 : memref<32xi32, #tpu.memory_space<vmem>>) semaphore(%arg12 : memref<!tpu.dma_semaphore, #tpu.memory_space<semaphore_mem>>)
        %dma_start3A_356 = arith.constant 1 : i32
        %dma_start3A_357 = arith.constant 0 : i32
        %dma_start3A_358 = arith.constant 0 : i32
        %dma_start3A_359 = tpu.memref_slice %arg9[%dma_start3A_356, %dma_start3A_357, %dma_start3A_358] : memref<2x128x128xf32, #tpu.memory_space<vmem>> -> memref<1x128x128xf32, #tpu.memory_space<vmem>>
        %dma_start3A_360 = tpu.memref_squeeze %dma_start3A_359 : memref<1x128x128xf32, #tpu.memory_space<vmem>> -> memref<128x128xf32, #tpu.memory_space<vmem>>
        %dma_start3A_361 = arith.constant 96 : i32
        %dma_start3A_362 = arith.constant 0 : i32
        %dma_start3A_363 = tpu.memref_slice %dma_start3A_360[%dma_start3A_361, %dma_start3A_362] : memref<128x128xf32, #tpu.memory_space<vmem>> -> memref<32x128xf32, #tpu.memory_space<vmem>>
        %dma_start3A_364 = arith.constant 0 : i32
        %dma_start3A_365 = tpu.memref_slice %arg7[%add3A_307, %dma_start3A_364] : memref<16x128xi32, #tpu.memory_space<vmem>> -> memref<1x128xi32, #tpu.memory_space<vmem>>
        %dma_start3A_366 = tpu.memref_squeeze %dma_start3A_365 : memref<1x128xi32, #tpu.memory_space<vmem>> -> memref<128xi32, #tpu.memory_space<vmem>>
        %dma_start3A_367 = arith.constant 96 : i32
        %dma_start3A_368 = tpu.memref_slice %dma_start3A_366[%dma_start3A_367] : memref<128xi32, #tpu.memory_space<vmem>> -> memref<32xi32, #tpu.memory_space<vmem>>
        %dma_start3A_369 = arith.constant 0 : i32
        %dma_start3A_370 = arith.constant 0 : i32
        %dma_start3A_371 = tpu.memref_slice %arg2[%dma_start3A_369, %dma_start3A_370] : memref<10240x128xf32, #tpu.memory_space<hbm>> -> memref<10240x128xf32, #tpu.memory_space<hbm>>
        tpu.enqueue_indirect_dma source(%dma_start3A_371 : memref<10240x128xf32, #tpu.memory_space<hbm>>) target(%dma_start3A_363 : memref<32x128xf32, #tpu.memory_space<vmem>>) offsets(%dma_start3A_368 : memref<32xi32, #tpu.memory_space<vmem>>) semaphore(%arg12 : memref<!tpu.dma_semaphore, #tpu.memory_space<semaphore_mem>>)
        %dma_wait3A_372 = arith.constant 0 : i32
        %dma_wait3A_373 = arith.constant 0 : i32
        %dma_wait3A_374 = arith.constant 0 : i32
        %dma_wait3A_375 = tpu.memref_slice %arg9[%dma_wait3A_372, %dma_wait3A_373, %dma_wait3A_374] : memref<2x128x128xf32, #tpu.memory_space<vmem>> -> memref<1x128x128xf32, #tpu.memory_space<vmem>>
        %dma_wait3A_376 = tpu.memref_squeeze %dma_wait3A_375 : memref<1x128x128xf32, #tpu.memory_space<vmem>> -> memref<128x128xf32, #tpu.memory_space<vmem>>
        %dma_wait3A_377 = arith.constant 0 : i32
        %dma_wait3A_378 = arith.constant 0 : i32
        %dma_wait3A_379 = tpu.memref_slice %dma_wait3A_376[%dma_wait3A_377, %dma_wait3A_378] : memref<128x128xf32, #tpu.memory_space<vmem>> -> memref<32x128xf32, #tpu.memory_space<vmem>>
        %dma_wait3A_380 = arith.constant 0 : i32
        %dma_wait3A_381 = tpu.memref_slice %arg7[%add3A_305, %dma_wait3A_380] : memref<16x128xi32, #tpu.memory_space<vmem>> -> memref<1x128xi32, #tpu.memory_space<vmem>>
        %dma_wait3A_382 = tpu.memref_squeeze %dma_wait3A_381 : memref<1x128xi32, #tpu.memory_space<vmem>> -> memref<128xi32, #tpu.memory_space<vmem>>
        %dma_wait3A_383 = arith.constant 0 : i32
        %dma_wait3A_384 = tpu.memref_slice %dma_wait3A_382[%dma_wait3A_383] : memref<128xi32, #tpu.memory_space<vmem>> -> memref<32xi32, #tpu.memory_space<vmem>>
        %dma_wait3A_385 = arith.constant 0 : i32
        %dma_wait3A_386 = arith.constant 0 : i32
        %dma_wait3A_387 = tpu.memref_slice %arg2[%dma_wait3A_385, %dma_wait3A_386] : memref<10240x128xf32, #tpu.memory_space<hbm>> -> memref<10240x128xf32, #tpu.memory_space<hbm>>
        tpu.wait_indirect_dma semaphore(%arg11 : memref<!tpu.dma_semaphore, #tpu.memory_space<semaphore_mem>>) src(%dma_wait3A_387 : memref<10240x128xf32, #tpu.memory_space<hbm>>) dst(%dma_wait3A_379 : memref<32x128xf32, #tpu.memory_space<vmem>>)
        %dma_wait3A_388 = arith.constant 0 : i32
        %dma_wait3A_389 = arith.constant 0 : i32
        %dma_wait3A_390 = arith.constant 0 : i32
        %dma_wait3A_391 = tpu.memref_slice %arg9[%dma_wait3A_388, %dma_wait3A_389, %dma_wait3A_390] : memref<2x128x128xf32, #tpu.memory_space<vmem>> -> memref<1x128x128xf32, #tpu.memory_space<vmem>>
        %dma_wait3A_392 = tpu.memref_squeeze %dma_wait3A_391 : memref<1x128x128xf32, #tpu.memory_space<vmem>> -> memref<128x128xf32, #tpu.memory_space<vmem>>
        %dma_wait3A_393 = arith.constant 32 : i32
        %dma_wait3A_394 = arith.constant 0 : i32
        %dma_wait3A_395 = tpu.memref_slice %dma_wait3A_392[%dma_wait3A_393, %dma_wait3A_394] : memref<128x128xf32, #tpu.memory_space<vmem>> -> memref<32x128xf32, #tpu.memory_space<vmem>>
        %dma_wait3A_396 = arith.constant 0 : i32
        %dma_wait3A_397 = tpu.memref_slice %arg7[%add3A_305, %dma_wait3A_396] : memref<16x128xi32, #tpu.memory_space<vmem>> -> memref<1x128xi32, #tpu.memory_space<vmem>>
        %dma_wait3A_398 = tpu.memref_squeeze %dma_wait3A_397 : memref<1x128xi32, #tpu.memory_space<vmem>> -> memref<128xi32, #tpu.memory_space<vmem>>
        %dma_wait3A_399 = arith.constant 32 : i32
        %dma_wait3A_400 = tpu.memref_slice %dma_wait3A_398[%dma_wait3A_399] : memref<128xi32, #tpu.memory_space<vmem>> -> memref<32xi32, #tpu.memory_space<vmem>>
        %dma_wait3A_401 = arith.constant 0 : i32
        %dma_wait3A_402 = arith.constant 0 : i32
        %dma_wait3A_403 = tpu.memref_slice %arg2[%dma_wait3A_401, %dma_wait3A_402] : memref<10240x128xf32, #tpu.memory_space<hbm>> -> memref<10240x128xf32, #tpu.memory_space<hbm>>
        tpu.wait_indirect_dma semaphore(%arg11 : memref<!tpu.dma_semaphore, #tpu.memory_space<semaphore_mem>>) src(%dma_wait3A_403 : memref<10240x128xf32, #tpu.memory_space<hbm>>) dst(%dma_wait3A_395 : memref<32x128xf32, #tpu.memory_space<vmem>>)
        %dma_wait3A_404 = arith.constant 0 : i32
        %dma_wait3A_405 = arith.constant 0 : i32
        %dma_wait3A_406 = arith.constant 0 : i32
        %dma_wait3A_407 = tpu.memref_slice %arg9[%dma_wait3A_404, %dma_wait3A_405, %dma_wait3A_406] : memref<2x128x128xf32, #tpu.memory_space<vmem>> -> memref<1x128x128xf32, #tpu.memory_space<vmem>>
        %dma_wait3A_408 = tpu.memref_squeeze %dma_wait3A_407 : memref<1x128x128xf32, #tpu.memory_space<vmem>> -> memref<128x128xf32, #tpu.memory_space<vmem>>
        %dma_wait3A_409 = arith.constant 64 : i32
        %dma_wait3A_410 = arith.constant 0 : i32
        %dma_wait3A_411 = tpu.memref_slice %dma_wait3A_408[%dma_wait3A_409, %dma_wait3A_410] : memref<128x128xf32, #tpu.memory_space<vmem>> -> memref<32x128xf32, #tpu.memory_space<vmem>>
        %dma_wait3A_412 = arith.constant 0 : i32
        %dma_wait3A_413 = tpu.memref_slice %arg7[%add3A_305, %dma_wait3A_412] : memref<16x128xi32, #tpu.memory_space<vmem>> -> memref<1x128xi32, #tpu.memory_space<vmem>>
        %dma_wait3A_414 = tpu.memref_squeeze %dma_wait3A_413 : memref<1x128xi32, #tpu.memory_space<vmem>> -> memref<128xi32, #tpu.memory_space<vmem>>
        %dma_wait3A_415 = arith.constant 64 : i32
        %dma_wait3A_416 = tpu.memref_slice %dma_wait3A_414[%dma_wait3A_415] : memref<128xi32, #tpu.memory_space<vmem>> -> memref<32xi32, #tpu.memory_space<vmem>>
        %dma_wait3A_417 = arith.constant 0 : i32
        %dma_wait3A_418 = arith.constant 0 : i32
        %dma_wait3A_419 = tpu.memref_slice %arg2[%dma_wait3A_417, %dma_wait3A_418] : memref<10240x128xf32, #tpu.memory_space<hbm>> -> memref<10240x128xf32, #tpu.memory_space<hbm>>
        tpu.wait_indirect_dma semaphore(%arg11 : memref<!tpu.dma_semaphore, #tpu.memory_space<semaphore_mem>>) src(%dma_wait3A_419 : memref<10240x128xf32, #tpu.memory_space<hbm>>) dst(%dma_wait3A_411 : memref<32x128xf32, #tpu.memory_space<vmem>>)
        %dma_wait3A_420 = arith.constant 0 : i32
        %dma_wait3A_421 = arith.constant 0 : i32
        %dma_wait3A_422 = arith.constant 0 : i32
        %dma_wait3A_423 = tpu.memref_slice %arg9[%dma_wait3A_420, %dma_wait3A_421, %dma_wait3A_422] : memref<2x128x128xf32, #tpu.memory_space<vmem>> -> memref<1x128x128xf32, #tpu.memory_space<vmem>>
        %dma_wait3A_424 = tpu.memref_squeeze %dma_wait3A_423 : memref<1x128x128xf32, #tpu.memory_space<vmem>> -> memref<128x128xf32, #tpu.memory_space<vmem>>
        %dma_wait3A_425 = arith.constant 96 : i32
        %dma_wait3A_426 = arith.constant 0 : i32
        %dma_wait3A_427 = tpu.memref_slice %dma_wait3A_424[%dma_wait3A_425, %dma_wait3A_426] : memref<128x128xf32, #tpu.memory_space<vmem>> -> memref<32x128xf32, #tpu.memory_space<vmem>>
        %dma_wait3A_428 = arith.constant 0 : i32
        %dma_wait3A_429 = tpu.memref_slice %arg7[%add3A_305, %dma_wait3A_428] : memref<16x128xi32, #tpu.memory_space<vmem>> -> memref<1x128xi32, #tpu.memory_space<vmem>>
        %dma_wait3A_430 = tpu.memref_squeeze %dma_wait3A_429 : memref<1x128xi32, #tpu.memory_space<vmem>> -> memref<128xi32, #tpu.memory_space<vmem>>
        %dma_wait3A_431 = arith.constant 96 : i32
        %dma_wait3A_432 = tpu.memref_slice %dma_wait3A_430[%dma_wait3A_431] : memref<128xi32, #tpu.memory_space<vmem>> -> memref<32xi32, #tpu.memory_space<vmem>>
        %dma_wait3A_433 = arith.constant 0 : i32
        %dma_wait3A_434 = arith.constant 0 : i32
        %dma_wait3A_435 = tpu.memref_slice %arg2[%dma_wait3A_433, %dma_wait3A_434] : memref<10240x128xf32, #tpu.memory_space<hbm>> -> memref<10240x128xf32, #tpu.memory_space<hbm>>
        tpu.wait_indirect_dma semaphore(%arg11 : memref<!tpu.dma_semaphore, #tpu.memory_space<semaphore_mem>>) src(%dma_wait3A_435 : memref<10240x128xf32, #tpu.memory_space<hbm>>) dst(%dma_wait3A_427 : memref<32x128xf32, #tpu.memory_space<vmem>>)
        %run_scoped3A_436 = arith.constant 0 : i32
        "tpu.region"() ({
          %run_scoped3A_572 = tpu.sem_alloc : memref<!tpu.dma_semaphore, #tpu.memory_space<semaphore_mem>>
          %dma_start3A_573 = arith.constant 0 : i32
          %dma_start3A_574 = arith.constant 0 : i32
          %dma_start3A_575 = tpu.memref_slice %arg9[%run_scoped3A_436, %dma_start3A_573, %dma_start3A_574] : memref<2x128x128xf32, #tpu.memory_space<vmem>> -> memref<1x128x128xf32, #tpu.memory_space<vmem>>
          %dma_start3A_576 = tpu.memref_squeeze %dma_start3A_575 : memref<1x128x128xf32, #tpu.memory_space<vmem>> -> memref<128x128xf32, #tpu.memory_space<vmem>>
          %dma_start3A_577 = arith.constant 0 : i32
          %dma_start3A_578 = tpu.memref_slice %arg8[%add3A_305, %dma_start3A_577] : memref<16x128xi32, #tpu.memory_space<vmem>> -> memref<1x128xi32, #tpu.memory_space<vmem>>
          %dma_start3A_579 = tpu.memref_squeeze %dma_start3A_578 : memref<1x128xi32, #tpu.memory_space<vmem>> -> memref<128xi32, #tpu.memory_space<vmem>>
          %dma_start3A_580 = arith.constant 0 : i32
          %dma_start3A_581 = arith.constant 0 : i32
          %dma_start3A_582 = tpu.memref_slice %arg10[%dma_start3A_580, %dma_start3A_581] : memref<10240x128xf32, #tpu.memory_space<vmem_shared>> -> memref<10240x128xf32, #tpu.memory_space<vmem_shared>>
          tpu.enqueue_indirect_dma source(%dma_start3A_576 : memref<128x128xf32, #tpu.memory_space<vmem>>) target(%dma_start3A_582 : memref<10240x128xf32, #tpu.memory_space<vmem_shared>>) offsets(%dma_start3A_579 : memref<128xi32, #tpu.memory_space<vmem>>) semaphore(%run_scoped3A_572 : memref<!tpu.dma_semaphore, #tpu.memory_space<semaphore_mem>>) {add = true}
          %dma_wait3A_583 = arith.constant 0 : i32
          %dma_wait3A_584 = arith.constant 0 : i32
          %dma_wait3A_585 = tpu.memref_slice %arg9[%run_scoped3A_436, %dma_wait3A_583, %dma_wait3A_584] : memref<2x128x128xf32, #tpu.memory_space<vmem>> -> memref<1x128x128xf32, #tpu.memory_space<vmem>>
          %dma_wait3A_586 = tpu.memref_squeeze %dma_wait3A_585 : memref<1x128x128xf32, #tpu.memory_space<vmem>> -> memref<128x128xf32, #tpu.memory_space<vmem>>
          %dma_wait3A_587 = arith.constant 0 : i32
          %dma_wait3A_588 = tpu.memref_slice %arg8[%add3A_305, %dma_wait3A_587] : memref<16x128xi32, #tpu.memory_space<vmem>> -> memref<1x128xi32, #tpu.memory_space<vmem>>
          %dma_wait3A_589 = tpu.memref_squeeze %dma_wait3A_588 : memref<1x128xi32, #tpu.memory_space<vmem>> -> memref<128xi32, #tpu.memory_space<vmem>>
          %dma_wait3A_590 = arith.constant 0 : i32
          %dma_wait3A_591 = arith.constant 0 : i32
          %dma_wait3A_592 = tpu.memref_slice %arg10[%dma_wait3A_590, %dma_wait3A_591] : memref<10240x128xf32, #tpu.memory_space<vmem_shared>> -> memref<10240x128xf32, #tpu.memory_space<vmem_shared>>
          tpu.wait_indirect_dma semaphore(%run_scoped3A_572 : memref<!tpu.dma_semaphore, #tpu.memory_space<semaphore_mem>>) src(%dma_wait3A_586 : memref<128x128xf32, #tpu.memory_space<vmem>>) dst(%dma_wait3A_592 : memref<10240x128xf32, #tpu.memory_space<vmem_shared>>)
          tpu.yield
        }) : () -> ()
        %add3A_437 = arith.constant 2 : i32
        %add3A_438 = arith.addi %add3A_305, %add3A_437 : i32
        %dma_start3A_439 = arith.constant 0 : i32
        %dma_start3A_440 = arith.constant 0 : i32
        %dma_start3A_441 = arith.constant 0 : i32
        %dma_start3A_442 = tpu.memref_slice %arg9[%dma_start3A_439, %dma_start3A_440, %dma_start3A_441] : memref<2x128x128xf32, #tpu.memory_space<vmem>> -> memref<1x128x128xf32, #tpu.memory_space<vmem>>
        %dma_start3A_443 = tpu.memref_squeeze %dma_start3A_442 : memref<1x128x128xf32, #tpu.memory_space<vmem>> -> memref<128x128xf32, #tpu.memory_space<vmem>>
        %dma_start3A_444 = arith.constant 0 : i32
        %dma_start3A_445 = arith.constant 0 : i32
        %dma_start3A_446 = tpu.memref_slice %dma_start3A_443[%dma_start3A_444, %dma_start3A_445] : memref<128x128xf32, #tpu.memory_space<vmem>> -> memref<32x128xf32, #tpu.memory_space<vmem>>
        %dma_start3A_447 = arith.constant 0 : i32
        %dma_start3A_448 = tpu.memref_slice %arg7[%add3A_438, %dma_start3A_447] : memref<16x128xi32, #tpu.memory_space<vmem>> -> memref<1x128xi32, #tpu.memory_space<vmem>>
        %dma_start3A_449 = tpu.memref_squeeze %dma_start3A_448 : memref<1x128xi32, #tpu.memory_space<vmem>> -> memref<128xi32, #tpu.memory_space<vmem>>
        %dma_start3A_450 = arith.constant 0 : i32
        %dma_start3A_451 = tpu.memref_slice %dma_start3A_449[%dma_start3A_450] : memref<128xi32, #tpu.memory_space<vmem>> -> memref<32xi32, #tpu.memory_space<vmem>>
        %dma_start3A_452 = arith.constant 0 : i32
        %dma_start3A_453 = arith.constant 0 : i32
        %dma_start3A_454 = tpu.memref_slice %arg2[%dma_start3A_452, %dma_start3A_453] : memref<10240x128xf32, #tpu.memory_space<hbm>> -> memref<10240x128xf32, #tpu.memory_space<hbm>>
        tpu.enqueue_indirect_dma source(%dma_start3A_454 : memref<10240x128xf32, #tpu.memory_space<hbm>>) target(%dma_start3A_446 : memref<32x128xf32, #tpu.memory_space<vmem>>) offsets(%dma_start3A_451 : memref<32xi32, #tpu.memory_space<vmem>>) semaphore(%arg11 : memref<!tpu.dma_semaphore, #tpu.memory_space<semaphore_mem>>)
        %dma_start3A_455 = arith.constant 0 : i32
        %dma_start3A_456 = arith.constant 0 : i32
        %dma_start3A_457 = arith.constant 0 : i32
        %dma_start3A_458 = tpu.memref_slice %arg9[%dma_start3A_455, %dma_start3A_456, %dma_start3A_457] : memref<2x128x128xf32, #tpu.memory_space<vmem>> -> memref<1x128x128xf32, #tpu.memory_space<vmem>>
        %dma_start3A_459 = tpu.memref_squeeze %dma_start3A_458 : memref<1x128x128xf32, #tpu.memory_space<vmem>> -> memref<128x128xf32, #tpu.memory_space<vmem>>
        %dma_start3A_460 = arith.constant 32 : i32
        %dma_start3A_461 = arith.constant 0 : i32
        %dma_start3A_462 = tpu.memref_slice %dma_start3A_459[%dma_start3A_460, %dma_start3A_461] : memref<128x128xf32, #tpu.memory_space<vmem>> -> memref<32x128xf32, #tpu.memory_space<vmem>>
        %dma_start3A_463 = arith.constant 0 : i32
        %dma_start3A_464 = tpu.memref_slice %arg7[%add3A_438, %dma_start3A_463] : memref<16x128xi32, #tpu.memory_space<vmem>> -> memref<1x128xi32, #tpu.memory_space<vmem>>
        %dma_start3A_465 = tpu.memref_squeeze %dma_start3A_464 : memref<1x128xi32, #tpu.memory_space<vmem>> -> memref<128xi32, #tpu.memory_space<vmem>>
        %dma_start3A_466 = arith.constant 32 : i32
        %dma_start3A_467 = tpu.memref_slice %dma_start3A_465[%dma_start3A_466] : memref<128xi32, #tpu.memory_space<vmem>> -> memref<32xi32, #tpu.memory_space<vmem>>
        %dma_start3A_468 = arith.constant 0 : i32
        %dma_start3A_469 = arith.constant 0 : i32
        %dma_start3A_470 = tpu.memref_slice %arg2[%dma_start3A_468, %dma_start3A_469] : memref<10240x128xf32, #tpu.memory_space<hbm>> -> memref<10240x128xf32, #tpu.memory_space<hbm>>
        tpu.enqueue_indirect_dma source(%dma_start3A_470 : memref<10240x128xf32, #tpu.memory_space<hbm>>) target(%dma_start3A_462 : memref<32x128xf32, #tpu.memory_space<vmem>>) offsets(%dma_start3A_467 : memref<32xi32, #tpu.memory_space<vmem>>) semaphore(%arg11 : memref<!tpu.dma_semaphore, #tpu.memory_space<semaphore_mem>>)
        %dma_start3A_471 = arith.constant 0 : i32
        %dma_start3A_472 = arith.constant 0 : i32
        %dma_start3A_473 = arith.constant 0 : i32
        %dma_start3A_474 = tpu.memref_slice %arg9[%dma_start3A_471, %dma_start3A_472, %dma_start3A_473] : memref<2x128x128xf32, #tpu.memory_space<vmem>> -> memref<1x128x128xf32, #tpu.memory_space<vmem>>
        %dma_start3A_475 = tpu.memref_squeeze %dma_start3A_474 : memref<1x128x128xf32, #tpu.memory_space<vmem>> -> memref<128x128xf32, #tpu.memory_space<vmem>>
        %dma_start3A_476 = arith.constant 64 : i32
        %dma_start3A_477 = arith.constant 0 : i32
        %dma_start3A_478 = tpu.memref_slice %dma_start3A_475[%dma_start3A_476, %dma_start3A_477] : memref<128x128xf32, #tpu.memory_space<vmem>> -> memref<32x128xf32, #tpu.memory_space<vmem>>
        %dma_start3A_479 = arith.constant 0 : i32
        %dma_start3A_480 = tpu.memref_slice %arg7[%add3A_438, %dma_start3A_479] : memref<16x128xi32, #tpu.memory_space<vmem>> -> memref<1x128xi32, #tpu.memory_space<vmem>>
        %dma_start3A_481 = tpu.memref_squeeze %dma_start3A_480 : memref<1x128xi32, #tpu.memory_space<vmem>> -> memref<128xi32, #tpu.memory_space<vmem>>
        %dma_start3A_482 = arith.constant 64 : i32
        %dma_start3A_483 = tpu.memref_slice %dma_start3A_481[%dma_start3A_482] : memref<128xi32, #tpu.memory_space<vmem>> -> memref<32xi32, #tpu.memory_space<vmem>>
        %dma_start3A_484 = arith.constant 0 : i32
        %dma_start3A_485 = arith.constant 0 : i32
        %dma_start3A_486 = tpu.memref_slice %arg2[%dma_start3A_484, %dma_start3A_485] : memref<10240x128xf32, #tpu.memory_space<hbm>> -> memref<10240x128xf32, #tpu.memory_space<hbm>>
        tpu.enqueue_indirect_dma source(%dma_start3A_486 : memref<10240x128xf32, #tpu.memory_space<hbm>>) target(%dma_start3A_478 : memref<32x128xf32, #tpu.memory_space<vmem>>) offsets(%dma_start3A_483 : memref<32xi32, #tpu.memory_space<vmem>>) semaphore(%arg11 : memref<!tpu.dma_semaphore, #tpu.memory_space<semaphore_mem>>)
        %dma_start3A_487 = arith.constant 0 : i32
        %dma_start3A_488 = arith.constant 0 : i32
        %dma_start3A_489 = arith.constant 0 : i32
        %dma_start3A_490 = tpu.memref_slice %arg9[%dma_start3A_487, %dma_start3A_488, %dma_start3A_489] : memref<2x128x128xf32, #tpu.memory_space<vmem>> -> memref<1x128x128xf32, #tpu.memory_space<vmem>>
        %dma_start3A_491 = tpu.memref_squeeze %dma_start3A_490 : memref<1x128x128xf32, #tpu.memory_space<vmem>> -> memref<128x128xf32, #tpu.memory_space<vmem>>
        %dma_start3A_492 = arith.constant 96 : i32
        %dma_start3A_493 = arith.constant 0 : i32
        %dma_start3A_494 = tpu.memref_slice %dma_start3A_491[%dma_start3A_492, %dma_start3A_493] : memref<128x128xf32, #tpu.memory_space<vmem>> -> memref<32x128xf32, #tpu.memory_space<vmem>>
        %dma_start3A_495 = arith.constant 0 : i32
        %dma_start3A_496 = tpu.memref_slice %arg7[%add3A_438, %dma_start3A_495] : memref<16x128xi32, #tpu.memory_space<vmem>> -> memref<1x128xi32, #tpu.memory_space<vmem>>
        %dma_start3A_497 = tpu.memref_squeeze %dma_start3A_496 : memref<1x128xi32, #tpu.memory_space<vmem>> -> memref<128xi32, #tpu.memory_space<vmem>>
        %dma_start3A_498 = arith.constant 96 : i32
        %dma_start3A_499 = tpu.memref_slice %dma_start3A_497[%dma_start3A_498] : memref<128xi32, #tpu.memory_space<vmem>> -> memref<32xi32, #tpu.memory_space<vmem>>
        %dma_start3A_500 = arith.constant 0 : i32
        %dma_start3A_501 = arith.constant 0 : i32
        %dma_start3A_502 = tpu.memref_slice %arg2[%dma_start3A_500, %dma_start3A_501] : memref<10240x128xf32, #tpu.memory_space<hbm>> -> memref<10240x128xf32, #tpu.memory_space<hbm>>
        tpu.enqueue_indirect_dma source(%dma_start3A_502 : memref<10240x128xf32, #tpu.memory_space<hbm>>) target(%dma_start3A_494 : memref<32x128xf32, #tpu.memory_space<vmem>>) offsets(%dma_start3A_499 : memref<32xi32, #tpu.memory_space<vmem>>) semaphore(%arg11 : memref<!tpu.dma_semaphore, #tpu.memory_space<semaphore_mem>>)
        %add3A_503 = arith.constant 1 : i32
        %add3A_504 = arith.addi %add3A_305, %add3A_503 : i32
        %dma_wait3A_505 = arith.constant 1 : i32
        %dma_wait3A_506 = arith.constant 0 : i32
        %dma_wait3A_507 = arith.constant 0 : i32
        %dma_wait3A_508 = tpu.memref_slice %arg9[%dma_wait3A_505, %dma_wait3A_506, %dma_wait3A_507] : memref<2x128x128xf32, #tpu.memory_space<vmem>> -> memref<1x128x128xf32, #tpu.memory_space<vmem>>
        %dma_wait3A_509 = tpu.memref_squeeze %dma_wait3A_508 : memref<1x128x128xf32, #tpu.memory_space<vmem>> -> memref<128x128xf32, #tpu.memory_space<vmem>>
        %dma_wait3A_510 = arith.constant 0 : i32
        %dma_wait3A_511 = arith.constant 0 : i32
        %dma_wait3A_512 = tpu.memref_slice %dma_wait3A_509[%dma_wait3A_510, %dma_wait3A_511] : memref<128x128xf32, #tpu.memory_space<vmem>> -> memref<32x128xf32, #tpu.memory_space<vmem>>
        %dma_wait3A_513 = arith.constant 0 : i32
        %dma_wait3A_514 = tpu.memref_slice %arg7[%add3A_504, %dma_wait3A_513] : memref<16x128xi32, #tpu.memory_space<vmem>> -> memref<1x128xi32, #tpu.memory_space<vmem>>
        %dma_wait3A_515 = tpu.memref_squeeze %dma_wait3A_514 : memref<1x128xi32, #tpu.memory_space<vmem>> -> memref<128xi32, #tpu.memory_space<vmem>>
        %dma_wait3A_516 = arith.constant 0 : i32
        %dma_wait3A_517 = tpu.memref_slice %dma_wait3A_515[%dma_wait3A_516] : memref<128xi32, #tpu.memory_space<vmem>> -> memref<32xi32, #tpu.memory_space<vmem>>
        %dma_wait3A_518 = arith.constant 0 : i32
        %dma_wait3A_519 = arith.constant 0 : i32
        %dma_wait3A_520 = tpu.memref_slice %arg2[%dma_wait3A_518, %dma_wait3A_519] : memref<10240x128xf32, #tpu.memory_space<hbm>> -> memref<10240x128xf32, #tpu.memory_space<hbm>>
        tpu.wait_indirect_dma semaphore(%arg12 : memref<!tpu.dma_semaphore, #tpu.memory_space<semaphore_mem>>) src(%dma_wait3A_520 : memref<10240x128xf32, #tpu.memory_space<hbm>>) dst(%dma_wait3A_512 : memref<32x128xf32, #tpu.memory_space<vmem>>)
        %dma_wait3A_521 = arith.constant 1 : i32
        %dma_wait3A_522 = arith.constant 0 : i32
        %dma_wait3A_523 = arith.constant 0 : i32
        %dma_wait3A_524 = tpu.memref_slice %arg9[%dma_wait3A_521, %dma_wait3A_522, %dma_wait3A_523] : memref<2x128x128xf32, #tpu.memory_space<vmem>> -> memref<1x128x128xf32, #tpu.memory_space<vmem>>
        %dma_wait3A_525 = tpu.memref_squeeze %dma_wait3A_524 : memref<1x128x128xf32, #tpu.memory_space<vmem>> -> memref<128x128xf32, #tpu.memory_space<vmem>>
        %dma_wait3A_526 = arith.constant 32 : i32
        %dma_wait3A_527 = arith.constant 0 : i32
        %dma_wait3A_528 = tpu.memref_slice %dma_wait3A_525[%dma_wait3A_526, %dma_wait3A_527] : memref<128x128xf32, #tpu.memory_space<vmem>> -> memref<32x128xf32, #tpu.memory_space<vmem>>
        %dma_wait3A_529 = arith.constant 0 : i32
        %dma_wait3A_530 = tpu.memref_slice %arg7[%add3A_504, %dma_wait3A_529] : memref<16x128xi32, #tpu.memory_space<vmem>> -> memref<1x128xi32, #tpu.memory_space<vmem>>
        %dma_wait3A_531 = tpu.memref_squeeze %dma_wait3A_530 : memref<1x128xi32, #tpu.memory_space<vmem>> -> memref<128xi32, #tpu.memory_space<vmem>>
        %dma_wait3A_532 = arith.constant 32 : i32
        %dma_wait3A_533 = tpu.memref_slice %dma_wait3A_531[%dma_wait3A_532] : memref<128xi32, #tpu.memory_space<vmem>> -> memref<32xi32, #tpu.memory_space<vmem>>
        %dma_wait3A_534 = arith.constant 0 : i32
        %dma_wait3A_535 = arith.constant 0 : i32
        %dma_wait3A_536 = tpu.memref_slice %arg2[%dma_wait3A_534, %dma_wait3A_535] : memref<10240x128xf32, #tpu.memory_space<hbm>> -> memref<10240x128xf32, #tpu.memory_space<hbm>>
        tpu.wait_indirect_dma semaphore(%arg12 : memref<!tpu.dma_semaphore, #tpu.memory_space<semaphore_mem>>) src(%dma_wait3A_536 : memref<10240x128xf32, #tpu.memory_space<hbm>>) dst(%dma_wait3A_528 : memref<32x128xf32, #tpu.memory_space<vmem>>)
        %dma_wait3A_537 = arith.constant 1 : i32
        %dma_wait3A_538 = arith.constant 0 : i32
        %dma_wait3A_539 = arith.constant 0 : i32
        %dma_wait3A_540 = tpu.memref_slice %arg9[%dma_wait3A_537, %dma_wait3A_538, %dma_wait3A_539] : memref<2x128x128xf32, #tpu.memory_space<vmem>> -> memref<1x128x128xf32, #tpu.memory_space<vmem>>
        %dma_wait3A_541 = tpu.memref_squeeze %dma_wait3A_540 : memref<1x128x128xf32, #tpu.memory_space<vmem>> -> memref<128x128xf32, #tpu.memory_space<vmem>>
        %dma_wait3A_542 = arith.constant 64 : i32
        %dma_wait3A_543 = arith.constant 0 : i32
        %dma_wait3A_544 = tpu.memref_slice %dma_wait3A_541[%dma_wait3A_542, %dma_wait3A_543] : memref<128x128xf32, #tpu.memory_space<vmem>> -> memref<32x128xf32, #tpu.memory_space<vmem>>
        %dma_wait3A_545 = arith.constant 0 : i32
        %dma_wait3A_546 = tpu.memref_slice %arg7[%add3A_504, %dma_wait3A_545] : memref<16x128xi32, #tpu.memory_space<vmem>> -> memref<1x128xi32, #tpu.memory_space<vmem>>
        %dma_wait3A_547 = tpu.memref_squeeze %dma_wait3A_546 : memref<1x128xi32, #tpu.memory_space<vmem>> -> memref<128xi32, #tpu.memory_space<vmem>>
        %dma_wait3A_548 = arith.constant 64 : i32
        %dma_wait3A_549 = tpu.memref_slice %dma_wait3A_547[%dma_wait3A_548] : memref<128xi32, #tpu.memory_space<vmem>> -> memref<32xi32, #tpu.memory_space<vmem>>
        %dma_wait3A_550 = arith.constant 0 : i32
        %dma_wait3A_551 = arith.constant 0 : i32
        %dma_wait3A_552 = tpu.memref_slice %arg2[%dma_wait3A_550, %dma_wait3A_551] : memref<10240x128xf32, #tpu.memory_space<hbm>> -> memref<10240x128xf32, #tpu.memory_space<hbm>>
        tpu.wait_indirect_dma semaphore(%arg12 : memref<!tpu.dma_semaphore, #tpu.memory_space<semaphore_mem>>) src(%dma_wait3A_552 : memref<10240x128xf32, #tpu.memory_space<hbm>>) dst(%dma_wait3A_544 : memref<32x128xf32, #tpu.memory_space<vmem>>)
        %dma_wait3A_553 = arith.constant 1 : i32
        %dma_wait3A_554 = arith.constant 0 : i32
        %dma_wait3A_555 = arith.constant 0 : i32
        %dma_wait3A_556 = tpu.memref_slice %arg9[%dma_wait3A_553, %dma_wait3A_554, %dma_wait3A_555] : memref<2x128x128xf32, #tpu.memory_space<vmem>> -> memref<1x128x128xf32, #tpu.memory_space<vmem>>
        %dma_wait3A_557 = tpu.memref_squeeze %dma_wait3A_556 : memref<1x128x128xf32, #tpu.memory_space<vmem>> -> memref<128x128xf32, #tpu.memory_space<vmem>>
        %dma_wait3A_558 = arith.constant 96 : i32
        %dma_wait3A_559 = arith.constant 0 : i32
        %dma_wait3A_560 = tpu.memref_slice %dma_wait3A_557[%dma_wait3A_558, %dma_wait3A_559] : memref<128x128xf32, #tpu.memory_space<vmem>> -> memref<32x128xf32, #tpu.memory_space<vmem>>
        %dma_wait3A_561 = arith.constant 0 : i32
        %dma_wait3A_562 = tpu.memref_slice %arg7[%add3A_504, %dma_wait3A_561] : memref<16x128xi32, #tpu.memory_space<vmem>> -> memref<1x128xi32, #tpu.memory_space<vmem>>
        %dma_wait3A_563 = tpu.memref_squeeze %dma_wait3A_562 : memref<1x128xi32, #tpu.memory_space<vmem>> -> memref<128xi32, #tpu.memory_space<vmem>>
        %dma_wait3A_564 = arith.constant 96 : i32
        %dma_wait3A_565 = tpu.memref_slice %dma_wait3A_563[%dma_wait3A_564] : memref<128xi32, #tpu.memory_space<vmem>> -> memref<32xi32, #tpu.memory_space<vmem>>
        %dma_wait3A_566 = arith.constant 0 : i32
        %dma_wait3A_567 = arith.constant 0 : i32
        %dma_wait3A_568 = tpu.memref_slice %arg2[%dma_wait3A_566, %dma_wait3A_567] : memref<10240x128xf32, #tpu.memory_space<hbm>> -> memref<10240x128xf32, #tpu.memory_space<hbm>>
        tpu.wait_indirect_dma semaphore(%arg12 : memref<!tpu.dma_semaphore, #tpu.memory_space<semaphore_mem>>) src(%dma_wait3A_568 : memref<10240x128xf32, #tpu.memory_space<hbm>>) dst(%dma_wait3A_560 : memref<32x128xf32, #tpu.memory_space<vmem>>)
        %add3A_569 = arith.constant 1 : i32
        %add3A_570 = arith.addi %add3A_305, %add3A_569 : i32
        %run_scoped3A_571 = arith.constant 1 : i32
        "tpu.region"() ({
          %run_scoped3A_572 = tpu.sem_alloc : memref<!tpu.dma_semaphore, #tpu.memory_space<semaphore_mem>>
          %dma_start3A_573 = arith.constant 0 : i32
          %dma_start3A_574 = arith.constant 0 : i32
          %dma_start3A_575 = tpu.memref_slice %arg9[%run_scoped3A_571, %dma_start3A_573, %dma_start3A_574] : memref<2x128x128xf32, #tpu.memory_space<vmem>> -> memref<1x128x128xf32, #tpu.memory_space<vmem>>
          %dma_start3A_576 = tpu.memref_squeeze %dma_start3A_575 : memref<1x128x128xf32, #tpu.memory_space<vmem>> -> memref<128x128xf32, #tpu.memory_space<vmem>>
          %dma_start3A_577 = arith.constant 0 : i32
          %dma_start3A_578 = tpu.memref_slice %arg8[%add3A_570, %dma_start3A_577] : memref<16x128xi32, #tpu.memory_space<vmem>> -> memref<1x128xi32, #tpu.memory_space<vmem>>
          %dma_start3A_579 = tpu.memref_squeeze %dma_start3A_578 : memref<1x128xi32, #tpu.memory_space<vmem>> -> memref<128xi32, #tpu.memory_space<vmem>>
          %dma_start3A_580 = arith.constant 0 : i32
          %dma_start3A_581 = arith.constant 0 : i32
          %dma_start3A_582 = tpu.memref_slice %arg10[%dma_start3A_580, %dma_start3A_581] : memref<10240x128xf32, #tpu.memory_space<vmem_shared>> -> memref<10240x128xf32, #tpu.memory_space<vmem_shared>>
          tpu.enqueue_indirect_dma source(%dma_start3A_576 : memref<128x128xf32, #tpu.memory_space<vmem>>) target(%dma_start3A_582 : memref<10240x128xf32, #tpu.memory_space<vmem_shared>>) offsets(%dma_start3A_579 : memref<128xi32, #tpu.memory_space<vmem>>) semaphore(%run_scoped3A_572 : memref<!tpu.dma_semaphore, #tpu.memory_space<semaphore_mem>>) {add = true}
          %dma_wait3A_583 = arith.constant 0 : i32
          %dma_wait3A_584 = arith.constant 0 : i32
          %dma_wait3A_585 = tpu.memref_slice %arg9[%run_scoped3A_571, %dma_wait3A_583, %dma_wait3A_584] : memref<2x128x128xf32, #tpu.memory_space<vmem>> -> memref<1x128x128xf32, #tpu.memory_space<vmem>>
          %dma_wait3A_586 = tpu.memref_squeeze %dma_wait3A_585 : memref<1x128x128xf32, #tpu.memory_space<vmem>> -> memref<128x128xf32, #tpu.memory_space<vmem>>
          %dma_wait3A_587 = arith.constant 0 : i32
          %dma_wait3A_588 = tpu.memref_slice %arg8[%add3A_570, %dma_wait3A_587] : memref<16x128xi32, #tpu.memory_space<vmem>> -> memref<1x128xi32, #tpu.memory_space<vmem>>
          %dma_wait3A_589 = tpu.memref_squeeze %dma_wait3A_588 : memref<1x128xi32, #tpu.memory_space<vmem>> -> memref<128xi32, #tpu.memory_space<vmem>>
          %dma_wait3A_590 = arith.constant 0 : i32
          %dma_wait3A_591 = arith.constant 0 : i32
          %dma_wait3A_592 = tpu.memref_slice %arg10[%dma_wait3A_590, %dma_wait3A_591] : memref<10240x128xf32, #tpu.memory_space<vmem_shared>> -> memref<10240x128xf32, #tpu.memory_space<vmem_shared>>
          tpu.wait_indirect_dma semaphore(%run_scoped3A_572 : memref<!tpu.dma_semaphore, #tpu.memory_space<semaphore_mem>>) src(%dma_wait3A_586 : memref<128x128xf32, #tpu.memory_space<vmem>>) dst(%dma_wait3A_592 : memref<10240x128xf32, #tpu.memory_space<vmem_shared>>)
          tpu.yield
        }) : () -> ()
      }
      %scan3A_94 = arith.constant 7 : i32
      %dma_start3A_95 = arith.constant 15 : i32
      %dma_start3A_96 = arith.constant 1 : i32
      %dma_start3A_97 = arith.constant 0 : i32
      %dma_start3A_98 = arith.constant 0 : i32
      %dma_start3A_99 = tpu.memref_slice %arg9[%dma_start3A_96, %dma_start3A_97, %dma_start3A_98] : memref<2x128x128xf32, #tpu.memory_space<vmem>> -> memref<1x128x128xf32, #tpu.memory_space<vmem>>
      %dma_start3A_100 = tpu.memref_squeeze %dma_start3A_99 : memref<1x128x128xf32, #tpu.memory_space<vmem>> -> memref<128x128xf32, #tpu.memory_space<vmem>>
      %dma_start3A_101 = arith.constant 0 : i32
      %dma_start3A_102 = arith.constant 0 : i32
      %dma_start3A_103 = tpu.memref_slice %dma_start3A_100[%dma_start3A_101, %dma_start3A_102] : memref<128x128xf32, #tpu.memory_space<vmem>> -> memref<32x128xf32, #tpu.memory_space<vmem>>
      %dma_start3A_104 = arith.constant 0 : i32
      %dma_start3A_105 = tpu.memref_slice %arg7[%dma_start3A_95, %dma_start3A_104] : memref<16x128xi32, #tpu.memory_space<vmem>> -> memref<1x128xi32, #tpu.memory_space<vmem>>
      %dma_start3A_106 = tpu.memref_squeeze %dma_start3A_105 : memref<1x128xi32, #tpu.memory_space<vmem>> -> memref<128xi32, #tpu.memory_space<vmem>>
      %dma_start3A_107 = arith.constant 0 : i32
      %dma_start3A_108 = tpu.memref_slice %dma_start3A_106[%dma_start3A_107] : memref<128xi32, #tpu.memory_space<vmem>> -> memref<32xi32, #tpu.memory_space<vmem>>
      %dma_start3A_109 = arith.constant 0 : i32
      %dma_start3A_110 = arith.constant 0 : i32
      %dma_start3A_111 = tpu.memref_slice %arg2[%dma_start3A_109, %dma_start3A_110] : memref<10240x128xf32, #tpu.memory_space<hbm>> -> memref<10240x128xf32, #tpu.memory_space<hbm>>
      tpu.enqueue_indirect_dma source(%dma_start3A_111 : memref<10240x128xf32, #tpu.memory_space<hbm>>) target(%dma_start3A_103 : memref<32x128xf32, #tpu.memory_space<vmem>>) offsets(%dma_start3A_108 : memref<32xi32, #tpu.memory_space<vmem>>) semaphore(%arg12 : memref<!tpu.dma_semaphore, #tpu.memory_space<semaphore_mem>>)
      %dma_start3A_112 = arith.constant 15 : i32
      %dma_start3A_113 = arith.constant 1 : i32
      %dma_start3A_114 = arith.constant 0 : i32
      %dma_start3A_115 = arith.constant 0 : i32
      %dma_start3A_116 = tpu.memref_slice %arg9[%dma_start3A_113, %dma_start3A_114, %dma_start3A_115] : memref<2x128x128xf32, #tpu.memory_space<vmem>> -> memref<1x128x128xf32, #tpu.memory_space<vmem>>
      %dma_start3A_117 = tpu.memref_squeeze %dma_start3A_116 : memref<1x128x128xf32, #tpu.memory_space<vmem>> -> memref<128x128xf32, #tpu.memory_space<vmem>>
      %dma_start3A_118 = arith.constant 32 : i32
      %dma_start3A_119 = arith.constant 0 : i32
      %dma_start3A_120 = tpu.memref_slice %dma_start3A_117[%dma_start3A_118, %dma_start3A_119] : memref<128x128xf32, #tpu.memory_space<vmem>> -> memref<32x128xf32, #tpu.memory_space<vmem>>
      %dma_start3A_121 = arith.constant 0 : i32
      %dma_start3A_122 = tpu.memref_slice %arg7[%dma_start3A_112, %dma_start3A_121] : memref<16x128xi32, #tpu.memory_space<vmem>> -> memref<1x128xi32, #tpu.memory_space<vmem>>
      %dma_start3A_123 = tpu.memref_squeeze %dma_start3A_122 : memref<1x128xi32, #tpu.memory_space<vmem>> -> memref<128xi32, #tpu.memory_space<vmem>>
      %dma_start3A_124 = arith.constant 32 : i32
      %dma_start3A_125 = tpu.memref_slice %dma_start3A_123[%dma_start3A_124] : memref<128xi32, #tpu.memory_space<vmem>> -> memref<32xi32, #tpu.memory_space<vmem>>
      %dma_start3A_126 = arith.constant 0 : i32
      %dma_start3A_127 = arith.constant 0 : i32
      %dma_start3A_128 = tpu.memref_slice %arg2[%dma_start3A_126, %dma_start3A_127] : memref<10240x128xf32, #tpu.memory_space<hbm>> -> memref<10240x128xf32, #tpu.memory_space<hbm>>
      tpu.enqueue_indirect_dma source(%dma_start3A_128 : memref<10240x128xf32, #tpu.memory_space<hbm>>) target(%dma_start3A_120 : memref<32x128xf32, #tpu.memory_space<vmem>>) offsets(%dma_start3A_125 : memref<32xi32, #tpu.memory_space<vmem>>) semaphore(%arg12 : memref<!tpu.dma_semaphore, #tpu.memory_space<semaphore_mem>>)
      %dma_start3A_129 = arith.constant 15 : i32
      %dma_start3A_130 = arith.constant 1 : i32
      %dma_start3A_131 = arith.constant 0 : i32
      %dma_start3A_132 = arith.constant 0 : i32
      %dma_start3A_133 = tpu.memref_slice %arg9[%dma_start3A_130, %dma_start3A_131, %dma_start3A_132] : memref<2x128x128xf32, #tpu.memory_space<vmem>> -> memref<1x128x128xf32, #tpu.memory_space<vmem>>
      %dma_start3A_134 = tpu.memref_squeeze %dma_start3A_133 : memref<1x128x128xf32, #tpu.memory_space<vmem>> -> memref<128x128xf32, #tpu.memory_space<vmem>>
      %dma_start3A_135 = arith.constant 64 : i32
      %dma_start3A_136 = arith.constant 0 : i32
      %dma_start3A_137 = tpu.memref_slice %dma_start3A_134[%dma_start3A_135, %dma_start3A_136] : memref<128x128xf32, #tpu.memory_space<vmem>> -> memref<32x128xf32, #tpu.memory_space<vmem>>
      %dma_start3A_138 = arith.constant 0 : i32
      %dma_start3A_139 = tpu.memref_slice %arg7[%dma_start3A_129, %dma_start3A_138] : memref<16x128xi32, #tpu.memory_space<vmem>> -> memref<1x128xi32, #tpu.memory_space<vmem>>
      %dma_start3A_140 = tpu.memref_squeeze %dma_start3A_139 : memref<1x128xi32, #tpu.memory_space<vmem>> -> memref<128xi32, #tpu.memory_space<vmem>>
      %dma_start3A_141 = arith.constant 64 : i32
      %dma_start3A_142 = tpu.memref_slice %dma_start3A_140[%dma_start3A_141] : memref<128xi32, #tpu.memory_space<vmem>> -> memref<32xi32, #tpu.memory_space<vmem>>
      %dma_start3A_143 = arith.constant 0 : i32
      %dma_start3A_144 = arith.constant 0 : i32
      %dma_start3A_145 = tpu.memref_slice %arg2[%dma_start3A_143, %dma_start3A_144] : memref<10240x128xf32, #tpu.memory_space<hbm>> -> memref<10240x128xf32, #tpu.memory_space<hbm>>
      tpu.enqueue_indirect_dma source(%dma_start3A_145 : memref<10240x128xf32, #tpu.memory_space<hbm>>) target(%dma_start3A_137 : memref<32x128xf32, #tpu.memory_space<vmem>>) offsets(%dma_start3A_142 : memref<32xi32, #tpu.memory_space<vmem>>) semaphore(%arg12 : memref<!tpu.dma_semaphore, #tpu.memory_space<semaphore_mem>>)
      %dma_start3A_146 = arith.constant 15 : i32
      %dma_start3A_147 = arith.constant 1 : i32
      %dma_start3A_148 = arith.constant 0 : i32
      %dma_start3A_149 = arith.constant 0 : i32
      %dma_start3A_150 = tpu.memref_slice %arg9[%dma_start3A_147, %dma_start3A_148, %dma_start3A_149] : memref<2x128x128xf32, #tpu.memory_space<vmem>> -> memref<1x128x128xf32, #tpu.memory_space<vmem>>
      %dma_start3A_151 = tpu.memref_squeeze %dma_start3A_150 : memref<1x128x128xf32, #tpu.memory_space<vmem>> -> memref<128x128xf32, #tpu.memory_space<vmem>>
      %dma_start3A_152 = arith.constant 96 : i32
      %dma_start3A_153 = arith.constant 0 : i32
      %dma_start3A_154 = tpu.memref_slice %dma_start3A_151[%dma_start3A_152, %dma_start3A_153] : memref<128x128xf32, #tpu.memory_space<vmem>> -> memref<32x128xf32, #tpu.memory_space<vmem>>
      %dma_start3A_155 = arith.constant 0 : i32
      %dma_start3A_156 = tpu.memref_slice %arg7[%dma_start3A_146, %dma_start3A_155] : memref<16x128xi32, #tpu.memory_space<vmem>> -> memref<1x128xi32, #tpu.memory_space<vmem>>
      %dma_start3A_157 = tpu.memref_squeeze %dma_start3A_156 : memref<1x128xi32, #tpu.memory_space<vmem>> -> memref<128xi32, #tpu.memory_space<vmem>>
      %dma_start3A_158 = arith.constant 96 : i32
      %dma_start3A_159 = tpu.memref_slice %dma_start3A_157[%dma_start3A_158] : memref<128xi32, #tpu.memory_space<vmem>> -> memref<32xi32, #tpu.memory_space<vmem>>
      %dma_start3A_160 = arith.constant 0 : i32
      %dma_start3A_161 = arith.constant 0 : i32
      %dma_start3A_162 = tpu.memref_slice %arg2[%dma_start3A_160, %dma_start3A_161] : memref<10240x128xf32, #tpu.memory_space<hbm>> -> memref<10240x128xf32, #tpu.memory_space<hbm>>
      tpu.enqueue_indirect_dma source(%dma_start3A_162 : memref<10240x128xf32, #tpu.memory_space<hbm>>) target(%dma_start3A_154 : memref<32x128xf32, #tpu.memory_space<vmem>>) offsets(%dma_start3A_159 : memref<32xi32, #tpu.memory_space<vmem>>) semaphore(%arg12 : memref<!tpu.dma_semaphore, #tpu.memory_space<semaphore_mem>>)
      %dma_wait3A = arith.constant 14 : i32
      %dma_wait3A_163 = arith.constant 0 : i32
      %dma_wait3A_164 = arith.constant 0 : i32
      %dma_wait3A_165 = arith.constant 0 : i32
      %dma_wait3A_166 = tpu.memref_slice %arg9[%dma_wait3A_163, %dma_wait3A_164, %dma_wait3A_165] : memref<2x128x128xf32, #tpu.memory_space<vmem>> -> memref<1x128x128xf32, #tpu.memory_space<vmem>>
      %dma_wait3A_167 = tpu.memref_squeeze %dma_wait3A_166 : memref<1x128x128xf32, #tpu.memory_space<vmem>> -> memref<128x128xf32, #tpu.memory_space<vmem>>
      %dma_wait3A_168 = arith.constant 0 : i32
      %dma_wait3A_169 = arith.constant 0 : i32
      %dma_wait3A_170 = tpu.memref_slice %dma_wait3A_167[%dma_wait3A_168, %dma_wait3A_169] : memref<128x128xf32, #tpu.memory_space<vmem>> -> memref<32x128xf32, #tpu.memory_space<vmem>>
      %dma_wait3A_171 = arith.constant 0 : i32
      %dma_wait3A_172 = tpu.memref_slice %arg7[%dma_wait3A, %dma_wait3A_171] : memref<16x128xi32, #tpu.memory_space<vmem>> -> memref<1x128xi32, #tpu.memory_space<vmem>>
      %dma_wait3A_173 = tpu.memref_squeeze %dma_wait3A_172 : memref<1x128xi32, #tpu.memory_space<vmem>> -> memref<128xi32, #tpu.memory_space<vmem>>
      %dma_wait3A_174 = arith.constant 0 : i32
      %dma_wait3A_175 = tpu.memref_slice %dma_wait3A_173[%dma_wait3A_174] : memref<128xi32, #tpu.memory_space<vmem>> -> memref<32xi32, #tpu.memory_space<vmem>>
      %dma_wait3A_176 = arith.constant 0 : i32
      %dma_wait3A_177 = arith.constant 0 : i32
      %dma_wait3A_178 = tpu.memref_slice %arg2[%dma_wait3A_176, %dma_wait3A_177] : memref<10240x128xf32, #tpu.memory_space<hbm>> -> memref<10240x128xf32, #tpu.memory_space<hbm>>
      tpu.wait_indirect_dma semaphore(%arg11 : memref<!tpu.dma_semaphore, #tpu.memory_space<semaphore_mem>>) src(%dma_wait3A_178 : memref<10240x128xf32, #tpu.memory_space<hbm>>) dst(%dma_wait3A_170 : memref<32x128xf32, #tpu.memory_space<vmem>>)
      %dma_wait3A_179 = arith.constant 14 : i32
      %dma_wait3A_180 = arith.constant 0 : i32
      %dma_wait3A_181 = arith.constant 0 : i32
      %dma_wait3A_182 = arith.constant 0 : i32
      %dma_wait3A_183 = tpu.memref_slice %arg9[%dma_wait3A_180, %dma_wait3A_181, %dma_wait3A_182] : memref<2x128x128xf32, #tpu.memory_space<vmem>> -> memref<1x128x128xf32, #tpu.memory_space<vmem>>
      %dma_wait3A_184 = tpu.memref_squeeze %dma_wait3A_183 : memref<1x128x128xf32, #tpu.memory_space<vmem>> -> memref<128x128xf32, #tpu.memory_space<vmem>>
      %dma_wait3A_185 = arith.constant 32 : i32
      %dma_wait3A_186 = arith.constant 0 : i32
      %dma_wait3A_187 = tpu.memref_slice %dma_wait3A_184[%dma_wait3A_185, %dma_wait3A_186] : memref<128x128xf32, #tpu.memory_space<vmem>> -> memref<32x128xf32, #tpu.memory_space<vmem>>
      %dma_wait3A_188 = arith.constant 0 : i32
      %dma_wait3A_189 = tpu.memref_slice %arg7[%dma_wait3A_179, %dma_wait3A_188] : memref<16x128xi32, #tpu.memory_space<vmem>> -> memref<1x128xi32, #tpu.memory_space<vmem>>
      %dma_wait3A_190 = tpu.memref_squeeze %dma_wait3A_189 : memref<1x128xi32, #tpu.memory_space<vmem>> -> memref<128xi32, #tpu.memory_space<vmem>>
      %dma_wait3A_191 = arith.constant 32 : i32
      %dma_wait3A_192 = tpu.memref_slice %dma_wait3A_190[%dma_wait3A_191] : memref<128xi32, #tpu.memory_space<vmem>> -> memref<32xi32, #tpu.memory_space<vmem>>
      %dma_wait3A_193 = arith.constant 0 : i32
      %dma_wait3A_194 = arith.constant 0 : i32
      %dma_wait3A_195 = tpu.memref_slice %arg2[%dma_wait3A_193, %dma_wait3A_194] : memref<10240x128xf32, #tpu.memory_space<hbm>> -> memref<10240x128xf32, #tpu.memory_space<hbm>>
      tpu.wait_indirect_dma semaphore(%arg11 : memref<!tpu.dma_semaphore, #tpu.memory_space<semaphore_mem>>) src(%dma_wait3A_195 : memref<10240x128xf32, #tpu.memory_space<hbm>>) dst(%dma_wait3A_187 : memref<32x128xf32, #tpu.memory_space<vmem>>)
      %dma_wait3A_196 = arith.constant 14 : i32
      %dma_wait3A_197 = arith.constant 0 : i32
      %dma_wait3A_198 = arith.constant 0 : i32
      %dma_wait3A_199 = arith.constant 0 : i32
      %dma_wait3A_200 = tpu.memref_slice %arg9[%dma_wait3A_197, %dma_wait3A_198, %dma_wait3A_199] : memref<2x128x128xf32, #tpu.memory_space<vmem>> -> memref<1x128x128xf32, #tpu.memory_space<vmem>>
      %dma_wait3A_201 = tpu.memref_squeeze %dma_wait3A_200 : memref<1x128x128xf32, #tpu.memory_space<vmem>> -> memref<128x128xf32, #tpu.memory_space<vmem>>
      %dma_wait3A_202 = arith.constant 64 : i32
      %dma_wait3A_203 = arith.constant 0 : i32
      %dma_wait3A_204 = tpu.memref_slice %dma_wait3A_201[%dma_wait3A_202, %dma_wait3A_203] : memref<128x128xf32, #tpu.memory_space<vmem>> -> memref<32x128xf32, #tpu.memory_space<vmem>>
      %dma_wait3A_205 = arith.constant 0 : i32
      %dma_wait3A_206 = tpu.memref_slice %arg7[%dma_wait3A_196, %dma_wait3A_205] : memref<16x128xi32, #tpu.memory_space<vmem>> -> memref<1x128xi32, #tpu.memory_space<vmem>>
      %dma_wait3A_207 = tpu.memref_squeeze %dma_wait3A_206 : memref<1x128xi32, #tpu.memory_space<vmem>> -> memref<128xi32, #tpu.memory_space<vmem>>
      %dma_wait3A_208 = arith.constant 64 : i32
      %dma_wait3A_209 = tpu.memref_slice %dma_wait3A_207[%dma_wait3A_208] : memref<128xi32, #tpu.memory_space<vmem>> -> memref<32xi32, #tpu.memory_space<vmem>>
      %dma_wait3A_210 = arith.constant 0 : i32
      %dma_wait3A_211 = arith.constant 0 : i32
      %dma_wait3A_212 = tpu.memref_slice %arg2[%dma_wait3A_210, %dma_wait3A_211] : memref<10240x128xf32, #tpu.memory_space<hbm>> -> memref<10240x128xf32, #tpu.memory_space<hbm>>
      tpu.wait_indirect_dma semaphore(%arg11 : memref<!tpu.dma_semaphore, #tpu.memory_space<semaphore_mem>>) src(%dma_wait3A_212 : memref<10240x128xf32, #tpu.memory_space<hbm>>) dst(%dma_wait3A_204 : memref<32x128xf32, #tpu.memory_space<vmem>>)
      %dma_wait3A_213 = arith.constant 14 : i32
      %dma_wait3A_214 = arith.constant 0 : i32
      %dma_wait3A_215 = arith.constant 0 : i32
      %dma_wait3A_216 = arith.constant 0 : i32
      %dma_wait3A_217 = tpu.memref_slice %arg9[%dma_wait3A_214, %dma_wait3A_215, %dma_wait3A_216] : memref<2x128x128xf32, #tpu.memory_space<vmem>> -> memref<1x128x128xf32, #tpu.memory_space<vmem>>
      %dma_wait3A_218 = tpu.memref_squeeze %dma_wait3A_217 : memref<1x128x128xf32, #tpu.memory_space<vmem>> -> memref<128x128xf32, #tpu.memory_space<vmem>>
      %dma_wait3A_219 = arith.constant 96 : i32
      %dma_wait3A_220 = arith.constant 0 : i32
      %dma_wait3A_221 = tpu.memref_slice %dma_wait3A_218[%dma_wait3A_219, %dma_wait3A_220] : memref<128x128xf32, #tpu.memory_space<vmem>> -> memref<32x128xf32, #tpu.memory_space<vmem>>
      %dma_wait3A_222 = arith.constant 0 : i32
      %dma_wait3A_223 = tpu.memref_slice %arg7[%dma_wait3A_213, %dma_wait3A_222] : memref<16x128xi32, #tpu.memory_space<vmem>> -> memref<1x128xi32, #tpu.memory_space<vmem>>
      %dma_wait3A_224 = tpu.memref_squeeze %dma_wait3A_223 : memref<1x128xi32, #tpu.memory_space<vmem>> -> memref<128xi32, #tpu.memory_space<vmem>>
      %dma_wait3A_225 = arith.constant 96 : i32
      %dma_wait3A_226 = tpu.memref_slice %dma_wait3A_224[%dma_wait3A_225] : memref<128xi32, #tpu.memory_space<vmem>> -> memref<32xi32, #tpu.memory_space<vmem>>
      %dma_wait3A_227 = arith.constant 0 : i32
      %dma_wait3A_228 = arith.constant 0 : i32
      %dma_wait3A_229 = tpu.memref_slice %arg2[%dma_wait3A_227, %dma_wait3A_228] : memref<10240x128xf32, #tpu.memory_space<hbm>> -> memref<10240x128xf32, #tpu.memory_space<hbm>>
      tpu.wait_indirect_dma semaphore(%arg11 : memref<!tpu.dma_semaphore, #tpu.memory_space<semaphore_mem>>) src(%dma_wait3A_229 : memref<10240x128xf32, #tpu.memory_space<hbm>>) dst(%dma_wait3A_221 : memref<32x128xf32, #tpu.memory_space<vmem>>)
      %run_scoped3A = arith.constant 0 : i32
      %run_scoped3A_230 = arith.constant 14 : i32
      "tpu.region"() ({
        %run_scoped3A_301 = tpu.sem_alloc : memref<!tpu.dma_semaphore, #tpu.memory_space<semaphore_mem>>
        %dma_start3A_302 = arith.constant 0 : i32
        %dma_start3A_303 = arith.constant 0 : i32
        %dma_start3A_304 = tpu.memref_slice %arg9[%run_scoped3A, %dma_start3A_302, %dma_start3A_303] : memref<2x128x128xf32, #tpu.memory_space<vmem>> -> memref<1x128x128xf32, #tpu.memory_space<vmem>>
        %dma_start3A_305 = tpu.memref_squeeze %dma_start3A_304 : memref<1x128x128xf32, #tpu.memory_space<vmem>> -> memref<128x128xf32, #tpu.memory_space<vmem>>
        %dma_start3A_306 = arith.constant 0 : i32
        %dma_start3A_307 = tpu.memref_slice %arg8[%run_scoped3A_230, %dma_start3A_306] : memref<16x128xi32, #tpu.memory_space<vmem>> -> memref<1x128xi32, #tpu.memory_space<vmem>>
        %dma_start3A_308 = tpu.memref_squeeze %dma_start3A_307 : memref<1x128xi32, #tpu.memory_space<vmem>> -> memref<128xi32, #tpu.memory_space<vmem>>
        %dma_start3A_309 = arith.constant 0 : i32
        %dma_start3A_310 = arith.constant 0 : i32
        %dma_start3A_311 = tpu.memref_slice %arg10[%dma_start3A_309, %dma_start3A_310] : memref<10240x128xf32, #tpu.memory_space<vmem_shared>> -> memref<10240x128xf32, #tpu.memory_space<vmem_shared>>
        tpu.enqueue_indirect_dma source(%dma_start3A_305 : memref<128x128xf32, #tpu.memory_space<vmem>>) target(%dma_start3A_311 : memref<10240x128xf32, #tpu.memory_space<vmem_shared>>) offsets(%dma_start3A_308 : memref<128xi32, #tpu.memory_space<vmem>>) semaphore(%run_scoped3A_301 : memref<!tpu.dma_semaphore, #tpu.memory_space<semaphore_mem>>) {add = true}
        %dma_wait3A_312 = arith.constant 0 : i32
        %dma_wait3A_313 = arith.constant 0 : i32
        %dma_wait3A_314 = tpu.memref_slice %arg9[%run_scoped3A, %dma_wait3A_312, %dma_wait3A_313] : memref<2x128x128xf32, #tpu.memory_space<vmem>> -> memref<1x128x128xf32, #tpu.memory_space<vmem>>
        %dma_wait3A_315 = tpu.memref_squeeze %dma_wait3A_314 : memref<1x128x128xf32, #tpu.memory_space<vmem>> -> memref<128x128xf32, #tpu.memory_space<vmem>>
        %dma_wait3A_316 = arith.constant 0 : i32
        %dma_wait3A_317 = tpu.memref_slice %arg8[%run_scoped3A_230, %dma_wait3A_316] : memref<16x128xi32, #tpu.memory_space<vmem>> -> memref<1x128xi32, #tpu.memory_space<vmem>>
        %dma_wait3A_318 = tpu.memref_squeeze %dma_wait3A_317 : memref<1x128xi32, #tpu.memory_space<vmem>> -> memref<128xi32, #tpu.memory_space<vmem>>
        %dma_wait3A_319 = arith.constant 0 : i32
        %dma_wait3A_320 = arith.constant 0 : i32
        %dma_wait3A_321 = tpu.memref_slice %arg10[%dma_wait3A_319, %dma_wait3A_320] : memref<10240x128xf32, #tpu.memory_space<vmem_shared>> -> memref<10240x128xf32, #tpu.memory_space<vmem_shared>>
        tpu.wait_indirect_dma semaphore(%run_scoped3A_301 : memref<!tpu.dma_semaphore, #tpu.memory_space<semaphore_mem>>) src(%dma_wait3A_315 : memref<128x128xf32, #tpu.memory_space<vmem>>) dst(%dma_wait3A_321 : memref<10240x128xf32, #tpu.memory_space<vmem_shared>>)
        tpu.yield
      }) : () -> ()
      %dma_wait3A_231 = arith.constant 15 : i32
      %dma_wait3A_232 = arith.constant 1 : i32
      %dma_wait3A_233 = arith.constant 0 : i32
      %dma_wait3A_234 = arith.constant 0 : i32
      %dma_wait3A_235 = tpu.memref_slice %arg9[%dma_wait3A_232, %dma_wait3A_233, %dma_wait3A_234] : memref<2x128x128xf32, #tpu.memory_space<vmem>> -> memref<1x128x128xf32, #tpu.memory_space<vmem>>
      %dma_wait3A_236 = tpu.memref_squeeze %dma_wait3A_235 : memref<1x128x128xf32, #tpu.memory_space<vmem>> -> memref<128x128xf32, #tpu.memory_space<vmem>>
      %dma_wait3A_237 = arith.constant 0 : i32
      %dma_wait3A_238 = arith.constant 0 : i32
      %dma_wait3A_239 = tpu.memref_slice %dma_wait3A_236[%dma_wait3A_237, %dma_wait3A_238] : memref<128x128xf32, #tpu.memory_space<vmem>> -> memref<32x128xf32, #tpu.memory_space<vmem>>
      %dma_wait3A_240 = arith.constant 0 : i32
      %dma_wait3A_241 = tpu.memref_slice %arg7[%dma_wait3A_231, %dma_wait3A_240] : memref<16x128xi32, #tpu.memory_space<vmem>> -> memref<1x128xi32, #tpu.memory_space<vmem>>
      %dma_wait3A_242 = tpu.memref_squeeze %dma_wait3A_241 : memref<1x128xi32, #tpu.memory_space<vmem>> -> memref<128xi32, #tpu.memory_space<vmem>>
      %dma_wait3A_243 = arith.constant 0 : i32
      %dma_wait3A_244 = tpu.memref_slice %dma_wait3A_242[%dma_wait3A_243] : memref<128xi32, #tpu.memory_space<vmem>> -> memref<32xi32, #tpu.memory_space<vmem>>
      %dma_wait3A_245 = arith.constant 0 : i32
      %dma_wait3A_246 = arith.constant 0 : i32
      %dma_wait3A_247 = tpu.memref_slice %arg2[%dma_wait3A_245, %dma_wait3A_246] : memref<10240x128xf32, #tpu.memory_space<hbm>> -> memref<10240x128xf32, #tpu.memory_space<hbm>>
      tpu.wait_indirect_dma semaphore(%arg12 : memref<!tpu.dma_semaphore, #tpu.memory_space<semaphore_mem>>) src(%dma_wait3A_247 : memref<10240x128xf32, #tpu.memory_space<hbm>>) dst(%dma_wait3A_239 : memref<32x128xf32, #tpu.memory_space<vmem>>)
      %dma_wait3A_248 = arith.constant 15 : i32
      %dma_wait3A_249 = arith.constant 1 : i32
      %dma_wait3A_250 = arith.constant 0 : i32
      %dma_wait3A_251 = arith.constant 0 : i32
      %dma_wait3A_252 = tpu.memref_slice %arg9[%dma_wait3A_249, %dma_wait3A_250, %dma_wait3A_251] : memref<2x128x128xf32, #tpu.memory_space<vmem>> -> memref<1x128x128xf32, #tpu.memory_space<vmem>>
      %dma_wait3A_253 = tpu.memref_squeeze %dma_wait3A_252 : memref<1x128x128xf32, #tpu.memory_space<vmem>> -> memref<128x128xf32, #tpu.memory_space<vmem>>
      %dma_wait3A_254 = arith.constant 32 : i32
      %dma_wait3A_255 = arith.constant 0 : i32
      %dma_wait3A_256 = tpu.memref_slice %dma_wait3A_253[%dma_wait3A_254, %dma_wait3A_255] : memref<128x128xf32, #tpu.memory_space<vmem>> -> memref<32x128xf32, #tpu.memory_space<vmem>>
      %dma_wait3A_257 = arith.constant 0 : i32
      %dma_wait3A_258 = tpu.memref_slice %arg7[%dma_wait3A_248, %dma_wait3A_257] : memref<16x128xi32, #tpu.memory_space<vmem>> -> memref<1x128xi32, #tpu.memory_space<vmem>>
      %dma_wait3A_259 = tpu.memref_squeeze %dma_wait3A_258 : memref<1x128xi32, #tpu.memory_space<vmem>> -> memref<128xi32, #tpu.memory_space<vmem>>
      %dma_wait3A_260 = arith.constant 32 : i32
      %dma_wait3A_261 = tpu.memref_slice %dma_wait3A_259[%dma_wait3A_260] : memref<128xi32, #tpu.memory_space<vmem>> -> memref<32xi32, #tpu.memory_space<vmem>>
      %dma_wait3A_262 = arith.constant 0 : i32
      %dma_wait3A_263 = arith.constant 0 : i32
      %dma_wait3A_264 = tpu.memref_slice %arg2[%dma_wait3A_262, %dma_wait3A_263] : memref<10240x128xf32, #tpu.memory_space<hbm>> -> memref<10240x128xf32, #tpu.memory_space<hbm>>
      tpu.wait_indirect_dma semaphore(%arg12 : memref<!tpu.dma_semaphore, #tpu.memory_space<semaphore_mem>>) src(%dma_wait3A_264 : memref<10240x128xf32, #tpu.memory_space<hbm>>) dst(%dma_wait3A_256 : memref<32x128xf32, #tpu.memory_space<vmem>>)
      %dma_wait3A_265 = arith.constant 15 : i32
      %dma_wait3A_266 = arith.constant 1 : i32
      %dma_wait3A_267 = arith.constant 0 : i32
      %dma_wait3A_268 = arith.constant 0 : i32
      %dma_wait3A_269 = tpu.memref_slice %arg9[%dma_wait3A_266, %dma_wait3A_267, %dma_wait3A_268] : memref<2x128x128xf32, #tpu.memory_space<vmem>> -> memref<1x128x128xf32, #tpu.memory_space<vmem>>
      %dma_wait3A_270 = tpu.memref_squeeze %dma_wait3A_269 : memref<1x128x128xf32, #tpu.memory_space<vmem>> -> memref<128x128xf32, #tpu.memory_space<vmem>>
      %dma_wait3A_271 = arith.constant 64 : i32
      %dma_wait3A_272 = arith.constant 0 : i32
      %dma_wait3A_273 = tpu.memref_slice %dma_wait3A_270[%dma_wait3A_271, %dma_wait3A_272] : memref<128x128xf32, #tpu.memory_space<vmem>> -> memref<32x128xf32, #tpu.memory_space<vmem>>
      %dma_wait3A_274 = arith.constant 0 : i32
      %dma_wait3A_275 = tpu.memref_slice %arg7[%dma_wait3A_265, %dma_wait3A_274] : memref<16x128xi32, #tpu.memory_space<vmem>> -> memref<1x128xi32, #tpu.memory_space<vmem>>
      %dma_wait3A_276 = tpu.memref_squeeze %dma_wait3A_275 : memref<1x128xi32, #tpu.memory_space<vmem>> -> memref<128xi32, #tpu.memory_space<vmem>>
      %dma_wait3A_277 = arith.constant 64 : i32
      %dma_wait3A_278 = tpu.memref_slice %dma_wait3A_276[%dma_wait3A_277] : memref<128xi32, #tpu.memory_space<vmem>> -> memref<32xi32, #tpu.memory_space<vmem>>
      %dma_wait3A_279 = arith.constant 0 : i32
      %dma_wait3A_280 = arith.constant 0 : i32
      %dma_wait3A_281 = tpu.memref_slice %arg2[%dma_wait3A_279, %dma_wait3A_280] : memref<10240x128xf32, #tpu.memory_space<hbm>> -> memref<10240x128xf32, #tpu.memory_space<hbm>>
      tpu.wait_indirect_dma semaphore(%arg12 : memref<!tpu.dma_semaphore, #tpu.memory_space<semaphore_mem>>) src(%dma_wait3A_281 : memref<10240x128xf32, #tpu.memory_space<hbm>>) dst(%dma_wait3A_273 : memref<32x128xf32, #tpu.memory_space<vmem>>)
      %dma_wait3A_282 = arith.constant 15 : i32
      %dma_wait3A_283 = arith.constant 1 : i32
      %dma_wait3A_284 = arith.constant 0 : i32
      %dma_wait3A_285 = arith.constant 0 : i32
      %dma_wait3A_286 = tpu.memref_slice %arg9[%dma_wait3A_283, %dma_wait3A_284, %dma_wait3A_285] : memref<2x128x128xf32, #tpu.memory_space<vmem>> -> memref<1x128x128xf32, #tpu.memory_space<vmem>>
      %dma_wait3A_287 = tpu.memref_squeeze %dma_wait3A_286 : memref<1x128x128xf32, #tpu.memory_space<vmem>> -> memref<128x128xf32, #tpu.memory_space<vmem>>
      %dma_wait3A_288 = arith.constant 96 : i32
      %dma_wait3A_289 = arith.constant 0 : i32
      %dma_wait3A_290 = tpu.memref_slice %dma_wait3A_287[%dma_wait3A_288, %dma_wait3A_289] : memref<128x128xf32, #tpu.memory_space<vmem>> -> memref<32x128xf32, #tpu.memory_space<vmem>>
      %dma_wait3A_291 = arith.constant 0 : i32
      %dma_wait3A_292 = tpu.memref_slice %arg7[%dma_wait3A_282, %dma_wait3A_291] : memref<16x128xi32, #tpu.memory_space<vmem>> -> memref<1x128xi32, #tpu.memory_space<vmem>>
      %dma_wait3A_293 = tpu.memref_squeeze %dma_wait3A_292 : memref<1x128xi32, #tpu.memory_space<vmem>> -> memref<128xi32, #tpu.memory_space<vmem>>
      %dma_wait3A_294 = arith.constant 96 : i32
      %dma_wait3A_295 = tpu.memref_slice %dma_wait3A_293[%dma_wait3A_294] : memref<128xi32, #tpu.memory_space<vmem>> -> memref<32xi32, #tpu.memory_space<vmem>>
      %dma_wait3A_296 = arith.constant 0 : i32
      %dma_wait3A_297 = arith.constant 0 : i32
      %dma_wait3A_298 = tpu.memref_slice %arg2[%dma_wait3A_296, %dma_wait3A_297] : memref<10240x128xf32, #tpu.memory_space<hbm>> -> memref<10240x128xf32, #tpu.memory_space<hbm>>
      tpu.wait_indirect_dma semaphore(%arg12 : memref<!tpu.dma_semaphore, #tpu.memory_space<semaphore_mem>>) src(%dma_wait3A_298 : memref<10240x128xf32, #tpu.memory_space<hbm>>) dst(%dma_wait3A_290 : memref<32x128xf32, #tpu.memory_space<vmem>>)
      %run_scoped3A_299 = arith.constant 1 : i32
      %run_scoped3A_300 = arith.constant 15 : i32
      "tpu.region"() ({
        %run_scoped3A_301 = tpu.sem_alloc : memref<!tpu.dma_semaphore, #tpu.memory_space<semaphore_mem>>
        %dma_start3A_302 = arith.constant 0 : i32
        %dma_start3A_303 = arith.constant 0 : i32
        %dma_start3A_304 = tpu.memref_slice %arg9[%run_scoped3A_299, %dma_start3A_302, %dma_start3A_303] : memref<2x128x128xf32, #tpu.memory_space<vmem>> -> memref<1x128x128xf32, #tpu.memory_space<vmem>>
        %dma_start3A_305 = tpu.memref_squeeze %dma_start3A_304 : memref<1x128x128xf32, #tpu.memory_space<vmem>> -> memref<128x128xf32, #tpu.memory_space<vmem>>
        %dma_start3A_306 = arith.constant 0 : i32
        %dma_start3A_307 = tpu.memref_slice %arg8[%run_scoped3A_300, %dma_start3A_306] : memref<16x128xi32, #tpu.memory_space<vmem>> -> memref<1x128xi32, #tpu.memory_space<vmem>>
        %dma_start3A_308 = tpu.memref_squeeze %dma_start3A_307 : memref<1x128xi32, #tpu.memory_space<vmem>> -> memref<128xi32, #tpu.memory_space<vmem>>
        %dma_start3A_309 = arith.constant 0 : i32
        %dma_start3A_310 = arith.constant 0 : i32
        %dma_start3A_311 = tpu.memref_slice %arg10[%dma_start3A_309, %dma_start3A_310] : memref<10240x128xf32, #tpu.memory_space<vmem_shared>> -> memref<10240x128xf32, #tpu.memory_space<vmem_shared>>
        tpu.enqueue_indirect_dma source(%dma_start3A_305 : memref<128x128xf32, #tpu.memory_space<vmem>>) target(%dma_start3A_311 : memref<10240x128xf32, #tpu.memory_space<vmem_shared>>) offsets(%dma_start3A_308 : memref<128xi32, #tpu.memory_space<vmem>>) semaphore(%run_scoped3A_301 : memref<!tpu.dma_semaphore, #tpu.memory_space<semaphore_mem>>) {add = true}
        %dma_wait3A_312 = arith.constant 0 : i32
        %dma_wait3A_313 = arith.constant 0 : i32
        %dma_wait3A_314 = tpu.memref_slice %arg9[%run_scoped3A_299, %dma_wait3A_312, %dma_wait3A_313] : memref<2x128x128xf32, #tpu.memory_space<vmem>> -> memref<1x128x128xf32, #tpu.memory_space<vmem>>
        %dma_wait3A_315 = tpu.memref_squeeze %dma_wait3A_314 : memref<1x128x128xf32, #tpu.memory_space<vmem>> -> memref<128x128xf32, #tpu.memory_space<vmem>>
        %dma_wait3A_316 = arith.constant 0 : i32
        %dma_wait3A_317 = tpu.memref_slice %arg8[%run_scoped3A_300, %dma_wait3A_316] : memref<16x128xi32, #tpu.memory_space<vmem>> -> memref<1x128xi32, #tpu.memory_space<vmem>>
        %dma_wait3A_318 = tpu.memref_squeeze %dma_wait3A_317 : memref<1x128xi32, #tpu.memory_space<vmem>> -> memref<128xi32, #tpu.memory_space<vmem>>
        %dma_wait3A_319 = arith.constant 0 : i32
        %dma_wait3A_320 = arith.constant 0 : i32
        %dma_wait3A_321 = tpu.memref_slice %arg10[%dma_wait3A_319, %dma_wait3A_320] : memref<10240x128xf32, #tpu.memory_space<vmem_shared>> -> memref<10240x128xf32, #tpu.memory_space<vmem_shared>>
        tpu.wait_indirect_dma semaphore(%run_scoped3A_301 : memref<!tpu.dma_semaphore, #tpu.memory_space<semaphore_mem>>) src(%dma_wait3A_315 : memref<128x128xf32, #tpu.memory_space<vmem>>) dst(%dma_wait3A_321 : memref<10240x128xf32, #tpu.memory_space<vmem_shared>>)
        tpu.yield
      }) : () -> ()
    }
    %scan3A_8 = arith.constant 5 : i32
    %barrier3A_9 = arith.constant 0 : index
    tpu.barrier barrier_id(%barrier3A_9)
    %mul3A_10 = arith.constant 640 : i32
    %mul3A_11 = arith.muli %arg1, %mul3A_10 : i32
    %mul3A_12 = arith.constant 640 : i32
    %mul3A_13 = arith.muli %arg1, %mul3A_12 : i32
    "tpu.region"() ({
      %run_scoped3A = tpu.sem_alloc : memref<!tpu.dma_semaphore, #tpu.memory_space<semaphore_mem>>
      %dma_start3A = arith.constant 0 : i32
      %dma_start3A_14 = arith.constant 0 : i32
      %dma_start3A_15 = tpu.memref_slice %arg6[%arg0, %dma_start3A, %dma_start3A_14] : memref<2x10240x128xf32, #tpu.memory_space<hbm>> -> memref<1x10240x128xf32, #tpu.memory_space<hbm>>
      %dma_start3A_16 = tpu.memref_squeeze %dma_start3A_15 : memref<1x10240x128xf32, #tpu.memory_space<hbm>> -> memref<10240x128xf32, #tpu.memory_space<hbm>>
      %dma_start3A_17 = arith.constant 0 : i32
      %dma_start3A_18 = tpu.memref_slice %dma_start3A_16[%mul3A_13, %dma_start3A_17] : memref<10240x128xf32, #tpu.memory_space<hbm>> -> memref<640x128xf32, #tpu.memory_space<hbm>>
      %dma_start3A_19 = arith.constant 0 : i32
      %dma_start3A_20 = tpu.memref_slice %arg10[%mul3A_11, %dma_start3A_19] : memref<10240x128xf32, #tpu.memory_space<vmem_shared>> -> memref<640x128xf32, #tpu.memory_space<vmem_shared>>
      tpu.enqueue_dma source(%dma_start3A_20 : memref<640x128xf32, #tpu.memory_space<vmem_shared>>) target(%dma_start3A_18 : memref<640x128xf32, #tpu.memory_space<hbm>>) target_semaphore(%run_scoped3A : memref<!tpu.dma_semaphore, #tpu.memory_space<semaphore_mem>>)
      %dma_wait3A = arith.constant 0 : i32
      %dma_wait3A_21 = arith.constant 0 : i32
      %dma_wait3A_22 = tpu.memref_slice %arg6[%arg0, %dma_wait3A, %dma_wait3A_21] : memref<2x10240x128xf32, #tpu.memory_space<hbm>> -> memref<1x10240x128xf32, #tpu.memory_space<hbm>>
      %dma_wait3A_23 = tpu.memref_squeeze %dma_wait3A_22 : memref<1x10240x128xf32, #tpu.memory_space<hbm>> -> memref<10240x128xf32, #tpu.memory_space<hbm>>
      %dma_wait3A_24 = arith.constant 0 : i32
      %dma_wait3A_25 = tpu.memref_slice %dma_wait3A_23[%mul3A_13, %dma_wait3A_24] : memref<10240x128xf32, #tpu.memory_space<hbm>> -> memref<640x128xf32, #tpu.memory_space<hbm>>
      %dma_wait3A_26 = arith.constant 0 : i32
      %dma_wait3A_27 = tpu.memref_slice %arg10[%mul3A_11, %dma_wait3A_26] : memref<10240x128xf32, #tpu.memory_space<vmem_shared>> -> memref<640x128xf32, #tpu.memory_space<vmem_shared>>
      tpu.wait_dma2 semaphore(%run_scoped3A : memref<!tpu.dma_semaphore, #tpu.memory_space<semaphore_mem>>) src(%dma_wait3A_27 : memref<640x128xf32, #tpu.memory_space<vmem_shared>>) dst(%dma_wait3A_25 : memref<640x128xf32, #tpu.memory_space<hbm>>)
      tpu.yield
    }) : () -> ()
    return
  }
}

#map = affine_map<(d0, d1) -> (0, 0)>
#map1 = affine_map<(d0, d1) -> (0, 0, 0)>
module attributes {stable_mosaic.version = 14 : i64} {
  func.func @k(%arg0: i32, %arg1: i32, %arg2: memref<10240x128xf32, #tpu.memory_space<hbm>>, %arg3: memref<32x80x128xi32, #tpu.memory_space<hbm>>, %arg4: memref<32x80x128xi32, #tpu.memory_space<hbm>>, %arg5: memref<10240x128xf32, #tpu.memory_space<hbm>>, %arg6: memref<2x10240x128xf32, #tpu.memory_space<hbm>>, %arg7: memref<16x128xi32, #tpu.memory_space<vmem>>, %arg8: memref<16x128xi32, #tpu.memory_space<vmem>>, %arg9: memref<2x128x128xf32, #tpu.memory_space<vmem>>, %arg10: memref<10240x128xf32, #tpu.memory_space<vmem_shared>>, %arg11: memref<!tpu.dma_semaphore, #tpu.memory_space<semaphore_mem>>, %arg12: memref<!tpu.dma_semaphore, #tpu.memory_space<semaphore_mem>>) attributes {dimension_semantics = [#tpu.dimension_semantics<core_parallel>, #tpu.dimension_semantics<subcore_parallel>], iteration_bounds = array<i64: 2, 16>, scalar_prefetch = 0 : i64, scratch_operands = 6 : i64, tpu.core_type = #tpu.core_type<sc_vector_subcore>, window_params = [{transform_indices = #map}, {transform_indices = #map1}, {transform_indices = #map1}, {transform_indices = #map}, {transform_indices = #map1}]} {
    %mul3A = arith.constant 2 : i32
    %mul3A_0 = arith.muli %arg1, %mul3A : i32
    %add3A = arith.addi %mul3A_0, %arg0 : i32
    %mul3A_1 = arith.constant 640 : i32
    %mul3A_2 = arith.muli %arg1, %mul3A_1 : i32
    %mul3A_3 = arith.constant 640 : i32
    %mul3A_4 = arith.muli %arg1, %mul3A_3 : i32
    "tpu.region"() ({
      %run_scoped3A = tpu.sem_alloc : memref<!tpu.dma_semaphore, #tpu.memory_space<semaphore_mem>>
      %dma_start3A = arith.constant 0 : i32
      %dma_start3A_14 = tpu.memref_slice %arg10[%mul3A_4, %dma_start3A] : memref<10240x128xf32, #tpu.memory_space<vmem_shared>> -> memref<640x128xf32, #tpu.memory_space<vmem_shared>>
      %dma_start3A_15 = arith.constant 0 : i32
      %dma_start3A_16 = tpu.memref_slice %arg5[%mul3A_2, %dma_start3A_15] : memref<10240x128xf32, #tpu.memory_space<hbm>> -> memref<640x128xf32, #tpu.memory_space<hbm>>
      tpu.enqueue_dma source(%dma_start3A_16 : memref<640x128xf32, #tpu.memory_space<hbm>>) target(%dma_start3A_14 : memref<640x128xf32, #tpu.memory_space<vmem_shared>>) target_semaphore(%run_scoped3A : memref<!tpu.dma_semaphore, #tpu.memory_space<semaphore_mem>>)
      %dma_wait3A = arith.constant 0 : i32
      %dma_wait3A_17 = tpu.memref_slice %arg10[%mul3A_4, %dma_wait3A] : memref<10240x128xf32, #tpu.memory_space<vmem_shared>> -> memref<640x128xf32, #tpu.memory_space<vmem_shared>>
      %dma_wait3A_18 = arith.constant 0 : i32
      %dma_wait3A_19 = tpu.memref_slice %arg5[%mul3A_2, %dma_wait3A_18] : memref<10240x128xf32, #tpu.memory_space<hbm>> -> memref<640x128xf32, #tpu.memory_space<hbm>>
      tpu.wait_dma2 semaphore(%run_scoped3A : memref<!tpu.dma_semaphore, #tpu.memory_space<semaphore_mem>>) src(%dma_wait3A_19 : memref<640x128xf32, #tpu.memory_space<hbm>>) dst(%dma_wait3A_17 : memref<640x128xf32, #tpu.memory_space<vmem_shared>>)
      tpu.yield
    }) : () -> ()
    %barrier3A = arith.constant 0 : index
    tpu.barrier barrier_id(%barrier3A)
    %scan3A = arith.constant 0 : i32
    %scan3A_5 = arith.constant 5 : i32
    %scan3A_6 = arith.addi %scan3A, %scan3A_5 : i32
    %scan3A_7 = arith.constant 1 : i32
    scf.for %scan3A_14 = %scan3A to %scan3A_6 step %scan3A_7  : i32 {
      %mul3A_15 = arith.constant 1 : i32
      %mul3A_16 = arith.muli %scan3A_14, %mul3A_15 : i32
      %add3A_17 = arith.constant 0 : i32
      %add3A_18 = arith.addi %add3A_17, %mul3A_16 : i32
      %mul3A_19 = arith.constant 16 : i32
      %mul3A_20 = arith.muli %add3A_18, %mul3A_19 : i32
      "tpu.region"() ({
        %run_scoped3A_301 = tpu.sem_alloc : memref<!tpu.dma_semaphore, #tpu.memory_space<semaphore_mem>>
        %dma_start3A_302 = arith.constant 0 : i32
        %dma_start3A_303 = arith.constant 0 : i32
        %dma_start3A_304 = tpu.memref_slice %arg3[%add3A, %dma_start3A_302, %dma_start3A_303] : memref<32x80x128xi32, #tpu.memory_space<hbm>> -> memref<1x80x128xi32, #tpu.memory_space<hbm>>
        %dma_start3A_305 = tpu.memref_squeeze %dma_start3A_304 : memref<1x80x128xi32, #tpu.memory_space<hbm>> -> memref<80x128xi32, #tpu.memory_space<hbm>>
        %dma_start3A_306 = arith.constant 0 : i32
        %dma_start3A_307 = tpu.memref_slice %dma_start3A_305[%mul3A_20, %dma_start3A_306] : memref<80x128xi32, #tpu.memory_space<hbm>> -> memref<16x128xi32, #tpu.memory_space<hbm>>
        %dma_start3A_308 = arith.constant 0 : i32
        %dma_start3A_309 = arith.constant 0 : i32
        %dma_start3A_310 = tpu.memref_slice %arg3[%add3A, %dma_start3A_308, %dma_start3A_309] : memref<32x80x128xi32, #tpu.memory_space<hbm>> -> memref<1x80x128xi32, #tpu.memory_space<hbm>>
        %dma_start3A_311 = tpu.memref_squeeze %dma_start3A_310 : memref<1x80x128xi32, #tpu.memory_space<hbm>> -> memref<80x128xi32, #tpu.memory_space<hbm>>
        %dma_start3A_312 = arith.constant 0 : i32
        %dma_start3A_313 = tpu.memref_slice %dma_start3A_311[%mul3A_20, %dma_start3A_312] : memref<80x128xi32, #tpu.memory_space<hbm>> -> memref<16x128xi32, #tpu.memory_space<hbm>>
        tpu.enqueue_dma source(%dma_start3A_313 : memref<16x128xi32, #tpu.memory_space<hbm>>) target(%arg7 : memref<16x128xi32, #tpu.memory_space<vmem>>) target_semaphore(%run_scoped3A_301 : memref<!tpu.dma_semaphore, #tpu.memory_space<semaphore_mem>>)
        %dma_wait3A_314 = arith.constant 0 : i32
        %dma_wait3A_315 = arith.constant 0 : i32
        %dma_wait3A_316 = tpu.memref_slice %arg3[%add3A, %dma_wait3A_314, %dma_wait3A_315] : memref<32x80x128xi32, #tpu.memory_space<hbm>> -> memref<1x80x128xi32, #tpu.memory_space<hbm>>
        %dma_wait3A_317 = tpu.memref_squeeze %dma_wait3A_316 : memref<1x80x128xi32, #tpu.memory_space<hbm>> -> memref<80x128xi32, #tpu.memory_space<hbm>>
        %dma_wait3A_318 = arith.constant 0 : i32
        %dma_wait3A_319 = tpu.memref_slice %dma_wait3A_317[%mul3A_20, %dma_wait3A_318] : memref<80x128xi32, #tpu.memory_space<hbm>> -> memref<16x128xi32, #tpu.memory_space<hbm>>
        %dma_wait3A_320 = arith.constant 0 : i32
        %dma_wait3A_321 = arith.constant 0 : i32
        %dma_wait3A_322 = tpu.memref_slice %arg3[%add3A, %dma_wait3A_320, %dma_wait3A_321] : memref<32x80x128xi32, #tpu.memory_space<hbm>> -> memref<1x80x128xi32, #tpu.memory_space<hbm>>
        %dma_wait3A_323 = tpu.memref_squeeze %dma_wait3A_322 : memref<1x80x128xi32, #tpu.memory_space<hbm>> -> memref<80x128xi32, #tpu.memory_space<hbm>>
        %dma_wait3A_324 = arith.constant 0 : i32
        %dma_wait3A_325 = tpu.memref_slice %dma_wait3A_323[%mul3A_20, %dma_wait3A_324] : memref<80x128xi32, #tpu.memory_space<hbm>> -> memref<16x128xi32, #tpu.memory_space<hbm>>
        tpu.wait_dma2 semaphore(%run_scoped3A_301 : memref<!tpu.dma_semaphore, #tpu.memory_space<semaphore_mem>>) src(%dma_wait3A_325 : memref<16x128xi32, #tpu.memory_space<hbm>>) dst(%arg7 : memref<16x128xi32, #tpu.memory_space<vmem>>)
        tpu.yield
      }) : () -> ()
      %mul3A_21 = arith.constant 16 : i32
      %mul3A_22 = arith.muli %add3A_18, %mul3A_21 : i32
      "tpu.region"() ({
        %run_scoped3A_301 = tpu.sem_alloc : memref<!tpu.dma_semaphore, #tpu.memory_space<semaphore_mem>>
        %dma_start3A_302 = arith.constant 0 : i32
        %dma_start3A_303 = arith.constant 0 : i32
        %dma_start3A_304 = tpu.memref_slice %arg4[%add3A, %dma_start3A_302, %dma_start3A_303] : memref<32x80x128xi32, #tpu.memory_space<hbm>> -> memref<1x80x128xi32, #tpu.memory_space<hbm>>
        %dma_start3A_305 = tpu.memref_squeeze %dma_start3A_304 : memref<1x80x128xi32, #tpu.memory_space<hbm>> -> memref<80x128xi32, #tpu.memory_space<hbm>>
        %dma_start3A_306 = arith.constant 0 : i32
        %dma_start3A_307 = tpu.memref_slice %dma_start3A_305[%mul3A_22, %dma_start3A_306] : memref<80x128xi32, #tpu.memory_space<hbm>> -> memref<16x128xi32, #tpu.memory_space<hbm>>
        %dma_start3A_308 = arith.constant 0 : i32
        %dma_start3A_309 = arith.constant 0 : i32
        %dma_start3A_310 = tpu.memref_slice %arg4[%add3A, %dma_start3A_308, %dma_start3A_309] : memref<32x80x128xi32, #tpu.memory_space<hbm>> -> memref<1x80x128xi32, #tpu.memory_space<hbm>>
        %dma_start3A_311 = tpu.memref_squeeze %dma_start3A_310 : memref<1x80x128xi32, #tpu.memory_space<hbm>> -> memref<80x128xi32, #tpu.memory_space<hbm>>
        %dma_start3A_312 = arith.constant 0 : i32
        %dma_start3A_313 = tpu.memref_slice %dma_start3A_311[%mul3A_22, %dma_start3A_312] : memref<80x128xi32, #tpu.memory_space<hbm>> -> memref<16x128xi32, #tpu.memory_space<hbm>>
        tpu.enqueue_dma source(%dma_start3A_313 : memref<16x128xi32, #tpu.memory_space<hbm>>) target(%arg8 : memref<16x128xi32, #tpu.memory_space<vmem>>) target_semaphore(%run_scoped3A_301 : memref<!tpu.dma_semaphore, #tpu.memory_space<semaphore_mem>>)
        %dma_wait3A_314 = arith.constant 0 : i32
        %dma_wait3A_315 = arith.constant 0 : i32
        %dma_wait3A_316 = tpu.memref_slice %arg4[%add3A, %dma_wait3A_314, %dma_wait3A_315] : memref<32x80x128xi32, #tpu.memory_space<hbm>> -> memref<1x80x128xi32, #tpu.memory_space<hbm>>
        %dma_wait3A_317 = tpu.memref_squeeze %dma_wait3A_316 : memref<1x80x128xi32, #tpu.memory_space<hbm>> -> memref<80x128xi32, #tpu.memory_space<hbm>>
        %dma_wait3A_318 = arith.constant 0 : i32
        %dma_wait3A_319 = tpu.memref_slice %dma_wait3A_317[%mul3A_22, %dma_wait3A_318] : memref<80x128xi32, #tpu.memory_space<hbm>> -> memref<16x128xi32, #tpu.memory_space<hbm>>
        %dma_wait3A_320 = arith.constant 0 : i32
        %dma_wait3A_321 = arith.constant 0 : i32
        %dma_wait3A_322 = tpu.memref_slice %arg4[%add3A, %dma_wait3A_320, %dma_wait3A_321] : memref<32x80x128xi32, #tpu.memory_space<hbm>> -> memref<1x80x128xi32, #tpu.memory_space<hbm>>
        %dma_wait3A_323 = tpu.memref_squeeze %dma_wait3A_322 : memref<1x80x128xi32, #tpu.memory_space<hbm>> -> memref<80x128xi32, #tpu.memory_space<hbm>>
        %dma_wait3A_324 = arith.constant 0 : i32
        %dma_wait3A_325 = tpu.memref_slice %dma_wait3A_323[%mul3A_22, %dma_wait3A_324] : memref<80x128xi32, #tpu.memory_space<hbm>> -> memref<16x128xi32, #tpu.memory_space<hbm>>
        tpu.wait_dma2 semaphore(%run_scoped3A_301 : memref<!tpu.dma_semaphore, #tpu.memory_space<semaphore_mem>>) src(%dma_wait3A_325 : memref<16x128xi32, #tpu.memory_space<hbm>>) dst(%arg8 : memref<16x128xi32, #tpu.memory_space<vmem>>)
        tpu.yield
      }) : () -> ()
      %dma_start3A = arith.constant 0 : i32
      %dma_start3A_23 = arith.constant 0 : i32
      %dma_start3A_24 = arith.constant 0 : i32
      %dma_start3A_25 = arith.constant 0 : i32
      %dma_start3A_26 = tpu.memref_slice %arg9[%dma_start3A_23, %dma_start3A_24, %dma_start3A_25] : memref<2x128x128xf32, #tpu.memory_space<vmem>> -> memref<1x128x128xf32, #tpu.memory_space<vmem>>
      %dma_start3A_27 = tpu.memref_squeeze %dma_start3A_26 : memref<1x128x128xf32, #tpu.memory_space<vmem>> -> memref<128x128xf32, #tpu.memory_space<vmem>>
      %dma_start3A_28 = arith.constant 0 : i32
      %dma_start3A_29 = arith.constant 0 : i32
      %dma_start3A_30 = tpu.memref_slice %dma_start3A_27[%dma_start3A_28, %dma_start3A_29] : memref<128x128xf32, #tpu.memory_space<vmem>> -> memref<32x128xf32, #tpu.memory_space<vmem>>
      %dma_start3A_31 = arith.constant 0 : i32
      %dma_start3A_32 = tpu.memref_slice %arg7[%dma_start3A, %dma_start3A_31] : memref<16x128xi32, #tpu.memory_space<vmem>> -> memref<1x128xi32, #tpu.memory_space<vmem>>
      %dma_start3A_33 = tpu.memref_squeeze %dma_start3A_32 : memref<1x128xi32, #tpu.memory_space<vmem>> -> memref<128xi32, #tpu.memory_space<vmem>>
      %dma_start3A_34 = arith.constant 0 : i32
      %dma_start3A_35 = tpu.memref_slice %dma_start3A_33[%dma_start3A_34] : memref<128xi32, #tpu.memory_space<vmem>> -> memref<32xi32, #tpu.memory_space<vmem>>
      %dma_start3A_36 = arith.constant 0 : i32
      %dma_start3A_37 = arith.constant 0 : i32
      %dma_start3A_38 = tpu.memref_slice %arg2[%dma_start3A_36, %dma_start3A_37] : memref<10240x128xf32, #tpu.memory_space<hbm>> -> memref<10240x128xf32, #tpu.memory_space<hbm>>
      tpu.enqueue_indirect_dma source(%dma_start3A_38 : memref<10240x128xf32, #tpu.memory_space<hbm>>) target(%dma_start3A_30 : memref<32x128xf32, #tpu.memory_space<vmem>>) offsets(%dma_start3A_35 : memref<32xi32, #tpu.memory_space<vmem>>) semaphore(%arg11 : memref<!tpu.dma_semaphore, #tpu.memory_space<semaphore_mem>>)
      %dma_start3A_39 = arith.constant 0 : i32
      %dma_start3A_40 = arith.constant 0 : i32
      %dma_start3A_41 = arith.constant 0 : i32
      %dma_start3A_42 = arith.constant 0 : i32
      %dma_start3A_43 = tpu.memref_slice %arg9[%dma_start3A_40, %dma_start3A_41, %dma_start3A_42] : memref<2x128x128xf32, #tpu.memory_space<vmem>> -> memref<1x128x128xf32, #tpu.memory_space<vmem>>
      %dma_start3A_44 = tpu.memref_squeeze %dma_start3A_43 : memref<1x128x128xf32, #tpu.memory_space<vmem>> -> memref<128x128xf32, #tpu.memory_space<vmem>>
      %dma_start3A_45 = arith.constant 32 : i32
      %dma_start3A_46 = arith.constant 0 : i32
      %dma_start3A_47 = tpu.memref_slice %dma_start3A_44[%dma_start3A_45, %dma_start3A_46] : memref<128x128xf32, #tpu.memory_space<vmem>> -> memref<32x128xf32, #tpu.memory_space<vmem>>
      %dma_start3A_48 = arith.constant 0 : i32
      %dma_start3A_49 = tpu.memref_slice %arg7[%dma_start3A_39, %dma_start3A_48] : memref<16x128xi32, #tpu.memory_space<vmem>> -> memref<1x128xi32, #tpu.memory_space<vmem>>
      %dma_start3A_50 = tpu.memref_squeeze %dma_start3A_49 : memref<1x128xi32, #tpu.memory_space<vmem>> -> memref<128xi32, #tpu.memory_space<vmem>>
      %dma_start3A_51 = arith.constant 32 : i32
      %dma_start3A_52 = tpu.memref_slice %dma_start3A_50[%dma_start3A_51] : memref<128xi32, #tpu.memory_space<vmem>> -> memref<32xi32, #tpu.memory_space<vmem>>
      %dma_start3A_53 = arith.constant 0 : i32
      %dma_start3A_54 = arith.constant 0 : i32
      %dma_start3A_55 = tpu.memref_slice %arg2[%dma_start3A_53, %dma_start3A_54] : memref<10240x128xf32, #tpu.memory_space<hbm>> -> memref<10240x128xf32, #tpu.memory_space<hbm>>
      tpu.enqueue_indirect_dma source(%dma_start3A_55 : memref<10240x128xf32, #tpu.memory_space<hbm>>) target(%dma_start3A_47 : memref<32x128xf32, #tpu.memory_space<vmem>>) offsets(%dma_start3A_52 : memref<32xi32, #tpu.memory_space<vmem>>) semaphore(%arg11 : memref<!tpu.dma_semaphore, #tpu.memory_space<semaphore_mem>>)
      %dma_start3A_56 = arith.constant 0 : i32
      %dma_start3A_57 = arith.constant 0 : i32
      %dma_start3A_58 = arith.constant 0 : i32
      %dma_start3A_59 = arith.constant 0 : i32
      %dma_start3A_60 = tpu.memref_slice %arg9[%dma_start3A_57, %dma_start3A_58, %dma_start3A_59] : memref<2x128x128xf32, #tpu.memory_space<vmem>> -> memref<1x128x128xf32, #tpu.memory_space<vmem>>
      %dma_start3A_61 = tpu.memref_squeeze %dma_start3A_60 : memref<1x128x128xf32, #tpu.memory_space<vmem>> -> memref<128x128xf32, #tpu.memory_space<vmem>>
      %dma_start3A_62 = arith.constant 64 : i32
      %dma_start3A_63 = arith.constant 0 : i32
      %dma_start3A_64 = tpu.memref_slice %dma_start3A_61[%dma_start3A_62, %dma_start3A_63] : memref<128x128xf32, #tpu.memory_space<vmem>> -> memref<32x128xf32, #tpu.memory_space<vmem>>
      %dma_start3A_65 = arith.constant 0 : i32
      %dma_start3A_66 = tpu.memref_slice %arg7[%dma_start3A_56, %dma_start3A_65] : memref<16x128xi32, #tpu.memory_space<vmem>> -> memref<1x128xi32, #tpu.memory_space<vmem>>
      %dma_start3A_67 = tpu.memref_squeeze %dma_start3A_66 : memref<1x128xi32, #tpu.memory_space<vmem>> -> memref<128xi32, #tpu.memory_space<vmem>>
      %dma_start3A_68 = arith.constant 64 : i32
      %dma_start3A_69 = tpu.memref_slice %dma_start3A_67[%dma_start3A_68] : memref<128xi32, #tpu.memory_space<vmem>> -> memref<32xi32, #tpu.memory_space<vmem>>
      %dma_start3A_70 = arith.constant 0 : i32
      %dma_start3A_71 = arith.constant 0 : i32
      %dma_start3A_72 = tpu.memref_slice %arg2[%dma_start3A_70, %dma_start3A_71] : memref<10240x128xf32, #tpu.memory_space<hbm>> -> memref<10240x128xf32, #tpu.memory_space<hbm>>
      tpu.enqueue_indirect_dma source(%dma_start3A_72 : memref<10240x128xf32, #tpu.memory_space<hbm>>) target(%dma_start3A_64 : memref<32x128xf32, #tpu.memory_space<vmem>>) offsets(%dma_start3A_69 : memref<32xi32, #tpu.memory_space<vmem>>) semaphore(%arg11 : memref<!tpu.dma_semaphore, #tpu.memory_space<semaphore_mem>>)
      %dma_start3A_73 = arith.constant 0 : i32
      %dma_start3A_74 = arith.constant 0 : i32
      %dma_start3A_75 = arith.constant 0 : i32
      %dma_start3A_76 = arith.constant 0 : i32
      %dma_start3A_77 = tpu.memref_slice %arg9[%dma_start3A_74, %dma_start3A_75, %dma_start3A_76] : memref<2x128x128xf32, #tpu.memory_space<vmem>> -> memref<1x128x128xf32, #tpu.memory_space<vmem>>
      %dma_start3A_78 = tpu.memref_squeeze %dma_start3A_77 : memref<1x128x128xf32, #tpu.memory_space<vmem>> -> memref<128x128xf32, #tpu.memory_space<vmem>>
      %dma_start3A_79 = arith.constant 96 : i32
      %dma_start3A_80 = arith.constant 0 : i32
      %dma_start3A_81 = tpu.memref_slice %dma_start3A_78[%dma_start3A_79, %dma_start3A_80] : memref<128x128xf32, #tpu.memory_space<vmem>> -> memref<32x128xf32, #tpu.memory_space<vmem>>
      %dma_start3A_82 = arith.constant 0 : i32
      %dma_start3A_83 = tpu.memref_slice %arg7[%dma_start3A_73, %dma_start3A_82] : memref<16x128xi32, #tpu.memory_space<vmem>> -> memref<1x128xi32, #tpu.memory_space<vmem>>
      %dma_start3A_84 = tpu.memref_squeeze %dma_start3A_83 : memref<1x128xi32, #tpu.memory_space<vmem>> -> memref<128xi32, #tpu.memory_space<vmem>>
      %dma_start3A_85 = arith.constant 96 : i32
      %dma_start3A_86 = tpu.memref_slice %dma_start3A_84[%dma_start3A_85] : memref<128xi32, #tpu.memory_space<vmem>> -> memref<32xi32, #tpu.memory_space<vmem>>
      %dma_start3A_87 = arith.constant 0 : i32
      %dma_start3A_88 = arith.constant 0 : i32
      %dma_start3A_89 = tpu.memref_slice %arg2[%dma_start3A_87, %dma_start3A_88] : memref<10240x128xf32, #tpu.memory_space<hbm>> -> memref<10240x128xf32, #tpu.memory_space<hbm>>
      tpu.enqueue_indirect_dma source(%dma_start3A_89 : memref<10240x128xf32, #tpu.memory_space<hbm>>) target(%dma_start3A_81 : memref<32x128xf32, #tpu.memory_space<vmem>>) offsets(%dma_start3A_86 : memref<32xi32, #tpu.memory_space<vmem>>) semaphore(%arg11 : memref<!tpu.dma_semaphore, #tpu.memory_space<semaphore_mem>>)
      %scan3A_90 = arith.constant 0 : i32
      %scan3A_91 = arith.constant 7 : i32
      %scan3A_92 = arith.addi %scan3A_90, %scan3A_91 : i32
      %scan3A_93 = arith.constant 1 : i32
      scf.for %scan3A_301 = %scan3A_90 to %scan3A_92 step %scan3A_93  : i32 {
        %mul3A_302 = arith.constant 2 : i32
        %mul3A_303 = arith.muli %scan3A_301, %mul3A_302 : i32
        %add3A_304 = arith.constant 0 : i32
        %add3A_305 = arith.addi %add3A_304, %mul3A_303 : i32
        %add3A_306 = arith.constant 1 : i32
        %add3A_307 = arith.addi %add3A_305, %add3A_306 : i32
        %dma_start3A_308 = arith.constant 1 : i32
        %dma_start3A_309 = arith.constant 0 : i32
        %dma_start3A_310 = arith.constant 0 : i32
        %dma_start3A_311 = tpu.memref_slice %arg9[%dma_start3A_308, %dma_start3A_309, %dma_start3A_310] : memref<2x128x128xf32, #tpu.memory_space<vmem>> -> memref<1x128x128xf32, #tpu.memory_space<vmem>>
        %dma_start3A_312 = tpu.memref_squeeze %dma_start3A_311 : memref<1x128x128xf32, #tpu.memory_space<vmem>> -> memref<128x128xf32, #tpu.memory_space<vmem>>
        %dma_start3A_313 = arith.constant 0 : i32
        %dma_start3A_314 = arith.constant 0 : i32
        %dma_start3A_315 = tpu.memref_slice %dma_start3A_312[%dma_start3A_313, %dma_start3A_314] : memref<128x128xf32, #tpu.memory_space<vmem>> -> memref<32x128xf32, #tpu.memory_space<vmem>>
        %dma_start3A_316 = arith.constant 0 : i32
        %dma_start3A_317 = tpu.memref_slice %arg7[%add3A_307, %dma_start3A_316] : memref<16x128xi32, #tpu.memory_space<vmem>> -> memref<1x128xi32, #tpu.memory_space<vmem>>
        %dma_start3A_318 = tpu.memref_squeeze %dma_start3A_317 : memref<1x128xi32, #tpu.memory_space<vmem>> -> memref<128xi32, #tpu.memory_space<vmem>>
        %dma_start3A_319 = arith.constant 0 : i32
        %dma_start3A_320 = tpu.memref_slice %dma_start3A_318[%dma_start3A_319] : memref<128xi32, #tpu.memory_space<vmem>> -> memref<32xi32, #tpu.memory_space<vmem>>
        %dma_start3A_321 = arith.constant 0 : i32
        %dma_start3A_322 = arith.constant 0 : i32
        %dma_start3A_323 = tpu.memref_slice %arg2[%dma_start3A_321, %dma_start3A_322] : memref<10240x128xf32, #tpu.memory_space<hbm>> -> memref<10240x128xf32, #tpu.memory_space<hbm>>
        tpu.enqueue_indirect_dma source(%dma_start3A_323 : memref<10240x128xf32, #tpu.memory_space<hbm>>) target(%dma_start3A_315 : memref<32x128xf32, #tpu.memory_space<vmem>>) offsets(%dma_start3A_320 : memref<32xi32, #tpu.memory_space<vmem>>) semaphore(%arg12 : memref<!tpu.dma_semaphore, #tpu.memory_space<semaphore_mem>>)
        %dma_start3A_324 = arith.constant 1 : i32
        %dma_start3A_325 = arith.constant 0 : i32
        %dma_start3A_326 = arith.constant 0 : i32
        %dma_start3A_327 = tpu.memref_slice %arg9[%dma_start3A_324, %dma_start3A_325, %dma_start3A_326] : memref<2x128x128xf32, #tpu.memory_space<vmem>> -> memref<1x128x128xf32, #tpu.memory_space<vmem>>
        %dma_start3A_328 = tpu.memref_squeeze %dma_start3A_327 : memref<1x128x128xf32, #tpu.memory_space<vmem>> -> memref<128x128xf32, #tpu.memory_space<vmem>>
        %dma_start3A_329 = arith.constant 32 : i32
        %dma_start3A_330 = arith.constant 0 : i32
        %dma_start3A_331 = tpu.memref_slice %dma_start3A_328[%dma_start3A_329, %dma_start3A_330] : memref<128x128xf32, #tpu.memory_space<vmem>> -> memref<32x128xf32, #tpu.memory_space<vmem>>
        %dma_start3A_332 = arith.constant 0 : i32
        %dma_start3A_333 = tpu.memref_slice %arg7[%add3A_307, %dma_start3A_332] : memref<16x128xi32, #tpu.memory_space<vmem>> -> memref<1x128xi32, #tpu.memory_space<vmem>>
        %dma_start3A_334 = tpu.memref_squeeze %dma_start3A_333 : memref<1x128xi32, #tpu.memory_space<vmem>> -> memref<128xi32, #tpu.memory_space<vmem>>
        %dma_start3A_335 = arith.constant 32 : i32
        %dma_start3A_336 = tpu.memref_slice %dma_start3A_334[%dma_start3A_335] : memref<128xi32, #tpu.memory_space<vmem>> -> memref<32xi32, #tpu.memory_space<vmem>>
        %dma_start3A_337 = arith.constant 0 : i32
        %dma_start3A_338 = arith.constant 0 : i32
        %dma_start3A_339 = tpu.memref_slice %arg2[%dma_start3A_337, %dma_start3A_338] : memref<10240x128xf32, #tpu.memory_space<hbm>> -> memref<10240x128xf32, #tpu.memory_space<hbm>>
        tpu.enqueue_indirect_dma source(%dma_start3A_339 : memref<10240x128xf32, #tpu.memory_space<hbm>>) target(%dma_start3A_331 : memref<32x128xf32, #tpu.memory_space<vmem>>) offsets(%dma_start3A_336 : memref<32xi32, #tpu.memory_space<vmem>>) semaphore(%arg12 : memref<!tpu.dma_semaphore, #tpu.memory_space<semaphore_mem>>)
        %dma_start3A_340 = arith.constant 1 : i32
        %dma_start3A_341 = arith.constant 0 : i32
        %dma_start3A_342 = arith.constant 0 : i32
        %dma_start3A_343 = tpu.memref_slice %arg9[%dma_start3A_340, %dma_start3A_341, %dma_start3A_342] : memref<2x128x128xf32, #tpu.memory_space<vmem>> -> memref<1x128x128xf32, #tpu.memory_space<vmem>>
        %dma_start3A_344 = tpu.memref_squeeze %dma_start3A_343 : memref<1x128x128xf32, #tpu.memory_space<vmem>> -> memref<128x128xf32, #tpu.memory_space<vmem>>
        %dma_start3A_345 = arith.constant 64 : i32
        %dma_start3A_346 = arith.constant 0 : i32
        %dma_start3A_347 = tpu.memref_slice %dma_start3A_344[%dma_start3A_345, %dma_start3A_346] : memref<128x128xf32, #tpu.memory_space<vmem>> -> memref<32x128xf32, #tpu.memory_space<vmem>>
        %dma_start3A_348 = arith.constant 0 : i32
        %dma_start3A_349 = tpu.memref_slice %arg7[%add3A_307, %dma_start3A_348] : memref<16x128xi32, #tpu.memory_space<vmem>> -> memref<1x128xi32, #tpu.memory_space<vmem>>
        %dma_start3A_350 = tpu.memref_squeeze %dma_start3A_349 : memref<1x128xi32, #tpu.memory_space<vmem>> -> memref<128xi32, #tpu.memory_space<vmem>>
        %dma_start3A_351 = arith.constant 64 : i32
        %dma_start3A_352 = tpu.memref_slice %dma_start3A_350[%dma_start3A_351] : memref<128xi32, #tpu.memory_space<vmem>> -> memref<32xi32, #tpu.memory_space<vmem>>
        %dma_start3A_353 = arith.constant 0 : i32
        %dma_start3A_354 = arith.constant 0 : i32
        %dma_start3A_355 = tpu.memref_slice %arg2[%dma_start3A_353, %dma_start3A_354] : memref<10240x128xf32, #tpu.memory_space<hbm>> -> memref<10240x128xf32, #tpu.memory_space<hbm>>
        tpu.enqueue_indirect_dma source(%dma_start3A_355 : memref<10240x128xf32, #tpu.memory_space<hbm>>) target(%dma_start3A_347 : memref<32x128xf32, #tpu.memory_space<vmem>>) offsets(%dma_start3A_352 : memref<32xi32, #tpu.memory_space<vmem>>) semaphore(%arg12 : memref<!tpu.dma_semaphore, #tpu.memory_space<semaphore_mem>>)
        %dma_start3A_356 = arith.constant 1 : i32
        %dma_start3A_357 = arith.constant 0 : i32
        %dma_start3A_358 = arith.constant 0 : i32
        %dma_start3A_359 = tpu.memref_slice %arg9[%dma_start3A_356, %dma_start3A_357, %dma_start3A_358] : memref<2x128x128xf32, #tpu.memory_space<vmem>> -> memref<1x128x128xf32, #tpu.memory_space<vmem>>
        %dma_start3A_360 = tpu.memref_squeeze %dma_start3A_359 : memref<1x128x128xf32, #tpu.memory_space<vmem>> -> memref<128x128xf32, #tpu.memory_space<vmem>>
        %dma_start3A_361 = arith.constant 96 : i32
        %dma_start3A_362 = arith.constant 0 : i32
        %dma_start3A_363 = tpu.memref_slice %dma_start3A_360[%dma_start3A_361, %dma_start3A_362] : memref<128x128xf32, #tpu.memory_space<vmem>> -> memref<32x128xf32, #tpu.memory_space<vmem>>
        %dma_start3A_364 = arith.constant 0 : i32
        %dma_start3A_365 = tpu.memref_slice %arg7[%add3A_307, %dma_start3A_364] : memref<16x128xi32, #tpu.memory_space<vmem>> -> memref<1x128xi32, #tpu.memory_space<vmem>>
        %dma_start3A_366 = tpu.memref_squeeze %dma_start3A_365 : memref<1x128xi32, #tpu.memory_space<vmem>> -> memref<128xi32, #tpu.memory_space<vmem>>
        %dma_start3A_367 = arith.constant 96 : i32
        %dma_start3A_368 = tpu.memref_slice %dma_start3A_366[%dma_start3A_367] : memref<128xi32, #tpu.memory_space<vmem>> -> memref<32xi32, #tpu.memory_space<vmem>>
        %dma_start3A_369 = arith.constant 0 : i32
        %dma_start3A_370 = arith.constant 0 : i32
        %dma_start3A_371 = tpu.memref_slice %arg2[%dma_start3A_369, %dma_start3A_370] : memref<10240x128xf32, #tpu.memory_space<hbm>> -> memref<10240x128xf32, #tpu.memory_space<hbm>>
        tpu.enqueue_indirect_dma source(%dma_start3A_371 : memref<10240x128xf32, #tpu.memory_space<hbm>>) target(%dma_start3A_363 : memref<32x128xf32, #tpu.memory_space<vmem>>) offsets(%dma_start3A_368 : memref<32xi32, #tpu.memory_space<vmem>>) semaphore(%arg12 : memref<!tpu.dma_semaphore, #tpu.memory_space<semaphore_mem>>)
        %dma_wait3A_372 = arith.constant 0 : i32
        %dma_wait3A_373 = arith.constant 0 : i32
        %dma_wait3A_374 = arith.constant 0 : i32
        %dma_wait3A_375 = tpu.memref_slice %arg9[%dma_wait3A_372, %dma_wait3A_373, %dma_wait3A_374] : memref<2x128x128xf32, #tpu.memory_space<vmem>> -> memref<1x128x128xf32, #tpu.memory_space<vmem>>
        %dma_wait3A_376 = tpu.memref_squeeze %dma_wait3A_375 : memref<1x128x128xf32, #tpu.memory_space<vmem>> -> memref<128x128xf32, #tpu.memory_space<vmem>>
        %dma_wait3A_377 = arith.constant 0 : i32
        %dma_wait3A_378 = arith.constant 0 : i32
        %dma_wait3A_379 = tpu.memref_slice %dma_wait3A_376[%dma_wait3A_377, %dma_wait3A_378] : memref<128x128xf32, #tpu.memory_space<vmem>> -> memref<32x128xf32, #tpu.memory_space<vmem>>
        %dma_wait3A_380 = arith.constant 0 : i32
        %dma_wait3A_381 = tpu.memref_slice %arg7[%add3A_305, %dma_wait3A_380] : memref<16x128xi32, #tpu.memory_space<vmem>> -> memref<1x128xi32, #tpu.memory_space<vmem>>
        %dma_wait3A_382 = tpu.memref_squeeze %dma_wait3A_381 : memref<1x128xi32, #tpu.memory_space<vmem>> -> memref<128xi32, #tpu.memory_space<vmem>>
        %dma_wait3A_383 = arith.constant 0 : i32
        %dma_wait3A_384 = tpu.memref_slice %dma_wait3A_382[%dma_wait3A_383] : memref<128xi32, #tpu.memory_space<vmem>> -> memref<32xi32, #tpu.memory_space<vmem>>
        %dma_wait3A_385 = arith.constant 0 : i32
        %dma_wait3A_386 = arith.constant 0 : i32
        %dma_wait3A_387 = tpu.memref_slice %arg2[%dma_wait3A_385, %dma_wait3A_386] : memref<10240x128xf32, #tpu.memory_space<hbm>> -> memref<10240x128xf32, #tpu.memory_space<hbm>>
        tpu.wait_indirect_dma semaphore(%arg11 : memref<!tpu.dma_semaphore, #tpu.memory_space<semaphore_mem>>) src(%dma_wait3A_387 : memref<10240x128xf32, #tpu.memory_space<hbm>>) dst(%dma_wait3A_379 : memref<32x128xf32, #tpu.memory_space<vmem>>)
        %dma_wait3A_388 = arith.constant 0 : i32
        %dma_wait3A_389 = arith.constant 0 : i32
        %dma_wait3A_390 = arith.constant 0 : i32
        %dma_wait3A_391 = tpu.memref_slice %arg9[%dma_wait3A_388, %dma_wait3A_389, %dma_wait3A_390] : memref<2x128x128xf32, #tpu.memory_space<vmem>> -> memref<1x128x128xf32, #tpu.memory_space<vmem>>
        %dma_wait3A_392 = tpu.memref_squeeze %dma_wait3A_391 : memref<1x128x128xf32, #tpu.memory_space<vmem>> -> memref<128x128xf32, #tpu.memory_space<vmem>>
        %dma_wait3A_393 = arith.constant 32 : i32
        %dma_wait3A_394 = arith.constant 0 : i32
        %dma_wait3A_395 = tpu.memref_slice %dma_wait3A_392[%dma_wait3A_393, %dma_wait3A_394] : memref<128x128xf32, #tpu.memory_space<vmem>> -> memref<32x128xf32, #tpu.memory_space<vmem>>
        %dma_wait3A_396 = arith.constant 0 : i32
        %dma_wait3A_397 = tpu.memref_slice %arg7[%add3A_305, %dma_wait3A_396] : memref<16x128xi32, #tpu.memory_space<vmem>> -> memref<1x128xi32, #tpu.memory_space<vmem>>
        %dma_wait3A_398 = tpu.memref_squeeze %dma_wait3A_397 : memref<1x128xi32, #tpu.memory_space<vmem>> -> memref<128xi32, #tpu.memory_space<vmem>>
        %dma_wait3A_399 = arith.constant 32 : i32
        %dma_wait3A_400 = tpu.memref_slice %dma_wait3A_398[%dma_wait3A_399] : memref<128xi32, #tpu.memory_space<vmem>> -> memref<32xi32, #tpu.memory_space<vmem>>
        %dma_wait3A_401 = arith.constant 0 : i32
        %dma_wait3A_402 = arith.constant 0 : i32
        %dma_wait3A_403 = tpu.memref_slice %arg2[%dma_wait3A_401, %dma_wait3A_402] : memref<10240x128xf32, #tpu.memory_space<hbm>> -> memref<10240x128xf32, #tpu.memory_space<hbm>>
        tpu.wait_indirect_dma semaphore(%arg11 : memref<!tpu.dma_semaphore, #tpu.memory_space<semaphore_mem>>) src(%dma_wait3A_403 : memref<10240x128xf32, #tpu.memory_space<hbm>>) dst(%dma_wait3A_395 : memref<32x128xf32, #tpu.memory_space<vmem>>)
        %dma_wait3A_404 = arith.constant 0 : i32
        %dma_wait3A_405 = arith.constant 0 : i32
        %dma_wait3A_406 = arith.constant 0 : i32
        %dma_wait3A_407 = tpu.memref_slice %arg9[%dma_wait3A_404, %dma_wait3A_405, %dma_wait3A_406] : memref<2x128x128xf32, #tpu.memory_space<vmem>> -> memref<1x128x128xf32, #tpu.memory_space<vmem>>
        %dma_wait3A_408 = tpu.memref_squeeze %dma_wait3A_407 : memref<1x128x128xf32, #tpu.memory_space<vmem>> -> memref<128x128xf32, #tpu.memory_space<vmem>>
        %dma_wait3A_409 = arith.constant 64 : i32
        %dma_wait3A_410 = arith.constant 0 : i32
        %dma_wait3A_411 = tpu.memref_slice %dma_wait3A_408[%dma_wait3A_409, %dma_wait3A_410] : memref<128x128xf32, #tpu.memory_space<vmem>> -> memref<32x128xf32, #tpu.memory_space<vmem>>
        %dma_wait3A_412 = arith.constant 0 : i32
        %dma_wait3A_413 = tpu.memref_slice %arg7[%add3A_305, %dma_wait3A_412] : memref<16x128xi32, #tpu.memory_space<vmem>> -> memref<1x128xi32, #tpu.memory_space<vmem>>
        %dma_wait3A_414 = tpu.memref_squeeze %dma_wait3A_413 : memref<1x128xi32, #tpu.memory_space<vmem>> -> memref<128xi32, #tpu.memory_space<vmem>>
        %dma_wait3A_415 = arith.constant 64 : i32
        %dma_wait3A_416 = tpu.memref_slice %dma_wait3A_414[%dma_wait3A_415] : memref<128xi32, #tpu.memory_space<vmem>> -> memref<32xi32, #tpu.memory_space<vmem>>
        %dma_wait3A_417 = arith.constant 0 : i32
        %dma_wait3A_418 = arith.constant 0 : i32
        %dma_wait3A_419 = tpu.memref_slice %arg2[%dma_wait3A_417, %dma_wait3A_418] : memref<10240x128xf32, #tpu.memory_space<hbm>> -> memref<10240x128xf32, #tpu.memory_space<hbm>>
        tpu.wait_indirect_dma semaphore(%arg11 : memref<!tpu.dma_semaphore, #tpu.memory_space<semaphore_mem>>) src(%dma_wait3A_419 : memref<10240x128xf32, #tpu.memory_space<hbm>>) dst(%dma_wait3A_411 : memref<32x128xf32, #tpu.memory_space<vmem>>)
        %dma_wait3A_420 = arith.constant 0 : i32
        %dma_wait3A_421 = arith.constant 0 : i32
        %dma_wait3A_422 = arith.constant 0 : i32
        %dma_wait3A_423 = tpu.memref_slice %arg9[%dma_wait3A_420, %dma_wait3A_421, %dma_wait3A_422] : memref<2x128x128xf32, #tpu.memory_space<vmem>> -> memref<1x128x128xf32, #tpu.memory_space<vmem>>
        %dma_wait3A_424 = tpu.memref_squeeze %dma_wait3A_423 : memref<1x128x128xf32, #tpu.memory_space<vmem>> -> memref<128x128xf32, #tpu.memory_space<vmem>>
        %dma_wait3A_425 = arith.constant 96 : i32
        %dma_wait3A_426 = arith.constant 0 : i32
        %dma_wait3A_427 = tpu.memref_slice %dma_wait3A_424[%dma_wait3A_425, %dma_wait3A_426] : memref<128x128xf32, #tpu.memory_space<vmem>> -> memref<32x128xf32, #tpu.memory_space<vmem>>
        %dma_wait3A_428 = arith.constant 0 : i32
        %dma_wait3A_429 = tpu.memref_slice %arg7[%add3A_305, %dma_wait3A_428] : memref<16x128xi32, #tpu.memory_space<vmem>> -> memref<1x128xi32, #tpu.memory_space<vmem>>
        %dma_wait3A_430 = tpu.memref_squeeze %dma_wait3A_429 : memref<1x128xi32, #tpu.memory_space<vmem>> -> memref<128xi32, #tpu.memory_space<vmem>>
        %dma_wait3A_431 = arith.constant 96 : i32
        %dma_wait3A_432 = tpu.memref_slice %dma_wait3A_430[%dma_wait3A_431] : memref<128xi32, #tpu.memory_space<vmem>> -> memref<32xi32, #tpu.memory_space<vmem>>
        %dma_wait3A_433 = arith.constant 0 : i32
        %dma_wait3A_434 = arith.constant 0 : i32
        %dma_wait3A_435 = tpu.memref_slice %arg2[%dma_wait3A_433, %dma_wait3A_434] : memref<10240x128xf32, #tpu.memory_space<hbm>> -> memref<10240x128xf32, #tpu.memory_space<hbm>>
        tpu.wait_indirect_dma semaphore(%arg11 : memref<!tpu.dma_semaphore, #tpu.memory_space<semaphore_mem>>) src(%dma_wait3A_435 : memref<10240x128xf32, #tpu.memory_space<hbm>>) dst(%dma_wait3A_427 : memref<32x128xf32, #tpu.memory_space<vmem>>)
        %run_scoped3A_436 = arith.constant 0 : i32
        "tpu.region"() ({
          %run_scoped3A_572 = tpu.sem_alloc : memref<!tpu.dma_semaphore, #tpu.memory_space<semaphore_mem>>
          %dma_start3A_573 = arith.constant 0 : i32
          %dma_start3A_574 = arith.constant 0 : i32
          %dma_start3A_575 = tpu.memref_slice %arg9[%run_scoped3A_436, %dma_start3A_573, %dma_start3A_574] : memref<2x128x128xf32, #tpu.memory_space<vmem>> -> memref<1x128x128xf32, #tpu.memory_space<vmem>>
          %dma_start3A_576 = tpu.memref_squeeze %dma_start3A_575 : memref<1x128x128xf32, #tpu.memory_space<vmem>> -> memref<128x128xf32, #tpu.memory_space<vmem>>
          %dma_start3A_577 = arith.constant 0 : i32
          %dma_start3A_578 = tpu.memref_slice %arg8[%add3A_305, %dma_start3A_577] : memref<16x128xi32, #tpu.memory_space<vmem>> -> memref<1x128xi32, #tpu.memory_space<vmem>>
          %dma_start3A_579 = tpu.memref_squeeze %dma_start3A_578 : memref<1x128xi32, #tpu.memory_space<vmem>> -> memref<128xi32, #tpu.memory_space<vmem>>
          %dma_start3A_580 = arith.constant 0 : i32
          %dma_start3A_581 = arith.constant 0 : i32
          %dma_start3A_582 = tpu.memref_slice %arg10[%dma_start3A_580, %dma_start3A_581] : memref<10240x128xf32, #tpu.memory_space<vmem_shared>> -> memref<10240x128xf32, #tpu.memory_space<vmem_shared>>
          tpu.enqueue_indirect_dma source(%dma_start3A_576 : memref<128x128xf32, #tpu.memory_space<vmem>>) target(%dma_start3A_582 : memref<10240x128xf32, #tpu.memory_space<vmem_shared>>) offsets(%dma_start3A_579 : memref<128xi32, #tpu.memory_space<vmem>>) semaphore(%run_scoped3A_572 : memref<!tpu.dma_semaphore, #tpu.memory_space<semaphore_mem>>) {add = true}
          %dma_wait3A_583 = arith.constant 0 : i32
          %dma_wait3A_584 = arith.constant 0 : i32
          %dma_wait3A_585 = tpu.memref_slice %arg9[%run_scoped3A_436, %dma_wait3A_583, %dma_wait3A_584] : memref<2x128x128xf32, #tpu.memory_space<vmem>> -> memref<1x128x128xf32, #tpu.memory_space<vmem>>
          %dma_wait3A_586 = tpu.memref_squeeze %dma_wait3A_585 : memref<1x128x128xf32, #tpu.memory_space<vmem>> -> memref<128x128xf32, #tpu.memory_space<vmem>>
          %dma_wait3A_587 = arith.constant 0 : i32
          %dma_wait3A_588 = tpu.memref_slice %arg8[%add3A_305, %dma_wait3A_587] : memref<16x128xi32, #tpu.memory_space<vmem>> -> memref<1x128xi32, #tpu.memory_space<vmem>>
          %dma_wait3A_589 = tpu.memref_squeeze %dma_wait3A_588 : memref<1x128xi32, #tpu.memory_space<vmem>> -> memref<128xi32, #tpu.memory_space<vmem>>
          %dma_wait3A_590 = arith.constant 0 : i32
          %dma_wait3A_591 = arith.constant 0 : i32
          %dma_wait3A_592 = tpu.memref_slice %arg10[%dma_wait3A_590, %dma_wait3A_591] : memref<10240x128xf32, #tpu.memory_space<vmem_shared>> -> memref<10240x128xf32, #tpu.memory_space<vmem_shared>>
          tpu.wait_indirect_dma semaphore(%run_scoped3A_572 : memref<!tpu.dma_semaphore, #tpu.memory_space<semaphore_mem>>) src(%dma_wait3A_586 : memref<128x128xf32, #tpu.memory_space<vmem>>) dst(%dma_wait3A_592 : memref<10240x128xf32, #tpu.memory_space<vmem_shared>>)
          tpu.yield
        }) : () -> ()
        %add3A_437 = arith.constant 2 : i32
        %add3A_438 = arith.addi %add3A_305, %add3A_437 : i32
        %dma_start3A_439 = arith.constant 0 : i32
        %dma_start3A_440 = arith.constant 0 : i32
        %dma_start3A_441 = arith.constant 0 : i32
        %dma_start3A_442 = tpu.memref_slice %arg9[%dma_start3A_439, %dma_start3A_440, %dma_start3A_441] : memref<2x128x128xf32, #tpu.memory_space<vmem>> -> memref<1x128x128xf32, #tpu.memory_space<vmem>>
        %dma_start3A_443 = tpu.memref_squeeze %dma_start3A_442 : memref<1x128x128xf32, #tpu.memory_space<vmem>> -> memref<128x128xf32, #tpu.memory_space<vmem>>
        %dma_start3A_444 = arith.constant 0 : i32
        %dma_start3A_445 = arith.constant 0 : i32
        %dma_start3A_446 = tpu.memref_slice %dma_start3A_443[%dma_start3A_444, %dma_start3A_445] : memref<128x128xf32, #tpu.memory_space<vmem>> -> memref<32x128xf32, #tpu.memory_space<vmem>>
        %dma_start3A_447 = arith.constant 0 : i32
        %dma_start3A_448 = tpu.memref_slice %arg7[%add3A_438, %dma_start3A_447] : memref<16x128xi32, #tpu.memory_space<vmem>> -> memref<1x128xi32, #tpu.memory_space<vmem>>
        %dma_start3A_449 = tpu.memref_squeeze %dma_start3A_448 : memref<1x128xi32, #tpu.memory_space<vmem>> -> memref<128xi32, #tpu.memory_space<vmem>>
        %dma_start3A_450 = arith.constant 0 : i32
        %dma_start3A_451 = tpu.memref_slice %dma_start3A_449[%dma_start3A_450] : memref<128xi32, #tpu.memory_space<vmem>> -> memref<32xi32, #tpu.memory_space<vmem>>
        %dma_start3A_452 = arith.constant 0 : i32
        %dma_start3A_453 = arith.constant 0 : i32
        %dma_start3A_454 = tpu.memref_slice %arg2[%dma_start3A_452, %dma_start3A_453] : memref<10240x128xf32, #tpu.memory_space<hbm>> -> memref<10240x128xf32, #tpu.memory_space<hbm>>
        tpu.enqueue_indirect_dma source(%dma_start3A_454 : memref<10240x128xf32, #tpu.memory_space<hbm>>) target(%dma_start3A_446 : memref<32x128xf32, #tpu.memory_space<vmem>>) offsets(%dma_start3A_451 : memref<32xi32, #tpu.memory_space<vmem>>) semaphore(%arg11 : memref<!tpu.dma_semaphore, #tpu.memory_space<semaphore_mem>>)
        %dma_start3A_455 = arith.constant 0 : i32
        %dma_start3A_456 = arith.constant 0 : i32
        %dma_start3A_457 = arith.constant 0 : i32
        %dma_start3A_458 = tpu.memref_slice %arg9[%dma_start3A_455, %dma_start3A_456, %dma_start3A_457] : memref<2x128x128xf32, #tpu.memory_space<vmem>> -> memref<1x128x128xf32, #tpu.memory_space<vmem>>
        %dma_start3A_459 = tpu.memref_squeeze %dma_start3A_458 : memref<1x128x128xf32, #tpu.memory_space<vmem>> -> memref<128x128xf32, #tpu.memory_space<vmem>>
        %dma_start3A_460 = arith.constant 32 : i32
        %dma_start3A_461 = arith.constant 0 : i32
        %dma_start3A_462 = tpu.memref_slice %dma_start3A_459[%dma_start3A_460, %dma_start3A_461] : memref<128x128xf32, #tpu.memory_space<vmem>> -> memref<32x128xf32, #tpu.memory_space<vmem>>
        %dma_start3A_463 = arith.constant 0 : i32
        %dma_start3A_464 = tpu.memref_slice %arg7[%add3A_438, %dma_start3A_463] : memref<16x128xi32, #tpu.memory_space<vmem>> -> memref<1x128xi32, #tpu.memory_space<vmem>>
        %dma_start3A_465 = tpu.memref_squeeze %dma_start3A_464 : memref<1x128xi32, #tpu.memory_space<vmem>> -> memref<128xi32, #tpu.memory_space<vmem>>
        %dma_start3A_466 = arith.constant 32 : i32
        %dma_start3A_467 = tpu.memref_slice %dma_start3A_465[%dma_start3A_466] : memref<128xi32, #tpu.memory_space<vmem>> -> memref<32xi32, #tpu.memory_space<vmem>>
        %dma_start3A_468 = arith.constant 0 : i32
        %dma_start3A_469 = arith.constant 0 : i32
        %dma_start3A_470 = tpu.memref_slice %arg2[%dma_start3A_468, %dma_start3A_469] : memref<10240x128xf32, #tpu.memory_space<hbm>> -> memref<10240x128xf32, #tpu.memory_space<hbm>>
        tpu.enqueue_indirect_dma source(%dma_start3A_470 : memref<10240x128xf32, #tpu.memory_space<hbm>>) target(%dma_start3A_462 : memref<32x128xf32, #tpu.memory_space<vmem>>) offsets(%dma_start3A_467 : memref<32xi32, #tpu.memory_space<vmem>>) semaphore(%arg11 : memref<!tpu.dma_semaphore, #tpu.memory_space<semaphore_mem>>)
        %dma_start3A_471 = arith.constant 0 : i32
        %dma_start3A_472 = arith.constant 0 : i32
        %dma_start3A_473 = arith.constant 0 : i32
        %dma_start3A_474 = tpu.memref_slice %arg9[%dma_start3A_471, %dma_start3A_472, %dma_start3A_473] : memref<2x128x128xf32, #tpu.memory_space<vmem>> -> memref<1x128x128xf32, #tpu.memory_space<vmem>>
        %dma_start3A_475 = tpu.memref_squeeze %dma_start3A_474 : memref<1x128x128xf32, #tpu.memory_space<vmem>> -> memref<128x128xf32, #tpu.memory_space<vmem>>
        %dma_start3A_476 = arith.constant 64 : i32
        %dma_start3A_477 = arith.constant 0 : i32
        %dma_start3A_478 = tpu.memref_slice %dma_start3A_475[%dma_start3A_476, %dma_start3A_477] : memref<128x128xf32, #tpu.memory_space<vmem>> -> memref<32x128xf32, #tpu.memory_space<vmem>>
        %dma_start3A_479 = arith.constant 0 : i32
        %dma_start3A_480 = tpu.memref_slice %arg7[%add3A_438, %dma_start3A_479] : memref<16x128xi32, #tpu.memory_space<vmem>> -> memref<1x128xi32, #tpu.memory_space<vmem>>
        %dma_start3A_481 = tpu.memref_squeeze %dma_start3A_480 : memref<1x128xi32, #tpu.memory_space<vmem>> -> memref<128xi32, #tpu.memory_space<vmem>>
        %dma_start3A_482 = arith.constant 64 : i32
        %dma_start3A_483 = tpu.memref_slice %dma_start3A_481[%dma_start3A_482] : memref<128xi32, #tpu.memory_space<vmem>> -> memref<32xi32, #tpu.memory_space<vmem>>
        %dma_start3A_484 = arith.constant 0 : i32
        %dma_start3A_485 = arith.constant 0 : i32
        %dma_start3A_486 = tpu.memref_slice %arg2[%dma_start3A_484, %dma_start3A_485] : memref<10240x128xf32, #tpu.memory_space<hbm>> -> memref<10240x128xf32, #tpu.memory_space<hbm>>
        tpu.enqueue_indirect_dma source(%dma_start3A_486 : memref<10240x128xf32, #tpu.memory_space<hbm>>) target(%dma_start3A_478 : memref<32x128xf32, #tpu.memory_space<vmem>>) offsets(%dma_start3A_483 : memref<32xi32, #tpu.memory_space<vmem>>) semaphore(%arg11 : memref<!tpu.dma_semaphore, #tpu.memory_space<semaphore_mem>>)
        %dma_start3A_487 = arith.constant 0 : i32
        %dma_start3A_488 = arith.constant 0 : i32
        %dma_start3A_489 = arith.constant 0 : i32
        %dma_start3A_490 = tpu.memref_slice %arg9[%dma_start3A_487, %dma_start3A_488, %dma_start3A_489] : memref<2x128x128xf32, #tpu.memory_space<vmem>> -> memref<1x128x128xf32, #tpu.memory_space<vmem>>
        %dma_start3A_491 = tpu.memref_squeeze %dma_start3A_490 : memref<1x128x128xf32, #tpu.memory_space<vmem>> -> memref<128x128xf32, #tpu.memory_space<vmem>>
        %dma_start3A_492 = arith.constant 96 : i32
        %dma_start3A_493 = arith.constant 0 : i32
        %dma_start3A_494 = tpu.memref_slice %dma_start3A_491[%dma_start3A_492, %dma_start3A_493] : memref<128x128xf32, #tpu.memory_space<vmem>> -> memref<32x128xf32, #tpu.memory_space<vmem>>
        %dma_start3A_495 = arith.constant 0 : i32
        %dma_start3A_496 = tpu.memref_slice %arg7[%add3A_438, %dma_start3A_495] : memref<16x128xi32, #tpu.memory_space<vmem>> -> memref<1x128xi32, #tpu.memory_space<vmem>>
        %dma_start3A_497 = tpu.memref_squeeze %dma_start3A_496 : memref<1x128xi32, #tpu.memory_space<vmem>> -> memref<128xi32, #tpu.memory_space<vmem>>
        %dma_start3A_498 = arith.constant 96 : i32
        %dma_start3A_499 = tpu.memref_slice %dma_start3A_497[%dma_start3A_498] : memref<128xi32, #tpu.memory_space<vmem>> -> memref<32xi32, #tpu.memory_space<vmem>>
        %dma_start3A_500 = arith.constant 0 : i32
        %dma_start3A_501 = arith.constant 0 : i32
        %dma_start3A_502 = tpu.memref_slice %arg2[%dma_start3A_500, %dma_start3A_501] : memref<10240x128xf32, #tpu.memory_space<hbm>> -> memref<10240x128xf32, #tpu.memory_space<hbm>>
        tpu.enqueue_indirect_dma source(%dma_start3A_502 : memref<10240x128xf32, #tpu.memory_space<hbm>>) target(%dma_start3A_494 : memref<32x128xf32, #tpu.memory_space<vmem>>) offsets(%dma_start3A_499 : memref<32xi32, #tpu.memory_space<vmem>>) semaphore(%arg11 : memref<!tpu.dma_semaphore, #tpu.memory_space<semaphore_mem>>)
        %add3A_503 = arith.constant 1 : i32
        %add3A_504 = arith.addi %add3A_305, %add3A_503 : i32
        %dma_wait3A_505 = arith.constant 1 : i32
        %dma_wait3A_506 = arith.constant 0 : i32
        %dma_wait3A_507 = arith.constant 0 : i32
        %dma_wait3A_508 = tpu.memref_slice %arg9[%dma_wait3A_505, %dma_wait3A_506, %dma_wait3A_507] : memref<2x128x128xf32, #tpu.memory_space<vmem>> -> memref<1x128x128xf32, #tpu.memory_space<vmem>>
        %dma_wait3A_509 = tpu.memref_squeeze %dma_wait3A_508 : memref<1x128x128xf32, #tpu.memory_space<vmem>> -> memref<128x128xf32, #tpu.memory_space<vmem>>
        %dma_wait3A_510 = arith.constant 0 : i32
        %dma_wait3A_511 = arith.constant 0 : i32
        %dma_wait3A_512 = tpu.memref_slice %dma_wait3A_509[%dma_wait3A_510, %dma_wait3A_511] : memref<128x128xf32, #tpu.memory_space<vmem>> -> memref<32x128xf32, #tpu.memory_space<vmem>>
        %dma_wait3A_513 = arith.constant 0 : i32
        %dma_wait3A_514 = tpu.memref_slice %arg7[%add3A_504, %dma_wait3A_513] : memref<16x128xi32, #tpu.memory_space<vmem>> -> memref<1x128xi32, #tpu.memory_space<vmem>>
        %dma_wait3A_515 = tpu.memref_squeeze %dma_wait3A_514 : memref<1x128xi32, #tpu.memory_space<vmem>> -> memref<128xi32, #tpu.memory_space<vmem>>
        %dma_wait3A_516 = arith.constant 0 : i32
        %dma_wait3A_517 = tpu.memref_slice %dma_wait3A_515[%dma_wait3A_516] : memref<128xi32, #tpu.memory_space<vmem>> -> memref<32xi32, #tpu.memory_space<vmem>>
        %dma_wait3A_518 = arith.constant 0 : i32
        %dma_wait3A_519 = arith.constant 0 : i32
        %dma_wait3A_520 = tpu.memref_slice %arg2[%dma_wait3A_518, %dma_wait3A_519] : memref<10240x128xf32, #tpu.memory_space<hbm>> -> memref<10240x128xf32, #tpu.memory_space<hbm>>
        tpu.wait_indirect_dma semaphore(%arg12 : memref<!tpu.dma_semaphore, #tpu.memory_space<semaphore_mem>>) src(%dma_wait3A_520 : memref<10240x128xf32, #tpu.memory_space<hbm>>) dst(%dma_wait3A_512 : memref<32x128xf32, #tpu.memory_space<vmem>>)
        %dma_wait3A_521 = arith.constant 1 : i32
        %dma_wait3A_522 = arith.constant 0 : i32
        %dma_wait3A_523 = arith.constant 0 : i32
        %dma_wait3A_524 = tpu.memref_slice %arg9[%dma_wait3A_521, %dma_wait3A_522, %dma_wait3A_523] : memref<2x128x128xf32, #tpu.memory_space<vmem>> -> memref<1x128x128xf32, #tpu.memory_space<vmem>>
        %dma_wait3A_525 = tpu.memref_squeeze %dma_wait3A_524 : memref<1x128x128xf32, #tpu.memory_space<vmem>> -> memref<128x128xf32, #tpu.memory_space<vmem>>
        %dma_wait3A_526 = arith.constant 32 : i32
        %dma_wait3A_527 = arith.constant 0 : i32
        %dma_wait3A_528 = tpu.memref_slice %dma_wait3A_525[%dma_wait3A_526, %dma_wait3A_527] : memref<128x128xf32, #tpu.memory_space<vmem>> -> memref<32x128xf32, #tpu.memory_space<vmem>>
        %dma_wait3A_529 = arith.constant 0 : i32
        %dma_wait3A_530 = tpu.memref_slice %arg7[%add3A_504, %dma_wait3A_529] : memref<16x128xi32, #tpu.memory_space<vmem>> -> memref<1x128xi32, #tpu.memory_space<vmem>>
        %dma_wait3A_531 = tpu.memref_squeeze %dma_wait3A_530 : memref<1x128xi32, #tpu.memory_space<vmem>> -> memref<128xi32, #tpu.memory_space<vmem>>
        %dma_wait3A_532 = arith.constant 32 : i32
        %dma_wait3A_533 = tpu.memref_slice %dma_wait3A_531[%dma_wait3A_532] : memref<128xi32, #tpu.memory_space<vmem>> -> memref<32xi32, #tpu.memory_space<vmem>>
        %dma_wait3A_534 = arith.constant 0 : i32
        %dma_wait3A_535 = arith.constant 0 : i32
        %dma_wait3A_536 = tpu.memref_slice %arg2[%dma_wait3A_534, %dma_wait3A_535] : memref<10240x128xf32, #tpu.memory_space<hbm>> -> memref<10240x128xf32, #tpu.memory_space<hbm>>
        tpu.wait_indirect_dma semaphore(%arg12 : memref<!tpu.dma_semaphore, #tpu.memory_space<semaphore_mem>>) src(%dma_wait3A_536 : memref<10240x128xf32, #tpu.memory_space<hbm>>) dst(%dma_wait3A_528 : memref<32x128xf32, #tpu.memory_space<vmem>>)
        %dma_wait3A_537 = arith.constant 1 : i32
        %dma_wait3A_538 = arith.constant 0 : i32
        %dma_wait3A_539 = arith.constant 0 : i32
        %dma_wait3A_540 = tpu.memref_slice %arg9[%dma_wait3A_537, %dma_wait3A_538, %dma_wait3A_539] : memref<2x128x128xf32, #tpu.memory_space<vmem>> -> memref<1x128x128xf32, #tpu.memory_space<vmem>>
        %dma_wait3A_541 = tpu.memref_squeeze %dma_wait3A_540 : memref<1x128x128xf32, #tpu.memory_space<vmem>> -> memref<128x128xf32, #tpu.memory_space<vmem>>
        %dma_wait3A_542 = arith.constant 64 : i32
        %dma_wait3A_543 = arith.constant 0 : i32
        %dma_wait3A_544 = tpu.memref_slice %dma_wait3A_541[%dma_wait3A_542, %dma_wait3A_543] : memref<128x128xf32, #tpu.memory_space<vmem>> -> memref<32x128xf32, #tpu.memory_space<vmem>>
        %dma_wait3A_545 = arith.constant 0 : i32
        %dma_wait3A_546 = tpu.memref_slice %arg7[%add3A_504, %dma_wait3A_545] : memref<16x128xi32, #tpu.memory_space<vmem>> -> memref<1x128xi32, #tpu.memory_space<vmem>>
        %dma_wait3A_547 = tpu.memref_squeeze %dma_wait3A_546 : memref<1x128xi32, #tpu.memory_space<vmem>> -> memref<128xi32, #tpu.memory_space<vmem>>
        %dma_wait3A_548 = arith.constant 64 : i32
        %dma_wait3A_549 = tpu.memref_slice %dma_wait3A_547[%dma_wait3A_548] : memref<128xi32, #tpu.memory_space<vmem>> -> memref<32xi32, #tpu.memory_space<vmem>>
        %dma_wait3A_550 = arith.constant 0 : i32
        %dma_wait3A_551 = arith.constant 0 : i32
        %dma_wait3A_552 = tpu.memref_slice %arg2[%dma_wait3A_550, %dma_wait3A_551] : memref<10240x128xf32, #tpu.memory_space<hbm>> -> memref<10240x128xf32, #tpu.memory_space<hbm>>
        tpu.wait_indirect_dma semaphore(%arg12 : memref<!tpu.dma_semaphore, #tpu.memory_space<semaphore_mem>>) src(%dma_wait3A_552 : memref<10240x128xf32, #tpu.memory_space<hbm>>) dst(%dma_wait3A_544 : memref<32x128xf32, #tpu.memory_space<vmem>>)
        %dma_wait3A_553 = arith.constant 1 : i32
        %dma_wait3A_554 = arith.constant 0 : i32
        %dma_wait3A_555 = arith.constant 0 : i32
        %dma_wait3A_556 = tpu.memref_slice %arg9[%dma_wait3A_553, %dma_wait3A_554, %dma_wait3A_555] : memref<2x128x128xf32, #tpu.memory_space<vmem>> -> memref<1x128x128xf32, #tpu.memory_space<vmem>>
        %dma_wait3A_557 = tpu.memref_squeeze %dma_wait3A_556 : memref<1x128x128xf32, #tpu.memory_space<vmem>> -> memref<128x128xf32, #tpu.memory_space<vmem>>
        %dma_wait3A_558 = arith.constant 96 : i32
        %dma_wait3A_559 = arith.constant 0 : i32
        %dma_wait3A_560 = tpu.memref_slice %dma_wait3A_557[%dma_wait3A_558, %dma_wait3A_559] : memref<128x128xf32, #tpu.memory_space<vmem>> -> memref<32x128xf32, #tpu.memory_space<vmem>>
        %dma_wait3A_561 = arith.constant 0 : i32
        %dma_wait3A_562 = tpu.memref_slice %arg7[%add3A_504, %dma_wait3A_561] : memref<16x128xi32, #tpu.memory_space<vmem>> -> memref<1x128xi32, #tpu.memory_space<vmem>>
        %dma_wait3A_563 = tpu.memref_squeeze %dma_wait3A_562 : memref<1x128xi32, #tpu.memory_space<vmem>> -> memref<128xi32, #tpu.memory_space<vmem>>
        %dma_wait3A_564 = arith.constant 96 : i32
        %dma_wait3A_565 = tpu.memref_slice %dma_wait3A_563[%dma_wait3A_564] : memref<128xi32, #tpu.memory_space<vmem>> -> memref<32xi32, #tpu.memory_space<vmem>>
        %dma_wait3A_566 = arith.constant 0 : i32
        %dma_wait3A_567 = arith.constant 0 : i32
        %dma_wait3A_568 = tpu.memref_slice %arg2[%dma_wait3A_566, %dma_wait3A_567] : memref<10240x128xf32, #tpu.memory_space<hbm>> -> memref<10240x128xf32, #tpu.memory_space<hbm>>
        tpu.wait_indirect_dma semaphore(%arg12 : memref<!tpu.dma_semaphore, #tpu.memory_space<semaphore_mem>>) src(%dma_wait3A_568 : memref<10240x128xf32, #tpu.memory_space<hbm>>) dst(%dma_wait3A_560 : memref<32x128xf32, #tpu.memory_space<vmem>>)
        %add3A_569 = arith.constant 1 : i32
        %add3A_570 = arith.addi %add3A_305, %add3A_569 : i32
        %run_scoped3A_571 = arith.constant 1 : i32
        "tpu.region"() ({
          %run_scoped3A_572 = tpu.sem_alloc : memref<!tpu.dma_semaphore, #tpu.memory_space<semaphore_mem>>
          %dma_start3A_573 = arith.constant 0 : i32
          %dma_start3A_574 = arith.constant 0 : i32
          %dma_start3A_575 = tpu.memref_slice %arg9[%run_scoped3A_571, %dma_start3A_573, %dma_start3A_574] : memref<2x128x128xf32, #tpu.memory_space<vmem>> -> memref<1x128x128xf32, #tpu.memory_space<vmem>>
          %dma_start3A_576 = tpu.memref_squeeze %dma_start3A_575 : memref<1x128x128xf32, #tpu.memory_space<vmem>> -> memref<128x128xf32, #tpu.memory_space<vmem>>
          %dma_start3A_577 = arith.constant 0 : i32
          %dma_start3A_578 = tpu.memref_slice %arg8[%add3A_570, %dma_start3A_577] : memref<16x128xi32, #tpu.memory_space<vmem>> -> memref<1x128xi32, #tpu.memory_space<vmem>>
          %dma_start3A_579 = tpu.memref_squeeze %dma_start3A_578 : memref<1x128xi32, #tpu.memory_space<vmem>> -> memref<128xi32, #tpu.memory_space<vmem>>
          %dma_start3A_580 = arith.constant 0 : i32
          %dma_start3A_581 = arith.constant 0 : i32
          %dma_start3A_582 = tpu.memref_slice %arg10[%dma_start3A_580, %dma_start3A_581] : memref<10240x128xf32, #tpu.memory_space<vmem_shared>> -> memref<10240x128xf32, #tpu.memory_space<vmem_shared>>
          tpu.enqueue_indirect_dma source(%dma_start3A_576 : memref<128x128xf32, #tpu.memory_space<vmem>>) target(%dma_start3A_582 : memref<10240x128xf32, #tpu.memory_space<vmem_shared>>) offsets(%dma_start3A_579 : memref<128xi32, #tpu.memory_space<vmem>>) semaphore(%run_scoped3A_572 : memref<!tpu.dma_semaphore, #tpu.memory_space<semaphore_mem>>) {add = true}
          %dma_wait3A_583 = arith.constant 0 : i32
          %dma_wait3A_584 = arith.constant 0 : i32
          %dma_wait3A_585 = tpu.memref_slice %arg9[%run_scoped3A_571, %dma_wait3A_583, %dma_wait3A_584] : memref<2x128x128xf32, #tpu.memory_space<vmem>> -> memref<1x128x128xf32, #tpu.memory_space<vmem>>
          %dma_wait3A_586 = tpu.memref_squeeze %dma_wait3A_585 : memref<1x128x128xf32, #tpu.memory_space<vmem>> -> memref<128x128xf32, #tpu.memory_space<vmem>>
          %dma_wait3A_587 = arith.constant 0 : i32
          %dma_wait3A_588 = tpu.memref_slice %arg8[%add3A_570, %dma_wait3A_587] : memref<16x128xi32, #tpu.memory_space<vmem>> -> memref<1x128xi32, #tpu.memory_space<vmem>>
          %dma_wait3A_589 = tpu.memref_squeeze %dma_wait3A_588 : memref<1x128xi32, #tpu.memory_space<vmem>> -> memref<128xi32, #tpu.memory_space<vmem>>
          %dma_wait3A_590 = arith.constant 0 : i32
          %dma_wait3A_591 = arith.constant 0 : i32
          %dma_wait3A_592 = tpu.memref_slice %arg10[%dma_wait3A_590, %dma_wait3A_591] : memref<10240x128xf32, #tpu.memory_space<vmem_shared>> -> memref<10240x128xf32, #tpu.memory_space<vmem_shared>>
          tpu.wait_indirect_dma semaphore(%run_scoped3A_572 : memref<!tpu.dma_semaphore, #tpu.memory_space<semaphore_mem>>) src(%dma_wait3A_586 : memref<128x128xf32, #tpu.memory_space<vmem>>) dst(%dma_wait3A_592 : memref<10240x128xf32, #tpu.memory_space<vmem_shared>>)
          tpu.yield
        }) : () -> ()
      }
      %scan3A_94 = arith.constant 7 : i32
      %dma_start3A_95 = arith.constant 15 : i32
      %dma_start3A_96 = arith.constant 1 : i32
      %dma_start3A_97 = arith.constant 0 : i32
      %dma_start3A_98 = arith.constant 0 : i32
      %dma_start3A_99 = tpu.memref_slice %arg9[%dma_start3A_96, %dma_start3A_97, %dma_start3A_98] : memref<2x128x128xf32, #tpu.memory_space<vmem>> -> memref<1x128x128xf32, #tpu.memory_space<vmem>>
      %dma_start3A_100 = tpu.memref_squeeze %dma_start3A_99 : memref<1x128x128xf32, #tpu.memory_space<vmem>> -> memref<128x128xf32, #tpu.memory_space<vmem>>
      %dma_start3A_101 = arith.constant 0 : i32
      %dma_start3A_102 = arith.constant 0 : i32
      %dma_start3A_103 = tpu.memref_slice %dma_start3A_100[%dma_start3A_101, %dma_start3A_102] : memref<128x128xf32, #tpu.memory_space<vmem>> -> memref<32x128xf32, #tpu.memory_space<vmem>>
      %dma_start3A_104 = arith.constant 0 : i32
      %dma_start3A_105 = tpu.memref_slice %arg7[%dma_start3A_95, %dma_start3A_104] : memref<16x128xi32, #tpu.memory_space<vmem>> -> memref<1x128xi32, #tpu.memory_space<vmem>>
      %dma_start3A_106 = tpu.memref_squeeze %dma_start3A_105 : memref<1x128xi32, #tpu.memory_space<vmem>> -> memref<128xi32, #tpu.memory_space<vmem>>
      %dma_start3A_107 = arith.constant 0 : i32
      %dma_start3A_108 = tpu.memref_slice %dma_start3A_106[%dma_start3A_107] : memref<128xi32, #tpu.memory_space<vmem>> -> memref<32xi32, #tpu.memory_space<vmem>>
      %dma_start3A_109 = arith.constant 0 : i32
      %dma_start3A_110 = arith.constant 0 : i32
      %dma_start3A_111 = tpu.memref_slice %arg2[%dma_start3A_109, %dma_start3A_110] : memref<10240x128xf32, #tpu.memory_space<hbm>> -> memref<10240x128xf32, #tpu.memory_space<hbm>>
      tpu.enqueue_indirect_dma source(%dma_start3A_111 : memref<10240x128xf32, #tpu.memory_space<hbm>>) target(%dma_start3A_103 : memref<32x128xf32, #tpu.memory_space<vmem>>) offsets(%dma_start3A_108 : memref<32xi32, #tpu.memory_space<vmem>>) semaphore(%arg12 : memref<!tpu.dma_semaphore, #tpu.memory_space<semaphore_mem>>)
      %dma_start3A_112 = arith.constant 15 : i32
      %dma_start3A_113 = arith.constant 1 : i32
      %dma_start3A_114 = arith.constant 0 : i32
      %dma_start3A_115 = arith.constant 0 : i32
      %dma_start3A_116 = tpu.memref_slice %arg9[%dma_start3A_113, %dma_start3A_114, %dma_start3A_115] : memref<2x128x128xf32, #tpu.memory_space<vmem>> -> memref<1x128x128xf32, #tpu.memory_space<vmem>>
      %dma_start3A_117 = tpu.memref_squeeze %dma_start3A_116 : memref<1x128x128xf32, #tpu.memory_space<vmem>> -> memref<128x128xf32, #tpu.memory_space<vmem>>
      %dma_start3A_118 = arith.constant 32 : i32
      %dma_start3A_119 = arith.constant 0 : i32
      %dma_start3A_120 = tpu.memref_slice %dma_start3A_117[%dma_start3A_118, %dma_start3A_119] : memref<128x128xf32, #tpu.memory_space<vmem>> -> memref<32x128xf32, #tpu.memory_space<vmem>>
      %dma_start3A_121 = arith.constant 0 : i32
      %dma_start3A_122 = tpu.memref_slice %arg7[%dma_start3A_112, %dma_start3A_121] : memref<16x128xi32, #tpu.memory_space<vmem>> -> memref<1x128xi32, #tpu.memory_space<vmem>>
      %dma_start3A_123 = tpu.memref_squeeze %dma_start3A_122 : memref<1x128xi32, #tpu.memory_space<vmem>> -> memref<128xi32, #tpu.memory_space<vmem>>
      %dma_start3A_124 = arith.constant 32 : i32
      %dma_start3A_125 = tpu.memref_slice %dma_start3A_123[%dma_start3A_124] : memref<128xi32, #tpu.memory_space<vmem>> -> memref<32xi32, #tpu.memory_space<vmem>>
      %dma_start3A_126 = arith.constant 0 : i32
      %dma_start3A_127 = arith.constant 0 : i32
      %dma_start3A_128 = tpu.memref_slice %arg2[%dma_start3A_126, %dma_start3A_127] : memref<10240x128xf32, #tpu.memory_space<hbm>> -> memref<10240x128xf32, #tpu.memory_space<hbm>>
      tpu.enqueue_indirect_dma source(%dma_start3A_128 : memref<10240x128xf32, #tpu.memory_space<hbm>>) target(%dma_start3A_120 : memref<32x128xf32, #tpu.memory_space<vmem>>) offsets(%dma_start3A_125 : memref<32xi32, #tpu.memory_space<vmem>>) semaphore(%arg12 : memref<!tpu.dma_semaphore, #tpu.memory_space<semaphore_mem>>)
      %dma_start3A_129 = arith.constant 15 : i32
      %dma_start3A_130 = arith.constant 1 : i32
      %dma_start3A_131 = arith.constant 0 : i32
      %dma_start3A_132 = arith.constant 0 : i32
      %dma_start3A_133 = tpu.memref_slice %arg9[%dma_start3A_130, %dma_start3A_131, %dma_start3A_132] : memref<2x128x128xf32, #tpu.memory_space<vmem>> -> memref<1x128x128xf32, #tpu.memory_space<vmem>>
      %dma_start3A_134 = tpu.memref_squeeze %dma_start3A_133 : memref<1x128x128xf32, #tpu.memory_space<vmem>> -> memref<128x128xf32, #tpu.memory_space<vmem>>
      %dma_start3A_135 = arith.constant 64 : i32
      %dma_start3A_136 = arith.constant 0 : i32
      %dma_start3A_137 = tpu.memref_slice %dma_start3A_134[%dma_start3A_135, %dma_start3A_136] : memref<128x128xf32, #tpu.memory_space<vmem>> -> memref<32x128xf32, #tpu.memory_space<vmem>>
      %dma_start3A_138 = arith.constant 0 : i32
      %dma_start3A_139 = tpu.memref_slice %arg7[%dma_start3A_129, %dma_start3A_138] : memref<16x128xi32, #tpu.memory_space<vmem>> -> memref<1x128xi32, #tpu.memory_space<vmem>>
      %dma_start3A_140 = tpu.memref_squeeze %dma_start3A_139 : memref<1x128xi32, #tpu.memory_space<vmem>> -> memref<128xi32, #tpu.memory_space<vmem>>
      %dma_start3A_141 = arith.constant 64 : i32
      %dma_start3A_142 = tpu.memref_slice %dma_start3A_140[%dma_start3A_141] : memref<128xi32, #tpu.memory_space<vmem>> -> memref<32xi32, #tpu.memory_space<vmem>>
      %dma_start3A_143 = arith.constant 0 : i32
      %dma_start3A_144 = arith.constant 0 : i32
      %dma_start3A_145 = tpu.memref_slice %arg2[%dma_start3A_143, %dma_start3A_144] : memref<10240x128xf32, #tpu.memory_space<hbm>> -> memref<10240x128xf32, #tpu.memory_space<hbm>>
      tpu.enqueue_indirect_dma source(%dma_start3A_145 : memref<10240x128xf32, #tpu.memory_space<hbm>>) target(%dma_start3A_137 : memref<32x128xf32, #tpu.memory_space<vmem>>) offsets(%dma_start3A_142 : memref<32xi32, #tpu.memory_space<vmem>>) semaphore(%arg12 : memref<!tpu.dma_semaphore, #tpu.memory_space<semaphore_mem>>)
      %dma_start3A_146 = arith.constant 15 : i32
      %dma_start3A_147 = arith.constant 1 : i32
      %dma_start3A_148 = arith.constant 0 : i32
      %dma_start3A_149 = arith.constant 0 : i32
      %dma_start3A_150 = tpu.memref_slice %arg9[%dma_start3A_147, %dma_start3A_148, %dma_start3A_149] : memref<2x128x128xf32, #tpu.memory_space<vmem>> -> memref<1x128x128xf32, #tpu.memory_space<vmem>>
      %dma_start3A_151 = tpu.memref_squeeze %dma_start3A_150 : memref<1x128x128xf32, #tpu.memory_space<vmem>> -> memref<128x128xf32, #tpu.memory_space<vmem>>
      %dma_start3A_152 = arith.constant 96 : i32
      %dma_start3A_153 = arith.constant 0 : i32
      %dma_start3A_154 = tpu.memref_slice %dma_start3A_151[%dma_start3A_152, %dma_start3A_153] : memref<128x128xf32, #tpu.memory_space<vmem>> -> memref<32x128xf32, #tpu.memory_space<vmem>>
      %dma_start3A_155 = arith.constant 0 : i32
      %dma_start3A_156 = tpu.memref_slice %arg7[%dma_start3A_146, %dma_start3A_155] : memref<16x128xi32, #tpu.memory_space<vmem>> -> memref<1x128xi32, #tpu.memory_space<vmem>>
      %dma_start3A_157 = tpu.memref_squeeze %dma_start3A_156 : memref<1x128xi32, #tpu.memory_space<vmem>> -> memref<128xi32, #tpu.memory_space<vmem>>
      %dma_start3A_158 = arith.constant 96 : i32
      %dma_start3A_159 = tpu.memref_slice %dma_start3A_157[%dma_start3A_158] : memref<128xi32, #tpu.memory_space<vmem>> -> memref<32xi32, #tpu.memory_space<vmem>>
      %dma_start3A_160 = arith.constant 0 : i32
      %dma_start3A_161 = arith.constant 0 : i32
      %dma_start3A_162 = tpu.memref_slice %arg2[%dma_start3A_160, %dma_start3A_161] : memref<10240x128xf32, #tpu.memory_space<hbm>> -> memref<10240x128xf32, #tpu.memory_space<hbm>>
      tpu.enqueue_indirect_dma source(%dma_start3A_162 : memref<10240x128xf32, #tpu.memory_space<hbm>>) target(%dma_start3A_154 : memref<32x128xf32, #tpu.memory_space<vmem>>) offsets(%dma_start3A_159 : memref<32xi32, #tpu.memory_space<vmem>>) semaphore(%arg12 : memref<!tpu.dma_semaphore, #tpu.memory_space<semaphore_mem>>)
      %dma_wait3A = arith.constant 14 : i32
      %dma_wait3A_163 = arith.constant 0 : i32
      %dma_wait3A_164 = arith.constant 0 : i32
      %dma_wait3A_165 = arith.constant 0 : i32
      %dma_wait3A_166 = tpu.memref_slice %arg9[%dma_wait3A_163, %dma_wait3A_164, %dma_wait3A_165] : memref<2x128x128xf32, #tpu.memory_space<vmem>> -> memref<1x128x128xf32, #tpu.memory_space<vmem>>
      %dma_wait3A_167 = tpu.memref_squeeze %dma_wait3A_166 : memref<1x128x128xf32, #tpu.memory_space<vmem>> -> memref<128x128xf32, #tpu.memory_space<vmem>>
      %dma_wait3A_168 = arith.constant 0 : i32
      %dma_wait3A_169 = arith.constant 0 : i32
      %dma_wait3A_170 = tpu.memref_slice %dma_wait3A_167[%dma_wait3A_168, %dma_wait3A_169] : memref<128x128xf32, #tpu.memory_space<vmem>> -> memref<32x128xf32, #tpu.memory_space<vmem>>
      %dma_wait3A_171 = arith.constant 0 : i32
      %dma_wait3A_172 = tpu.memref_slice %arg7[%dma_wait3A, %dma_wait3A_171] : memref<16x128xi32, #tpu.memory_space<vmem>> -> memref<1x128xi32, #tpu.memory_space<vmem>>
      %dma_wait3A_173 = tpu.memref_squeeze %dma_wait3A_172 : memref<1x128xi32, #tpu.memory_space<vmem>> -> memref<128xi32, #tpu.memory_space<vmem>>
      %dma_wait3A_174 = arith.constant 0 : i32
      %dma_wait3A_175 = tpu.memref_slice %dma_wait3A_173[%dma_wait3A_174] : memref<128xi32, #tpu.memory_space<vmem>> -> memref<32xi32, #tpu.memory_space<vmem>>
      %dma_wait3A_176 = arith.constant 0 : i32
      %dma_wait3A_177 = arith.constant 0 : i32
      %dma_wait3A_178 = tpu.memref_slice %arg2[%dma_wait3A_176, %dma_wait3A_177] : memref<10240x128xf32, #tpu.memory_space<hbm>> -> memref<10240x128xf32, #tpu.memory_space<hbm>>
      tpu.wait_indirect_dma semaphore(%arg11 : memref<!tpu.dma_semaphore, #tpu.memory_space<semaphore_mem>>) src(%dma_wait3A_178 : memref<10240x128xf32, #tpu.memory_space<hbm>>) dst(%dma_wait3A_170 : memref<32x128xf32, #tpu.memory_space<vmem>>)
      %dma_wait3A_179 = arith.constant 14 : i32
      %dma_wait3A_180 = arith.constant 0 : i32
      %dma_wait3A_181 = arith.constant 0 : i32
      %dma_wait3A_182 = arith.constant 0 : i32
      %dma_wait3A_183 = tpu.memref_slice %arg9[%dma_wait3A_180, %dma_wait3A_181, %dma_wait3A_182] : memref<2x128x128xf32, #tpu.memory_space<vmem>> -> memref<1x128x128xf32, #tpu.memory_space<vmem>>
      %dma_wait3A_184 = tpu.memref_squeeze %dma_wait3A_183 : memref<1x128x128xf32, #tpu.memory_space<vmem>> -> memref<128x128xf32, #tpu.memory_space<vmem>>
      %dma_wait3A_185 = arith.constant 32 : i32
      %dma_wait3A_186 = arith.constant 0 : i32
      %dma_wait3A_187 = tpu.memref_slice %dma_wait3A_184[%dma_wait3A_185, %dma_wait3A_186] : memref<128x128xf32, #tpu.memory_space<vmem>> -> memref<32x128xf32, #tpu.memory_space<vmem>>
      %dma_wait3A_188 = arith.constant 0 : i32
      %dma_wait3A_189 = tpu.memref_slice %arg7[%dma_wait3A_179, %dma_wait3A_188] : memref<16x128xi32, #tpu.memory_space<vmem>> -> memref<1x128xi32, #tpu.memory_space<vmem>>
      %dma_wait3A_190 = tpu.memref_squeeze %dma_wait3A_189 : memref<1x128xi32, #tpu.memory_space<vmem>> -> memref<128xi32, #tpu.memory_space<vmem>>
      %dma_wait3A_191 = arith.constant 32 : i32
      %dma_wait3A_192 = tpu.memref_slice %dma_wait3A_190[%dma_wait3A_191] : memref<128xi32, #tpu.memory_space<vmem>> -> memref<32xi32, #tpu.memory_space<vmem>>
      %dma_wait3A_193 = arith.constant 0 : i32
      %dma_wait3A_194 = arith.constant 0 : i32
      %dma_wait3A_195 = tpu.memref_slice %arg2[%dma_wait3A_193, %dma_wait3A_194] : memref<10240x128xf32, #tpu.memory_space<hbm>> -> memref<10240x128xf32, #tpu.memory_space<hbm>>
      tpu.wait_indirect_dma semaphore(%arg11 : memref<!tpu.dma_semaphore, #tpu.memory_space<semaphore_mem>>) src(%dma_wait3A_195 : memref<10240x128xf32, #tpu.memory_space<hbm>>) dst(%dma_wait3A_187 : memref<32x128xf32, #tpu.memory_space<vmem>>)
      %dma_wait3A_196 = arith.constant 14 : i32
      %dma_wait3A_197 = arith.constant 0 : i32
      %dma_wait3A_198 = arith.constant 0 : i32
      %dma_wait3A_199 = arith.constant 0 : i32
      %dma_wait3A_200 = tpu.memref_slice %arg9[%dma_wait3A_197, %dma_wait3A_198, %dma_wait3A_199] : memref<2x128x128xf32, #tpu.memory_space<vmem>> -> memref<1x128x128xf32, #tpu.memory_space<vmem>>
      %dma_wait3A_201 = tpu.memref_squeeze %dma_wait3A_200 : memref<1x128x128xf32, #tpu.memory_space<vmem>> -> memref<128x128xf32, #tpu.memory_space<vmem>>
      %dma_wait3A_202 = arith.constant 64 : i32
      %dma_wait3A_203 = arith.constant 0 : i32
      %dma_wait3A_204 = tpu.memref_slice %dma_wait3A_201[%dma_wait3A_202, %dma_wait3A_203] : memref<128x128xf32, #tpu.memory_space<vmem>> -> memref<32x128xf32, #tpu.memory_space<vmem>>
      %dma_wait3A_205 = arith.constant 0 : i32
      %dma_wait3A_206 = tpu.memref_slice %arg7[%dma_wait3A_196, %dma_wait3A_205] : memref<16x128xi32, #tpu.memory_space<vmem>> -> memref<1x128xi32, #tpu.memory_space<vmem>>
      %dma_wait3A_207 = tpu.memref_squeeze %dma_wait3A_206 : memref<1x128xi32, #tpu.memory_space<vmem>> -> memref<128xi32, #tpu.memory_space<vmem>>
      %dma_wait3A_208 = arith.constant 64 : i32
      %dma_wait3A_209 = tpu.memref_slice %dma_wait3A_207[%dma_wait3A_208] : memref<128xi32, #tpu.memory_space<vmem>> -> memref<32xi32, #tpu.memory_space<vmem>>
      %dma_wait3A_210 = arith.constant 0 : i32
      %dma_wait3A_211 = arith.constant 0 : i32
      %dma_wait3A_212 = tpu.memref_slice %arg2[%dma_wait3A_210, %dma_wait3A_211] : memref<10240x128xf32, #tpu.memory_space<hbm>> -> memref<10240x128xf32, #tpu.memory_space<hbm>>
      tpu.wait_indirect_dma semaphore(%arg11 : memref<!tpu.dma_semaphore, #tpu.memory_space<semaphore_mem>>) src(%dma_wait3A_212 : memref<10240x128xf32, #tpu.memory_space<hbm>>) dst(%dma_wait3A_204 : memref<32x128xf32, #tpu.memory_space<vmem>>)
      %dma_wait3A_213 = arith.constant 14 : i32
      %dma_wait3A_214 = arith.constant 0 : i32
      %dma_wait3A_215 = arith.constant 0 : i32
      %dma_wait3A_216 = arith.constant 0 : i32
      %dma_wait3A_217 = tpu.memref_slice %arg9[%dma_wait3A_214, %dma_wait3A_215, %dma_wait3A_216] : memref<2x128x128xf32, #tpu.memory_space<vmem>> -> memref<1x128x128xf32, #tpu.memory_space<vmem>>
      %dma_wait3A_218 = tpu.memref_squeeze %dma_wait3A_217 : memref<1x128x128xf32, #tpu.memory_space<vmem>> -> memref<128x128xf32, #tpu.memory_space<vmem>>
      %dma_wait3A_219 = arith.constant 96 : i32
      %dma_wait3A_220 = arith.constant 0 : i32
      %dma_wait3A_221 = tpu.memref_slice %dma_wait3A_218[%dma_wait3A_219, %dma_wait3A_220] : memref<128x128xf32, #tpu.memory_space<vmem>> -> memref<32x128xf32, #tpu.memory_space<vmem>>
      %dma_wait3A_222 = arith.constant 0 : i32
      %dma_wait3A_223 = tpu.memref_slice %arg7[%dma_wait3A_213, %dma_wait3A_222] : memref<16x128xi32, #tpu.memory_space<vmem>> -> memref<1x128xi32, #tpu.memory_space<vmem>>
      %dma_wait3A_224 = tpu.memref_squeeze %dma_wait3A_223 : memref<1x128xi32, #tpu.memory_space<vmem>> -> memref<128xi32, #tpu.memory_space<vmem>>
      %dma_wait3A_225 = arith.constant 96 : i32
      %dma_wait3A_226 = tpu.memref_slice %dma_wait3A_224[%dma_wait3A_225] : memref<128xi32, #tpu.memory_space<vmem>> -> memref<32xi32, #tpu.memory_space<vmem>>
      %dma_wait3A_227 = arith.constant 0 : i32
      %dma_wait3A_228 = arith.constant 0 : i32
      %dma_wait3A_229 = tpu.memref_slice %arg2[%dma_wait3A_227, %dma_wait3A_228] : memref<10240x128xf32, #tpu.memory_space<hbm>> -> memref<10240x128xf32, #tpu.memory_space<hbm>>
      tpu.wait_indirect_dma semaphore(%arg11 : memref<!tpu.dma_semaphore, #tpu.memory_space<semaphore_mem>>) src(%dma_wait3A_229 : memref<10240x128xf32, #tpu.memory_space<hbm>>) dst(%dma_wait3A_221 : memref<32x128xf32, #tpu.memory_space<vmem>>)
      %run_scoped3A = arith.constant 0 : i32
      %run_scoped3A_230 = arith.constant 14 : i32
      "tpu.region"() ({
        %run_scoped3A_301 = tpu.sem_alloc : memref<!tpu.dma_semaphore, #tpu.memory_space<semaphore_mem>>
        %dma_start3A_302 = arith.constant 0 : i32
        %dma_start3A_303 = arith.constant 0 : i32
        %dma_start3A_304 = tpu.memref_slice %arg9[%run_scoped3A, %dma_start3A_302, %dma_start3A_303] : memref<2x128x128xf32, #tpu.memory_space<vmem>> -> memref<1x128x128xf32, #tpu.memory_space<vmem>>
        %dma_start3A_305 = tpu.memref_squeeze %dma_start3A_304 : memref<1x128x128xf32, #tpu.memory_space<vmem>> -> memref<128x128xf32, #tpu.memory_space<vmem>>
        %dma_start3A_306 = arith.constant 0 : i32
        %dma_start3A_307 = tpu.memref_slice %arg8[%run_scoped3A_230, %dma_start3A_306] : memref<16x128xi32, #tpu.memory_space<vmem>> -> memref<1x128xi32, #tpu.memory_space<vmem>>
        %dma_start3A_308 = tpu.memref_squeeze %dma_start3A_307 : memref<1x128xi32, #tpu.memory_space<vmem>> -> memref<128xi32, #tpu.memory_space<vmem>>
        %dma_start3A_309 = arith.constant 0 : i32
        %dma_start3A_310 = arith.constant 0 : i32
        %dma_start3A_311 = tpu.memref_slice %arg10[%dma_start3A_309, %dma_start3A_310] : memref<10240x128xf32, #tpu.memory_space<vmem_shared>> -> memref<10240x128xf32, #tpu.memory_space<vmem_shared>>
        tpu.enqueue_indirect_dma source(%dma_start3A_305 : memref<128x128xf32, #tpu.memory_space<vmem>>) target(%dma_start3A_311 : memref<10240x128xf32, #tpu.memory_space<vmem_shared>>) offsets(%dma_start3A_308 : memref<128xi32, #tpu.memory_space<vmem>>) semaphore(%run_scoped3A_301 : memref<!tpu.dma_semaphore, #tpu.memory_space<semaphore_mem>>) {add = true}
        %dma_wait3A_312 = arith.constant 0 : i32
        %dma_wait3A_313 = arith.constant 0 : i32
        %dma_wait3A_314 = tpu.memref_slice %arg9[%run_scoped3A, %dma_wait3A_312, %dma_wait3A_313] : memref<2x128x128xf32, #tpu.memory_space<vmem>> -> memref<1x128x128xf32, #tpu.memory_space<vmem>>
        %dma_wait3A_315 = tpu.memref_squeeze %dma_wait3A_314 : memref<1x128x128xf32, #tpu.memory_space<vmem>> -> memref<128x128xf32, #tpu.memory_space<vmem>>
        %dma_wait3A_316 = arith.constant 0 : i32
        %dma_wait3A_317 = tpu.memref_slice %arg8[%run_scoped3A_230, %dma_wait3A_316] : memref<16x128xi32, #tpu.memory_space<vmem>> -> memref<1x128xi32, #tpu.memory_space<vmem>>
        %dma_wait3A_318 = tpu.memref_squeeze %dma_wait3A_317 : memref<1x128xi32, #tpu.memory_space<vmem>> -> memref<128xi32, #tpu.memory_space<vmem>>
        %dma_wait3A_319 = arith.constant 0 : i32
        %dma_wait3A_320 = arith.constant 0 : i32
        %dma_wait3A_321 = tpu.memref_slice %arg10[%dma_wait3A_319, %dma_wait3A_320] : memref<10240x128xf32, #tpu.memory_space<vmem_shared>> -> memref<10240x128xf32, #tpu.memory_space<vmem_shared>>
        tpu.wait_indirect_dma semaphore(%run_scoped3A_301 : memref<!tpu.dma_semaphore, #tpu.memory_space<semaphore_mem>>) src(%dma_wait3A_315 : memref<128x128xf32, #tpu.memory_space<vmem>>) dst(%dma_wait3A_321 : memref<10240x128xf32, #tpu.memory_space<vmem_shared>>)
        tpu.yield
      }) : () -> ()
      %dma_wait3A_231 = arith.constant 15 : i32
      %dma_wait3A_232 = arith.constant 1 : i32
      %dma_wait3A_233 = arith.constant 0 : i32
      %dma_wait3A_234 = arith.constant 0 : i32
      %dma_wait3A_235 = tpu.memref_slice %arg9[%dma_wait3A_232, %dma_wait3A_233, %dma_wait3A_234] : memref<2x128x128xf32, #tpu.memory_space<vmem>> -> memref<1x128x128xf32, #tpu.memory_space<vmem>>
      %dma_wait3A_236 = tpu.memref_squeeze %dma_wait3A_235 : memref<1x128x128xf32, #tpu.memory_space<vmem>> -> memref<128x128xf32, #tpu.memory_space<vmem>>
      %dma_wait3A_237 = arith.constant 0 : i32
      %dma_wait3A_238 = arith.constant 0 : i32
      %dma_wait3A_239 = tpu.memref_slice %dma_wait3A_236[%dma_wait3A_237, %dma_wait3A_238] : memref<128x128xf32, #tpu.memory_space<vmem>> -> memref<32x128xf32, #tpu.memory_space<vmem>>
      %dma_wait3A_240 = arith.constant 0 : i32
      %dma_wait3A_241 = tpu.memref_slice %arg7[%dma_wait3A_231, %dma_wait3A_240] : memref<16x128xi32, #tpu.memory_space<vmem>> -> memref<1x128xi32, #tpu.memory_space<vmem>>
      %dma_wait3A_242 = tpu.memref_squeeze %dma_wait3A_241 : memref<1x128xi32, #tpu.memory_space<vmem>> -> memref<128xi32, #tpu.memory_space<vmem>>
      %dma_wait3A_243 = arith.constant 0 : i32
      %dma_wait3A_244 = tpu.memref_slice %dma_wait3A_242[%dma_wait3A_243] : memref<128xi32, #tpu.memory_space<vmem>> -> memref<32xi32, #tpu.memory_space<vmem>>
      %dma_wait3A_245 = arith.constant 0 : i32
      %dma_wait3A_246 = arith.constant 0 : i32
      %dma_wait3A_247 = tpu.memref_slice %arg2[%dma_wait3A_245, %dma_wait3A_246] : memref<10240x128xf32, #tpu.memory_space<hbm>> -> memref<10240x128xf32, #tpu.memory_space<hbm>>
      tpu.wait_indirect_dma semaphore(%arg12 : memref<!tpu.dma_semaphore, #tpu.memory_space<semaphore_mem>>) src(%dma_wait3A_247 : memref<10240x128xf32, #tpu.memory_space<hbm>>) dst(%dma_wait3A_239 : memref<32x128xf32, #tpu.memory_space<vmem>>)
      %dma_wait3A_248 = arith.constant 15 : i32
      %dma_wait3A_249 = arith.constant 1 : i32
      %dma_wait3A_250 = arith.constant 0 : i32
      %dma_wait3A_251 = arith.constant 0 : i32
      %dma_wait3A_252 = tpu.memref_slice %arg9[%dma_wait3A_249, %dma_wait3A_250, %dma_wait3A_251] : memref<2x128x128xf32, #tpu.memory_space<vmem>> -> memref<1x128x128xf32, #tpu.memory_space<vmem>>
      %dma_wait3A_253 = tpu.memref_squeeze %dma_wait3A_252 : memref<1x128x128xf32, #tpu.memory_space<vmem>> -> memref<128x128xf32, #tpu.memory_space<vmem>>
      %dma_wait3A_254 = arith.constant 32 : i32
      %dma_wait3A_255 = arith.constant 0 : i32
      %dma_wait3A_256 = tpu.memref_slice %dma_wait3A_253[%dma_wait3A_254, %dma_wait3A_255] : memref<128x128xf32, #tpu.memory_space<vmem>> -> memref<32x128xf32, #tpu.memory_space<vmem>>
      %dma_wait3A_257 = arith.constant 0 : i32
      %dma_wait3A_258 = tpu.memref_slice %arg7[%dma_wait3A_248, %dma_wait3A_257] : memref<16x128xi32, #tpu.memory_space<vmem>> -> memref<1x128xi32, #tpu.memory_space<vmem>>
      %dma_wait3A_259 = tpu.memref_squeeze %dma_wait3A_258 : memref<1x128xi32, #tpu.memory_space<vmem>> -> memref<128xi32, #tpu.memory_space<vmem>>
      %dma_wait3A_260 = arith.constant 32 : i32
      %dma_wait3A_261 = tpu.memref_slice %dma_wait3A_259[%dma_wait3A_260] : memref<128xi32, #tpu.memory_space<vmem>> -> memref<32xi32, #tpu.memory_space<vmem>>
      %dma_wait3A_262 = arith.constant 0 : i32
      %dma_wait3A_263 = arith.constant 0 : i32
      %dma_wait3A_264 = tpu.memref_slice %arg2[%dma_wait3A_262, %dma_wait3A_263] : memref<10240x128xf32, #tpu.memory_space<hbm>> -> memref<10240x128xf32, #tpu.memory_space<hbm>>
      tpu.wait_indirect_dma semaphore(%arg12 : memref<!tpu.dma_semaphore, #tpu.memory_space<semaphore_mem>>) src(%dma_wait3A_264 : memref<10240x128xf32, #tpu.memory_space<hbm>>) dst(%dma_wait3A_256 : memref<32x128xf32, #tpu.memory_space<vmem>>)
      %dma_wait3A_265 = arith.constant 15 : i32
      %dma_wait3A_266 = arith.constant 1 : i32
      %dma_wait3A_267 = arith.constant 0 : i32
      %dma_wait3A_268 = arith.constant 0 : i32
      %dma_wait3A_269 = tpu.memref_slice %arg9[%dma_wait3A_266, %dma_wait3A_267, %dma_wait3A_268] : memref<2x128x128xf32, #tpu.memory_space<vmem>> -> memref<1x128x128xf32, #tpu.memory_space<vmem>>
      %dma_wait3A_270 = tpu.memref_squeeze %dma_wait3A_269 : memref<1x128x128xf32, #tpu.memory_space<vmem>> -> memref<128x128xf32, #tpu.memory_space<vmem>>
      %dma_wait3A_271 = arith.constant 64 : i32
      %dma_wait3A_272 = arith.constant 0 : i32
      %dma_wait3A_273 = tpu.memref_slice %dma_wait3A_270[%dma_wait3A_271, %dma_wait3A_272] : memref<128x128xf32, #tpu.memory_space<vmem>> -> memref<32x128xf32, #tpu.memory_space<vmem>>
      %dma_wait3A_274 = arith.constant 0 : i32
      %dma_wait3A_275 = tpu.memref_slice %arg7[%dma_wait3A_265, %dma_wait3A_274] : memref<16x128xi32, #tpu.memory_space<vmem>> -> memref<1x128xi32, #tpu.memory_space<vmem>>
      %dma_wait3A_276 = tpu.memref_squeeze %dma_wait3A_275 : memref<1x128xi32, #tpu.memory_space<vmem>> -> memref<128xi32, #tpu.memory_space<vmem>>
      %dma_wait3A_277 = arith.constant 64 : i32
      %dma_wait3A_278 = tpu.memref_slice %dma_wait3A_276[%dma_wait3A_277] : memref<128xi32, #tpu.memory_space<vmem>> -> memref<32xi32, #tpu.memory_space<vmem>>
      %dma_wait3A_279 = arith.constant 0 : i32
      %dma_wait3A_280 = arith.constant 0 : i32
      %dma_wait3A_281 = tpu.memref_slice %arg2[%dma_wait3A_279, %dma_wait3A_280] : memref<10240x128xf32, #tpu.memory_space<hbm>> -> memref<10240x128xf32, #tpu.memory_space<hbm>>
      tpu.wait_indirect_dma semaphore(%arg12 : memref<!tpu.dma_semaphore, #tpu.memory_space<semaphore_mem>>) src(%dma_wait3A_281 : memref<10240x128xf32, #tpu.memory_space<hbm>>) dst(%dma_wait3A_273 : memref<32x128xf32, #tpu.memory_space<vmem>>)
      %dma_wait3A_282 = arith.constant 15 : i32
      %dma_wait3A_283 = arith.constant 1 : i32
      %dma_wait3A_284 = arith.constant 0 : i32
      %dma_wait3A_285 = arith.constant 0 : i32
      %dma_wait3A_286 = tpu.memref_slice %arg9[%dma_wait3A_283, %dma_wait3A_284, %dma_wait3A_285] : memref<2x128x128xf32, #tpu.memory_space<vmem>> -> memref<1x128x128xf32, #tpu.memory_space<vmem>>
      %dma_wait3A_287 = tpu.memref_squeeze %dma_wait3A_286 : memref<1x128x128xf32, #tpu.memory_space<vmem>> -> memref<128x128xf32, #tpu.memory_space<vmem>>
      %dma_wait3A_288 = arith.constant 96 : i32
      %dma_wait3A_289 = arith.constant 0 : i32
      %dma_wait3A_290 = tpu.memref_slice %dma_wait3A_287[%dma_wait3A_288, %dma_wait3A_289] : memref<128x128xf32, #tpu.memory_space<vmem>> -> memref<32x128xf32, #tpu.memory_space<vmem>>
      %dma_wait3A_291 = arith.constant 0 : i32
      %dma_wait3A_292 = tpu.memref_slice %arg7[%dma_wait3A_282, %dma_wait3A_291] : memref<16x128xi32, #tpu.memory_space<vmem>> -> memref<1x128xi32, #tpu.memory_space<vmem>>
      %dma_wait3A_293 = tpu.memref_squeeze %dma_wait3A_292 : memref<1x128xi32, #tpu.memory_space<vmem>> -> memref<128xi32, #tpu.memory_space<vmem>>
      %dma_wait3A_294 = arith.constant 96 : i32
      %dma_wait3A_295 = tpu.memref_slice %dma_wait3A_293[%dma_wait3A_294] : memref<128xi32, #tpu.memory_space<vmem>> -> memref<32xi32, #tpu.memory_space<vmem>>
      %dma_wait3A_296 = arith.constant 0 : i32
      %dma_wait3A_297 = arith.constant 0 : i32
      %dma_wait3A_298 = tpu.memref_slice %arg2[%dma_wait3A_296, %dma_wait3A_297] : memref<10240x128xf32, #tpu.memory_space<hbm>> -> memref<10240x128xf32, #tpu.memory_space<hbm>>
      tpu.wait_indirect_dma semaphore(%arg12 : memref<!tpu.dma_semaphore, #tpu.memory_space<semaphore_mem>>) src(%dma_wait3A_298 : memref<10240x128xf32, #tpu.memory_space<hbm>>) dst(%dma_wait3A_290 : memref<32x128xf32, #tpu.memory_space<vmem>>)
      %run_scoped3A_299 = arith.constant 1 : i32
      %run_scoped3A_300 = arith.constant 15 : i32
      "tpu.region"() ({
        %run_scoped3A_301 = tpu.sem_alloc : memref<!tpu.dma_semaphore, #tpu.memory_space<semaphore_mem>>
        %dma_start3A_302 = arith.constant 0 : i32
        %dma_start3A_303 = arith.constant 0 : i32
        %dma_start3A_304 = tpu.memref_slice %arg9[%run_scoped3A_299, %dma_start3A_302, %dma_start3A_303] : memref<2x128x128xf32, #tpu.memory_space<vmem>> -> memref<1x128x128xf32, #tpu.memory_space<vmem>>
        %dma_start3A_305 = tpu.memref_squeeze %dma_start3A_304 : memref<1x128x128xf32, #tpu.memory_space<vmem>> -> memref<128x128xf32, #tpu.memory_space<vmem>>
        %dma_start3A_306 = arith.constant 0 : i32
        %dma_start3A_307 = tpu.memref_slice %arg8[%run_scoped3A_300, %dma_start3A_306] : memref<16x128xi32, #tpu.memory_space<vmem>> -> memref<1x128xi32, #tpu.memory_space<vmem>>
        %dma_start3A_308 = tpu.memref_squeeze %dma_start3A_307 : memref<1x128xi32, #tpu.memory_space<vmem>> -> memref<128xi32, #tpu.memory_space<vmem>>
        %dma_start3A_309 = arith.constant 0 : i32
        %dma_start3A_310 = arith.constant 0 : i32
        %dma_start3A_311 = tpu.memref_slice %arg10[%dma_start3A_309, %dma_start3A_310] : memref<10240x128xf32, #tpu.memory_space<vmem_shared>> -> memref<10240x128xf32, #tpu.memory_space<vmem_shared>>
        tpu.enqueue_indirect_dma source(%dma_start3A_305 : memref<128x128xf32, #tpu.memory_space<vmem>>) target(%dma_start3A_311 : memref<10240x128xf32, #tpu.memory_space<vmem_shared>>) offsets(%dma_start3A_308 : memref<128xi32, #tpu.memory_space<vmem>>) semaphore(%run_scoped3A_301 : memref<!tpu.dma_semaphore, #tpu.memory_space<semaphore_mem>>) {add = true}
        %dma_wait3A_312 = arith.constant 0 : i32
        %dma_wait3A_313 = arith.constant 0 : i32
        %dma_wait3A_314 = tpu.memref_slice %arg9[%run_scoped3A_299, %dma_wait3A_312, %dma_wait3A_313] : memref<2x128x128xf32, #tpu.memory_space<vmem>> -> memref<1x128x128xf32, #tpu.memory_space<vmem>>
        %dma_wait3A_315 = tpu.memref_squeeze %dma_wait3A_314 : memref<1x128x128xf32, #tpu.memory_space<vmem>> -> memref<128x128xf32, #tpu.memory_space<vmem>>
        %dma_wait3A_316 = arith.constant 0 : i32
        %dma_wait3A_317 = tpu.memref_slice %arg8[%run_scoped3A_300, %dma_wait3A_316] : memref<16x128xi32, #tpu.memory_space<vmem>> -> memref<1x128xi32, #tpu.memory_space<vmem>>
        %dma_wait3A_318 = tpu.memref_squeeze %dma_wait3A_317 : memref<1x128xi32, #tpu.memory_space<vmem>> -> memref<128xi32, #tpu.memory_space<vmem>>
        %dma_wait3A_319 = arith.constant 0 : i32
        %dma_wait3A_320 = arith.constant 0 : i32
        %dma_wait3A_321 = tpu.memref_slice %arg10[%dma_wait3A_319, %dma_wait3A_320] : memref<10240x128xf32, #tpu.memory_space<vmem_shared>> -> memref<10240x128xf32, #tpu.memory_space<vmem_shared>>
        tpu.wait_indirect_dma semaphore(%run_scoped3A_301 : memref<!tpu.dma_semaphore, #tpu.memory_space<semaphore_mem>>) src(%dma_wait3A_315 : memref<128x128xf32, #tpu.memory_space<vmem>>) dst(%dma_wait3A_321 : memref<10240x128xf32, #tpu.memory_space<vmem_shared>>)
        tpu.yield
      }) : () -> ()
    }
    %scan3A_8 = arith.constant 5 : i32
    %barrier3A_9 = arith.constant 0 : index
    tpu.barrier barrier_id(%barrier3A_9)
    %mul3A_10 = arith.constant 640 : i32
    %mul3A_11 = arith.muli %arg1, %mul3A_10 : i32
    %mul3A_12 = arith.constant 640 : i32
    %mul3A_13 = arith.muli %arg1, %mul3A_12 : i32
    "tpu.region"() ({
      %run_scoped3A = tpu.sem_alloc : memref<!tpu.dma_semaphore, #tpu.memory_space<semaphore_mem>>
      %dma_start3A = arith.constant 0 : i32
      %dma_start3A_14 = arith.constant 0 : i32
      %dma_start3A_15 = tpu.memref_slice %arg6[%arg0, %dma_start3A, %dma_start3A_14] : memref<2x10240x128xf32, #tpu.memory_space<hbm>> -> memref<1x10240x128xf32, #tpu.memory_space<hbm>>
      %dma_start3A_16 = tpu.memref_squeeze %dma_start3A_15 : memref<1x10240x128xf32, #tpu.memory_space<hbm>> -> memref<10240x128xf32, #tpu.memory_space<hbm>>
      %dma_start3A_17 = arith.constant 0 : i32
      %dma_start3A_18 = tpu.memref_slice %dma_start3A_16[%mul3A_13, %dma_start3A_17] : memref<10240x128xf32, #tpu.memory_space<hbm>> -> memref<640x128xf32, #tpu.memory_space<hbm>>
      %dma_start3A_19 = arith.constant 0 : i32
      %dma_start3A_20 = tpu.memref_slice %arg10[%mul3A_11, %dma_start3A_19] : memref<10240x128xf32, #tpu.memory_space<vmem_shared>> -> memref<640x128xf32, #tpu.memory_space<vmem_shared>>
      tpu.enqueue_dma source(%dma_start3A_20 : memref<640x128xf32, #tpu.memory_space<vmem_shared>>) target(%dma_start3A_18 : memref<640x128xf32, #tpu.memory_space<hbm>>) target_semaphore(%run_scoped3A : memref<!tpu.dma_semaphore, #tpu.memory_space<semaphore_mem>>)
      %dma_wait3A = arith.constant 0 : i32
      %dma_wait3A_21 = arith.constant 0 : i32
      %dma_wait3A_22 = tpu.memref_slice %arg6[%arg0, %dma_wait3A, %dma_wait3A_21] : memref<2x10240x128xf32, #tpu.memory_space<hbm>> -> memref<1x10240x128xf32, #tpu.memory_space<hbm>>
      %dma_wait3A_23 = tpu.memref_squeeze %dma_wait3A_22 : memref<1x10240x128xf32, #tpu.memory_space<hbm>> -> memref<10240x128xf32, #tpu.memory_space<hbm>>
      %dma_wait3A_24 = arith.constant 0 : i32
      %dma_wait3A_25 = tpu.memref_slice %dma_wait3A_23[%mul3A_13, %dma_wait3A_24] : memref<10240x128xf32, #tpu.memory_space<hbm>> -> memref<640x128xf32, #tpu.memory_space<hbm>>
      %dma_wait3A_26 = arith.constant 0 : i32
      %dma_wait3A_27 = tpu.memref_slice %arg10[%mul3A_11, %dma_wait3A_26] : memref<10240x128xf32, #tpu.memory_space<vmem_shared>> -> memref<640x128xf32, #tpu.memory_space<vmem_shared>>
      tpu.wait_dma2 semaphore(%run_scoped3A : memref<!tpu.dma_semaphore, #tpu.memory_space<semaphore_mem>>) src(%dma_wait3A_27 : memref<640x128xf32, #tpu.memory_space<vmem_shared>>) dst(%dma_wait3A_25 : memref<640x128xf32, #tpu.memory_space<hbm>>)
      tpu.yield
    }) : () -> ()
    return
  }
}

module attributes {stable_mosaic.version = 14 : i64} {
  func.func @body(%arg0: i32, %arg1: memref<2x1024x128xf32, #tpu.memory_space<vmem>>, %arg2: memref<2x1024x128xf32, #tpu.memory_space<vmem>>, %arg3: memref<1024x128xf32, #tpu.memory_space<vmem>>) attributes {dimension_semantics = [#tpu.dimension_semantics<arbitrary>], iteration_bounds = array<i64: 10>, scalar_prefetch = 0 : i64, scratch_operands = 0 : i64, tpu.core_type = #tpu.core_type<tc>, window_params = [{transform_indices = @transform_0, window_bounds = array<i64: 2, 1024, 128>}, {transform_indices = @transform_1, window_bounds = array<i64: 2, 1024, 128>}, {transform_indices = @transform_2, window_bounds = array<i64: 1024, 128>}]} {
    %get3A = arith.constant 0 : index
    %get3A_0 = arith.constant 0 : index
    %get3A_1 = arith.constant 0 : index
    %get3A_2 = vector.load %arg1[%get3A, %get3A_0, %get3A_1] : memref<2x1024x128xf32, #tpu.memory_space<vmem>>, vector<1x1024x128xf32>
    %get3A_3 = vector.shape_cast %get3A_2 : vector<1x1024x128xf32> to vector<1024x128xf32>
    %get3A_4 = arith.constant 1 : index
    %get3A_5 = arith.constant 0 : index
    %get3A_6 = arith.constant 0 : index
    %get3A_7 = vector.load %arg1[%get3A_4, %get3A_5, %get3A_6] : memref<2x1024x128xf32, #tpu.memory_space<vmem>>, vector<1x1024x128xf32>
    %get3A_8 = vector.shape_cast %get3A_7 : vector<1x1024x128xf32> to vector<1024x128xf32>
    %add3A = arith.addf %get3A_3, %get3A_8 : vector<1024x128xf32>
    %get3A_9 = arith.constant 0 : index
    %get3A_10 = arith.constant 0 : index
    %get3A_11 = arith.constant 0 : index
    %get3A_12 = vector.load %arg2[%get3A_9, %get3A_10, %get3A_11] : memref<2x1024x128xf32, #tpu.memory_space<vmem>>, vector<1x1024x1xf32>
    %get3A_13 = vector.shape_cast %get3A_12 : vector<1x1024x1xf32> to vector<1024xf32>
    %get3A_14 = arith.constant 1 : index
    %get3A_15 = arith.constant 0 : index
    %get3A_16 = arith.constant 0 : index
    %get3A_17 = vector.load %arg2[%get3A_14, %get3A_15, %get3A_16] : memref<2x1024x128xf32, #tpu.memory_space<vmem>>, vector<1x1024x1xf32>
    %get3A_18 = vector.shape_cast %get3A_17 : vector<1x1024x1xf32> to vector<1024xf32>
    %add3A_19 = arith.addf %get3A_13, %get3A_18 : vector<1024xf32>
    %max3A = arith.constant 1.000000e+00 : f32
    %max3A_20 = vector.broadcast %max3A : f32 to vector<1024xf32>
    %max3A_21 = arith.maximumf %add3A_19, %max3A_20 : vector<1024xf32>
    %rsqrt3A = math.rsqrt %max3A_21 : vector<1024xf32>
    %reshape3A = vector.shape_cast %rsqrt3A : vector<1024xf32> to vector<1024x1xf32>
    %mul3A = vector.broadcast %reshape3A : vector<1024x1xf32> to vector<1024x128xf32>
    %mul3A_22 = arith.mulf %add3A, %mul3A : vector<1024x128xf32>
    %swap3A = arith.constant 0 : index
    %swap3A_23 = arith.constant 0 : index
    %swap3A_24 = vector.load %arg3[%swap3A, %swap3A_23] : memref<1024x128xf32, #tpu.memory_space<vmem>>, vector<1024x128xf32>
    tpu.vector_store %arg3[%swap3A, %swap3A_23], %mul3A_22 {strides = array<i32>} : memref<1024x128xf32, #tpu.memory_space<vmem>>, vector<1024x128xf32>,
    return
  }
  func.func @transform_0(%arg0: i32) -> (i32, i32, i32) {
    %c0_i32 = arith.constant 0 : i32
    %c0_i32_0 = arith.constant 0 : i32
    %c0_i32_1 = arith.constant 0 : i32
    return %c0_i32, %arg0, %c0_i32_0 : i32, i32, i32
  }
  func.func @transform_1(%arg0: i32) -> (i32, i32, i32) {
    %c0_i32 = arith.constant 0 : i32
    %c0_i32_0 = arith.constant 0 : i32
    %c0_i32_1 = arith.constant 0 : i32
    return %c0_i32, %arg0, %c0_i32_0 : i32, i32, i32
  }
  func.func @transform_2(%arg0: i32) -> (i32, i32) {
    %c0_i32 = arith.constant 0 : i32
    %c0_i32_0 = arith.constant 0 : i32
    return %arg0, %c0_i32 : i32, i32
  }
}

module attributes {stable_mosaic.version = 14 : i64} {
  func.func @body(%arg0: i32, %arg1: memref<1024x128xf32, #tpu.memory_space<vmem>>, %arg2: memref<128x128xf32, #tpu.memory_space<vmem>>, %arg3: memref<2x1024x128xf32, #tpu.memory_space<vmem>>, %arg4: memref<1024x128xf32, #tpu.memory_space<vmem>>) attributes {dimension_semantics = [#tpu.dimension_semantics<arbitrary>], iteration_bounds = array<i64: 10>, scalar_prefetch = 0 : i64, scratch_operands = 0 : i64, tpu.core_type = #tpu.core_type<tc>, window_params = [{transform_indices = @transform_0, window_bounds = array<i64: 1024, 128>}, {pipeline_mode = #tpu.pipeline_mode<synchronous>, transform_indices = @transform_1, window_bounds = array<i64: 128, 128>}, {transform_indices = @transform_2, window_bounds = array<i64: 2, 1024, 128>}, {transform_indices = @transform_3, window_bounds = array<i64: 1024, 128>}]} {
    %get3A = arith.constant 0 : index
    %get3A_0 = arith.constant 0 : index
    %get3A_1 = vector.load %arg1[%get3A, %get3A_0] : memref<1024x128xf32, #tpu.memory_space<vmem>>, vector<1024x128xf32>
    %get3A_2 = arith.constant 0 : index
    %get3A_3 = arith.constant 0 : index
    %get3A_4 = vector.load %arg2[%get3A_2, %get3A_3] : memref<128x128xf32, #tpu.memory_space<vmem>>, vector<128x128xf32>
    %dot_general3A = arith.constant dense<0.000000e+00> : vector<1024x128xf32>
    %dot_general3A_5 = tpu.matmul %get3A_1, %get3A_4, %dot_general3A {dimension_numbers = #tpu.dot_dimension_numbers<[1], [0], [0], [1], [0, 0, 1, 1], [], []>, transpose_lhs_hint = false} : vector<1024x128xf32>, vector<128x128xf32>, vector<1024x128xf32> -> vector<1024x128xf32>
    %get3A_6 = arith.constant 0 : index
    %get3A_7 = arith.constant 0 : index
    %get3A_8 = arith.constant 0 : index
    %get3A_9 = vector.load %arg3[%get3A_6, %get3A_7, %get3A_8] : memref<2x1024x128xf32, #tpu.memory_space<vmem>>, vector<1x1024x1xf32>
    %get3A_10 = vector.shape_cast %get3A_9 : vector<1x1024x1xf32> to vector<1024xf32>
    %get3A_11 = arith.constant 1 : index
    %get3A_12 = arith.constant 0 : index
    %get3A_13 = arith.constant 0 : index
    %get3A_14 = vector.load %arg3[%get3A_11, %get3A_12, %get3A_13] : memref<2x1024x128xf32, #tpu.memory_space<vmem>>, vector<1x1024x1xf32>
    %get3A_15 = vector.shape_cast %get3A_14 : vector<1x1024x1xf32> to vector<1024xf32>
    %add3A = arith.addf %get3A_10, %get3A_15 : vector<1024xf32>
    %max3A = arith.constant 1.000000e+00 : f32
    %max3A_16 = vector.broadcast %max3A : f32 to vector<1024xf32>
    %max3A_17 = arith.maximumf %add3A, %max3A_16 : vector<1024xf32>
    %rsqrt3A = math.rsqrt %max3A_17 : vector<1024xf32>
    %reshape3A = vector.shape_cast %rsqrt3A : vector<1024xf32> to vector<1024x1xf32>
    %mul3A = vector.broadcast %reshape3A : vector<1024x1xf32> to vector<1024x128xf32>
    %mul3A_18 = arith.mulf %dot_general3A_5, %mul3A : vector<1024x128xf32>
    %swap3A = arith.constant 0 : index
    %swap3A_19 = arith.constant 0 : index
    %swap3A_20 = vector.load %arg4[%swap3A, %swap3A_19] : memref<1024x128xf32, #tpu.memory_space<vmem>>, vector<1024x128xf32>
    tpu.vector_store %arg4[%swap3A, %swap3A_19], %mul3A_18 {strides = array<i32>} : memref<1024x128xf32, #tpu.memory_space<vmem>>, vector<1024x128xf32>,
    return
  }
  func.func @transform_0(%arg0: i32) -> (i32, i32) {
    %c0_i32 = arith.constant 0 : i32
    %c0_i32_0 = arith.constant 0 : i32
    return %arg0, %c0_i32 : i32, i32
  }
  func.func @transform_1(%arg0: i32) -> (i32, i32) {
    %c0_i32 = arith.constant 0 : i32
    %c0_i32_0 = arith.constant 0 : i32
    %c0_i32_1 = arith.constant 0 : i32
    return %c0_i32, %c0_i32_0 : i32, i32
  }
  func.func @transform_2(%arg0: i32) -> (i32, i32, i32) {
    %c0_i32 = arith.constant 0 : i32
    %c0_i32_0 = arith.constant 0 : i32
    %c0_i32_1 = arith.constant 0 : i32
    return %c0_i32, %arg0, %c0_i32_0 : i32, i32, i32
  }
  func.func @transform_3(%arg0: i32) -> (i32, i32) {
    %c0_i32 = arith.constant 0 : i32
    %c0_i32_0 = arith.constant 0 : i32
    return %arg0, %c0_i32 : i32, i32
  }
}

module attributes {stable_mosaic.version = 14 : i64} {
  func.func @body(%arg0: i32, %arg1: memref<2x1024x128xf32, #tpu.memory_space<vmem>>, %arg2: memref<2x1024x128xf32, #tpu.memory_space<vmem>>, %arg3: memref<2x1024x128xf32, #tpu.memory_space<vmem>>, %arg4: memref<128x128xf32, #tpu.memory_space<vmem>>, %arg5: memref<1024x128xf32, #tpu.memory_space<vmem>>) attributes {dimension_semantics = [#tpu.dimension_semantics<arbitrary>], iteration_bounds = array<i64: 10>, scalar_prefetch = 0 : i64, scratch_operands = 0 : i64, tpu.core_type = #tpu.core_type<tc>, window_params = [{transform_indices = @transform_0, window_bounds = array<i64: 2, 1024, 128>}, {transform_indices = @transform_1, window_bounds = array<i64: 2, 1024, 128>}, {transform_indices = @transform_2, window_bounds = array<i64: 2, 1024, 128>}, {pipeline_mode = #tpu.pipeline_mode<synchronous>, transform_indices = @transform_3, window_bounds = array<i64: 128, 128>}, {transform_indices = @transform_4, window_bounds = array<i64: 1024, 128>}]} {
    %get3A = arith.constant 0 : index
    %get3A_0 = arith.constant 0 : index
    %get3A_1 = arith.constant 0 : index
    %get3A_2 = vector.load %arg1[%get3A, %get3A_0, %get3A_1] : memref<2x1024x128xf32, #tpu.memory_space<vmem>>, vector<1x1024x128xf32>
    %get3A_3 = vector.shape_cast %get3A_2 : vector<1x1024x128xf32> to vector<1024x128xf32>
    %get3A_4 = arith.constant 1 : index
    %get3A_5 = arith.constant 0 : index
    %get3A_6 = arith.constant 0 : index
    %get3A_7 = vector.load %arg1[%get3A_4, %get3A_5, %get3A_6] : memref<2x1024x128xf32, #tpu.memory_space<vmem>>, vector<1x1024x128xf32>
    %get3A_8 = vector.shape_cast %get3A_7 : vector<1x1024x128xf32> to vector<1024x128xf32>
    %add3A = arith.addf %get3A_3, %get3A_8 : vector<1024x128xf32>
    %get3A_9 = arith.constant 0 : index
    %get3A_10 = arith.constant 0 : index
    %get3A_11 = arith.constant 0 : index
    %get3A_12 = vector.load %arg3[%get3A_9, %get3A_10, %get3A_11] : memref<2x1024x128xf32, #tpu.memory_space<vmem>>, vector<1x1024x1xf32>
    %get3A_13 = vector.shape_cast %get3A_12 : vector<1x1024x1xf32> to vector<1024xf32>
    %get3A_14 = arith.constant 1 : index
    %get3A_15 = arith.constant 0 : index
    %get3A_16 = arith.constant 0 : index
    %get3A_17 = vector.load %arg3[%get3A_14, %get3A_15, %get3A_16] : memref<2x1024x128xf32, #tpu.memory_space<vmem>>, vector<1x1024x1xf32>
    %get3A_18 = vector.shape_cast %get3A_17 : vector<1x1024x1xf32> to vector<1024xf32>
    %add3A_19 = arith.addf %get3A_13, %get3A_18 : vector<1024xf32>
    %max3A = arith.constant 1.000000e+00 : f32
    %max3A_20 = vector.broadcast %max3A : f32 to vector<1024xf32>
    %max3A_21 = arith.maximumf %add3A_19, %max3A_20 : vector<1024xf32>
    %rsqrt3A = math.rsqrt %max3A_21 : vector<1024xf32>
    %reshape3A = vector.shape_cast %rsqrt3A : vector<1024xf32> to vector<1024x1xf32>
    %mul3A = vector.broadcast %reshape3A : vector<1024x1xf32> to vector<1024x128xf32>
    %mul3A_22 = arith.mulf %add3A, %mul3A : vector<1024x128xf32>
    %max3A_23 = arith.constant 0.000000e+00 : f32
    %max3A_24 = vector.broadcast %max3A_23 : f32 to vector<1024x128xf32>
    %max3A_25 = arith.maximumf %mul3A_22, %max3A_24 : vector<1024x128xf32>
    %get3A_26 = arith.constant 0 : index
    %get3A_27 = arith.constant 0 : index
    %get3A_28 = vector.load %arg4[%get3A_26, %get3A_27] : memref<128x128xf32, #tpu.memory_space<vmem>>, vector<128x128xf32>
    %dot_general3A = arith.constant dense<0.000000e+00> : vector<1024x128xf32>
    %dot_general3A_29 = tpu.matmul %max3A_25, %get3A_28, %dot_general3A {dimension_numbers = #tpu.dot_dimension_numbers<[1], [0], [0], [1], [0, 0, 1, 1], [], []>, transpose_lhs_hint = false} : vector<1024x128xf32>, vector<128x128xf32>, vector<1024x128xf32> -> vector<1024x128xf32>
    %get3A_30 = arith.constant 0 : index
    %get3A_31 = arith.constant 0 : index
    %get3A_32 = arith.constant 0 : index
    %get3A_33 = vector.load %arg2[%get3A_30, %get3A_31, %get3A_32] : memref<2x1024x128xf32, #tpu.memory_space<vmem>>, vector<1x1024x1xf32>
    %get3A_34 = vector.shape_cast %get3A_33 : vector<1x1024x1xf32> to vector<1024xf32>
    %get3A_35 = arith.constant 1 : index
    %get3A_36 = arith.constant 0 : index
    %get3A_37 = arith.constant 0 : index
    %get3A_38 = vector.load %arg2[%get3A_35, %get3A_36, %get3A_37] : memref<2x1024x128xf32, #tpu.memory_space<vmem>>, vector<1x1024x1xf32>
    %get3A_39 = vector.shape_cast %get3A_38 : vector<1x1024x1xf32> to vector<1024xf32>
    %add3A_40 = arith.addf %get3A_34, %get3A_39 : vector<1024xf32>
    %max3A_41 = arith.constant 1.000000e+00 : f32
    %max3A_42 = vector.broadcast %max3A_41 : f32 to vector<1024xf32>
    %max3A_43 = arith.maximumf %add3A_40, %max3A_42 : vector<1024xf32>
    %rsqrt3A_44 = math.rsqrt %max3A_43 : vector<1024xf32>
    %reshape3A_45 = vector.shape_cast %rsqrt3A_44 : vector<1024xf32> to vector<1024x1xf32>
    %mul3A_46 = vector.broadcast %reshape3A_45 : vector<1024x1xf32> to vector<1024x128xf32>
    %mul3A_47 = arith.mulf %dot_general3A_29, %mul3A_46 : vector<1024x128xf32>
    %swap3A = arith.constant 0 : index
    %swap3A_48 = arith.constant 0 : index
    %swap3A_49 = vector.load %arg5[%swap3A, %swap3A_48] : memref<1024x128xf32, #tpu.memory_space<vmem>>, vector<1024x128xf32>
    tpu.vector_store %arg5[%swap3A, %swap3A_48], %mul3A_47 {strides = array<i32>} : memref<1024x128xf32, #tpu.memory_space<vmem>>, vector<1024x128xf32>,
    return
  }
  func.func @transform_0(%arg0: i32) -> (i32, i32, i32) {
    %c0_i32 = arith.constant 0 : i32
    %c0_i32_0 = arith.constant 0 : i32
    %c0_i32_1 = arith.constant 0 : i32
    return %c0_i32, %arg0, %c0_i32_0 : i32, i32, i32
  }
  func.func @transform_1(%arg0: i32) -> (i32, i32, i32) {
    %c0_i32 = arith.constant 0 : i32
    %c0_i32_0 = arith.constant 0 : i32
    %c0_i32_1 = arith.constant 0 : i32
    return %c0_i32, %arg0, %c0_i32_0 : i32, i32, i32
  }
  func.func @transform_2(%arg0: i32) -> (i32, i32, i32) {
    %c0_i32 = arith.constant 0 : i32
    %c0_i32_0 = arith.constant 0 : i32
    %c0_i32_1 = arith.constant 0 : i32
    return %c0_i32, %arg0, %c0_i32_0 : i32, i32, i32
  }
  func.func @transform_3(%arg0: i32) -> (i32, i32) {
    %c0_i32 = arith.constant 0 : i32
    %c0_i32_0 = arith.constant 0 : i32
    %c0_i32_1 = arith.constant 0 : i32
    return %c0_i32, %c0_i32_0 : i32, i32
  }
  func.func @transform_4(%arg0: i32) -> (i32, i32) {
    %c0_i32 = arith.constant 0 : i32
    %c0_i32_0 = arith.constant 0 : i32
    return %arg0, %c0_i32 : i32, i32
  }
}

</mosaic_0001>

<sc_bundles>
// kernel: kernel.12.cloned.1.call-start
scs
__scs_entry_jumppad:
0x0: {  	(pc) =	sbr.rel $0x88, $3  }
0x1: {  	(tag) =	ssettag $0x0;
	lr =	simm.s32 $0x1  }
0x2: {  	[smem:$0x3F9D] =	sst lr;
	_ =	strace $0xD0000000  }
0x3: {  	_ = 	snop  }
0x4: {  	_ = 	snop  }
0x5: {  	_ = 	snop  }
0x6: {  	_ = 	snop  }
0x7: {  	_ = 	snop  }
__scs_overlays_trampoline_lowered:
0x8: {  	[smem:$0x3FAC] =	sst s0  }
0x9: {  	[smem:$0x3FAD] =	sst s1  }
0xa: {  	[smem:$0x3FAE] =	sst s2  }
0xb: {  	[smem:$0x3FAF] =	sst s3  }
0xc: {  	[smem:$0x3FB0] =	sst s4  }
0xd: {  	[smem:$0x3FB1] =	sst s5  }
0xe: {  	[smem:$0x3FB2] =	sst s6  }
0xf: {  	[smem:$0x3FB3] =	sst s7  }
0x10: {  	[smem:$0x3FB4] =	sst s8  }
0x11: {  	[smem:$0x3FB5] =	sst s9;
	s0 =	simm.s32 @!p0 $0x0  }
0x12: {  	s1 =	sld [smem:$0x3F9B];
	s0 =	simm.s32 @p0 $0x1  }
0x13: {  	[smem:$0x3FB6] =	sst s0;
	s0 =	simm.s32 @!p1 $0x0  }
0x14: {  	s2 =	sld [smem:$0x3F9A];
	s0 =	simm.s32 @p1 $0x1  }
0x15: {  	[smem:$0x3FB7] =	sst s0;
	s0 =	simm.s32 @!p2 $0x0  }
0x16: {  	s3 =	sld [smem:$0x3FDB];
	s0 =	simm.s32 @p2 $0x1  }
0x17: {  	s4 =	simm.s32 $0x1BF5;
	[smem:$0x3FB9] =	sst s0  }
0x18: {  	s0 =	sld [smem:$0x3F9C];
	_ =	swait.ge [sflag:s4], $0x0  }
0x19: {  	s7 =	sld [smem:$0x3F9D]  }
0x1a: {  	s8 =	sadd.s32 $0xFFFFE003, lr  }
0x1b: {  	s9 =	sadd.s32 $0xFFFFFEF7, lr;
	s5 =	simm.s32 $0xFFFFFFFF;
	p2 =	slt.u32 s8, $0xFFFFF086  }
0x1c: {  	p1 =	slt.u32 s9, $0xF7A;
	s5 =	simm.s32 @!p2 $0x0  }
0x1d: {  	s5 =	simm.s32 @p1 $0x1;
	p0 =	seq.s32 s7, s2  }
0x1e: {  	s7 =	smul.u32 @!p0 $0xF7A, s2;
	p2 =	seq.s32 @!p0 s5, $0x0  }
0x1f: {  	s9 =	smul.u32 $0xF7A, s1;
	s8 =	simm.s32 @!p0 $0x1BF5;
	p2 =	por !p2, p0  }
0x20: {  	[sflag:s8] =	ssyncset.s32 @!p0 $0xFFFFF086;
	s6 =	sadd.s32 @!p0 s3, s7;
	s7 =	simm.s32 @!p0 $0x108  }
0x21: {  	s3 =	sadd.s32 s3, s9;
	s6 =	sadd.s32 @!p0 $0x88, s6;
	s7 =	simm.s32 @p2 $0x1082  }
0x22: {  	[simem:s7], [sflag:s8] =	dma.local @!p0 [hbm:s6], $0xF7A  }
0x23: {  	s9 =	sor.u32 $0xD0000000, s2;
	s6 =	simm.s32 $0x108;
	_ =	swait.ge @!p0 [sflag:s8], $0x0  }
0x24: {  	s3 =	sadd.s32 $0x88, s3;
	s6 =	simm.s32 @!p1 $0x1082;
	[sflag:s4] =	ssyncset.s32 $0xFFFFF086  }
0x25: {  	[simem:s6], [sflag:s4] =	dma.local [hbm:s3], $0xF7A  }
0x26: {  	[smem:$0x3F9D] =	sst s1;
	(tag) =	ssettag s2;
	_ =	strace s9  }
0x27: {  	s1 =	sld [smem:$0x3FAD]  }
0x28: {  	s2 =	sld [smem:$0x3FAE]  }
0x29: {  	s4 =	sld [smem:$0x3FB0]  }
0x2a: {  	p0 =	seq.s32 s5, $0x0;
	s5 =	sld [smem:$0x3FB1]  }
0x2b: {  	s6 =	sld [smem:$0x3FB2]  }
0x2c: {  	s7 =	sld [smem:$0x3FB3]  }
0x2d: {  	s3 =	simm.s32 $0x108;
	s8 =	sld [smem:$0x3FB4]  }
0x2e: {  	s3 =	simm.s32 @!p0 $0x1082;
	s9 =	sld [smem:$0x3FB5]  }
0x2f: {  	lr =	sadd.s32 s0, s3;
	s0 =	sld [smem:$0x3FAC]  }
0x30: {  	s3 =	sld [smem:$0x3FAF]  }
0x31: {  	[smem:$0x3FB8] =	sst s10  }
0x32: {  	s10 =	sld [smem:$0x3FB6];
	_ =	sdelay $0x3  }
0x33: {  	p0 =	seq.s32 s10, $0x1;
	s10 =	sld [smem:$0x3FB8];
	_ =	sdelay $0x3  }
0x34: {  	[smem:$0x3FB8] =	sst s10  }
0x35: {  	s10 =	sld [smem:$0x3FB7];
	_ =	sdelay $0x3  }
0x36: {  	p1 =	seq.s32 s10, $0x1;
	s10 =	sld [smem:$0x3FB8];
	_ =	sdelay $0x3  }
0x37: {  	[smem:$0x3FB8] =	sst s10  }
0x38: {  	s10 =	sld [smem:$0x3FB9]  }
0x39: {  	_ = 	snop;
	(pc) =	sbr.ind lr, $3  }
0x3a: {  	_ = 	snop  }
0x3b: {  	_ = 	snop  }
0x3c: {  	p2 =	seq.s32 s10, $0x1;
	s10 =	sld [smem:$0x3FB8]  }
0x3d: {  	_ =	shalt  }
0x3e: {  	_ =	shalt  }
0x3f: {  	_ =	shalt  }
0x40: {  	_ =	shalt  }
0x41: {  	_ =	shalt  }
0x42: {  	_ =	shalt  }
0x43: {  	_ =	shalt  }
0x44: {  	_ =	shalt  }
0x45: {  	_ =	shalt  }
0x46: {  	_ =	shalt  }
0x47: {  	_ =	shalt  }
0x48: {  	_ =	shalt  }
0x49: {  	_ =	shalt  }
0x4a: {  	_ =	shalt  }
0x4b: {  	_ =	shalt  }
0x4c: {  	_ =	shalt  }
0x4d: {  	_ =	shalt  }
0x4e: {  	_ =	shalt  }
0x4f: {  	_ =	shalt  }
0x50: {  	_ =	shalt  }
0x51: {  	_ =	shalt  }
0x52: {  	_ =	shalt  }
0x53: {  	_ =	shalt  }
0x54: {  	_ =	shalt  }
0x55: {  	_ =	shalt  }
0x56: {  	_ =	shalt  }
0x57: {  	_ =	shalt  }
0x58: {  	_ =	shalt  }
0x59: {  	_ =	shalt  }
0x5a: {  	_ =	shalt  }
0x5b: {  	_ =	shalt  }
0x5c: {  	_ =	shalt  }
0x5d: {  	_ =	shalt  }
0x5e: {  	_ =	shalt  }
0x5f: {  	_ =	shalt  }
0x60: {  	_ =	shalt  }
0x61: {  	_ =	shalt  }
0x62: {  	_ =	shalt  }
0x63: {  	_ =	shalt  }
0x64: {  	_ =	shalt  }
0x65: {  	_ =	shalt  }
0x66: {  	_ =	shalt  }
0x67: {  	_ =	shalt  }
0x68: {  	_ =	shalt  }
0x69: {  	_ =	shalt  }
0x6a: {  	_ =	shalt  }
0x6b: {  	_ =	shalt  }
0x6c: {  	_ =	shalt  }
0x6d: {  	_ =	shalt  }
0x6e: {  	_ =	shalt  }
0x6f: {  	_ =	shalt  }
0x70: {  	_ =	shalt  }
0x71: {  	_ =	shalt  }
0x72: {  	_ =	shalt  }
0x73: {  	_ =	shalt  }
0x74: {  	_ =	shalt  }
0x75: {  	_ =	shalt  }
0x76: {  	_ =	shalt  }
0x77: {  	_ =	shalt  }
0x78: {  	_ =	shalt  }
0x79: {  	_ =	shalt  }
0x7a: {  	_ =	shalt  }
0x7b: {  	_ =	shalt  }
0x7c: {  	_ =	shalt  }
0x7d: {  	_ =	shalt  }
0x7e: {  	_ =	shalt  }
0x7f: {  	_ =	shalt  }
0x80: {  	_ =	shalt  }
0x81: {  	_ =	shalt  }
0x82: {  	_ =	shalt  }
0x83: {  	_ =	shalt  }
0x84: {  	_ =	shalt  }
0x85: {  	_ =	shalt  }
0x86: {  	_ =	shalt  }
0x87: {  	_ =	shalt  }
.Lfunc_end0:
.L_simem_size_0:
called_computation.1_lowered:
.L_overlay_start_0:
0x88: {  	s2 =	sld [smem:$0x3FD9]  }
0x89: {  	s3 =	sld [smem:$0x3FFE];
	_ =	sdelay $0x1  }
0x8a: {  	s1 =	srdreg.scid  }
0x8b: {  	s0 =	sand.u32 $0x1, s1  }
0x8c: {  	s17 =	sshll.u32 s0, $0xA;
	s2 =	sadd.s32 s3, s2  }
0x8d: {  	s2 =	sadd.s32 s2, s17  }
0x8e: {  	[smem:$0x3FC4] =	sst s2  }
0x8f: {  	_ = 	snop  }
0x90: {  	(tm) =	ssettm $0x1  }
0x91: {  	s18 =	sld [smem:$0x3FFB];
	_ =	sdelay $0x3  }
0x92: {  	_ =	strace s18  }
0x93: {  	s2 =	sld [smem:$0x3FFC];
	_ =	sdelay $0x3  }
0x94: {  	_ =	strace s2  }
0x95: {  	s2 =	sld [smem:$0x3FFD];
	_ =	sdelay $0x3  }
0x96: {  	_ =	strace s2  }
0x97: {  	_ =	strace $0x8FFFFFFF  }
0x98: {  	s19 =	sld [smem:$0x3FDB];
	_ =	sdelay $0x1  }
0x99: {  	s20 =	simm.s32 $_scs_section_size  }
0x9a: {  	s4 =	simm.s32 $_size__tile_overlayer_lowered;
	s5 =	simm.s32 $_tile_overlayer_lowered  }
0x9b: {  	s6 =	simm.s32 $0x1BFF;
	s21 =	sshll.u32 s5, $0x1;
	s3 =	sadd.s32 s20, s19  }
0x9c: {  	s22 =	simm.s32 $0x0;
	s4 =	sshll.u32 s4, $0x1;
	s5 =	sadd.s32 s21, s3  }
0x9d: {  	[timem:s22], [sflag:s6] =	dma.local [hbm:s5], s4  }
0x9e: {  	_ =	swait.ge [sflag:s6], s4  }
0x9f: {  	s4 =	ssub.s32 $0x0, s4;
	[sflag:s6] =	ssyncset.done $0x0  }
0xa0: {  	[sflag:s6] =	ssyncadd.s32 s4;
	_ =	sdelay $0x1  }
0xa1: {  	s23 =	simm.s32 $0x1B8B  }
0xa2: {  	_ =	swait.ge [sflag:s23], $0x1  }
0xa3: {  	[sflag:s23] =	ssyncset.done $0x0  }
0xa4: {  	[sflag:s23] =	ssyncadd.s32 $0xFFFFFFFF  }
0xa5: {  	s4 =	sld [smem:$0x0]  }
0xa6: {  	s5 =	sand.u32 $0xFFFFFFFE, s1  }
0xa7: {  	p0 =	sne.s32 s1, s5  }
0xa8: {  	s5 =	sshll.u32 @p0 s5, $0xE  }
0xa9: {  	s5 =	sadd.s32 @p0 $0x11B8D, s5;
	s6 =	sshll.u32 @p0 s4, $0x11  }
0xaa: {  	s5 =	sor.u32 @p0 s6, s5  }
0xab: {  	[sflag:s5] =	ssyncadd.remote.s32 @p0 $0x1;
	_ =	sdelay $0x1  }
0xac: {  	s5 =	simm.s32 @p0 $0x1B8D  }
0xad: {  	_ =	swait.eq @p0 [sflag:s5], $0x1  }
0xae: {  	[sflag:s5] =	ssyncadd.s32 @p0 $0xFFFFFFFF  }
0xaf: {  	s6 =	sshll.u32 @!p0 s1, $0xE  }
0xb0: {  	s6 =	sor.u32 @!p0 $0x4000, s6;
	s5 =	simm.s32 @!p0 $0x1B8D  }
0xb1: {  	s4 =	sshll.u32 @!p0 s4, $0x11;
	s6 =	sadd.s32 @!p0 $0x11B8D, s6;
	_ =	swait.eq @!p0 [sflag:s5], $0x1  }
0xb2: {  	s4 =	sor.u32 @!p0 s4, s6;
	[sflag:s5] =	ssyncadd.s32 @!p0 $0xFFFFFFFF  }
0xb3: {  	s25 =	simm.s32 $0x1B8E;
	s24 =	sld [smem:$0x3FFE];
	[sflag:s4] =	ssyncadd.remote.s32 @!p0 $0x1  }
0xb4: {  	s26 =	simm.s32 $execute0_lowered;
	[smem:$0x3FD2] =	sst s25  }
0xb5: {  	s5 =	sshll.u32 s26, $0x1;
	_ =	strace $0x80000049;
	[dreg:$0x1] =	wrdreg $0xFFFFFFFF  }
0xb6: {  	s28 =	simm.s32 $_size_execute0_lowered;
	s3 =	sadd.s32 s3, s5;
	[dreg:$0x0] =	wrdreg $0x0  }
0xb7: {  	s5 =	sshll.u32 s28, $0x1;
	[dreg:$0x2] =	wrdreg s3  }
0xb8: {  	[dreg:$0x3] =	wrdreg s5  }
0xb9: {  	[dreg:$0x4] =	wrdreg $0xC0  }
0xba: {  	_ =	task [dreg:s22], $0x5FFFF  }
0xbb: {  	[dreg:$0x1] =	wrdreg $0xFFFFFFFF  }
0xbc: {  	[dreg:$0x0] =	wrdreg $0x60  }
0xbd: {  	[dreg:$0x2] =	wrdreg s24  }
0xbe: {  	[dreg:$0x3] =	wrdreg $0x68000  }
0xbf: {  	[dreg:$0x4] =	wrdreg $0x9  }
0xc0: {  	_ =	task.clear_ibuf [dreg:s22], $0x5FFFF;
	_ =	strace $0x90000049  }
0xc1: {  	s29 =	simm.s32 $0x9;
	_ =	strace $0x8000004B  }
0xc2: {  	_ =	swait.ge [sflag:s29], $0x1  }
0xc3: {  	[sflag:s29] =	ssyncadd.s32 $0xFFFFFFFF  }
0xc4: {  	_ =	strace $0x9000004B  }
0xc5: {  	_ =	sfence  }
0xc6: {  	s30 =	sld [smem:$0x0];
	_ =	sdelay $0x2  }
0xc7: {  	s31 =	sshll.u32 s1, $0xD;
	s1 =	sshrl.u32 s1, $0x2  }
0xc8: {  	s4 =	sand.u32 $0x4000, s31;
	s1 =	sadd.s32 s1, s30  }
0xc9: {  	s0 =	sor.u32 s4, s0;
	s1 =	sshll.u32 s1, $0x11  }
0xca: {  	s0 =	sor.u32 s1, s0  }
0xcb: {  	s0 =	sadd.s32 $0x8F2B, s0  }
0xcc: {  	[sflag:s0] =	ssyncadd.remote.s32 $0x1  }
0xcd: {  	_ =	sfence.sel $0xFFFF  }
0xce: {  	[dreg:$0x0] =	wrdreg $0xFFFFFFFF;
	(pc) =	sbr.abs _section_cstart, $3  }
0xcf: {  	[dreg:$0x1] =	wrdreg $0xFFFFFFFF  }
0xd0: {  	_ =	task.clear_ibuf [dreg:s22], $0x2FFFF;
	_ =	strace $0x9FFFFFFF  }
0xd1: {  	(tm) =	ssettm $0x7FFFFFFF  }
tec
execute0_lowered:
.L_overlay_start_1:
0x0: {  	(tag) =	ssettag $0x1  }
0x1: {  	s1 =	srdreg.scid  }
0x2: {  	s0 =	stileid.u32;
	s5 =	rddreg [dreg:$0x0]  }
0x3: {  	s2 =	rddreg [dreg:$0x1];
	s3 =	simm.s32 $0x0;
	s12 =	simm.s32 $0x80  }
0x4: {  	s4 =	sand.u32 $0x1, s1;
	s1 =	rddreg [dreg:$0x2];
	s13 =	smul.u32 $0x2800, s0  }
0x5: {  	s26 =	sshll.u32 s0, $0x1;
	[smem:$0x7FF] =	sst s3;
	s10 =	smul.u32 $0x50000, s0  }
0x6: {  	s31 =	sshll.u32 s0, $0x6;
	s6 =	sor.u32 s4, s26;
	_ =	strace $0x8000004A  }
0x7: {  	s28 =	smul.u32 $0x28000, s4;
	s9 =	ssub.s32 $0x2, s4;
	s4 =	sadd.s32 $0x29E00, s5  }
0x8: {  	s6 =	smul.u32 $0x500, s6;
	s8 =	sadd.s32 s13, s5;
	s29 =	sshrl.u32 s9, $0x1  }
0x9: {  	s30 =	sshrl.u32 s10, $0x2;
	s11 =	sadd.s32 s28, s5;
	s9 =	ssub.s32 s9, s29  }
0xa: {  	s10 =	sadd.s32 s30, s2;
	s7 =	sadd.s32 s6, s5;
	s5 =	sadd.s32 $0x1E00, s8  }
0xb: {  	s6 =	sor.u32 $0x1C01, s31;
	s14 =	sadd.s32 $0x84600, s11;
	s8 =	smax.u32 s9, $0x1  }
0xc: {  	s9 =	sshrl.u32 s10, $0x3;
	s10 =	simm.s32 $0x1;
	s11 =	simm.s32 $0x2800  }
0xd: {  	s7 =	sadd.s32 $0x7A600, s7;
	s13 =	sadd.s32 s13, s14;
	s14 =	simm.s32 $0x0  }
.LBB2_1:
0xe: {  	[spmem:s9], [sflag:s6] =	dma.local [hbm:s5], $0x2800  }
0xf: {  	_ =	swait.ge [sflag:s10], $0x2800  }
0x10: {  	[sflag:s10] =	ssyncset.done $0x0  }
0x11: {  	[sflag:s10] =	ssyncadd.s32 $0xFFFFD800  }
0x12: {  	[tilespmem:s11], [sflag:$0x1] =	stream.linear.gather [hbm4b:s4+s3], $0x4000, $0x38;
	[tilespmem:$0x1A800] =	vst v63  }
0x13: {  	_ =	swait.ge [sflag:s10], $0x4000  }
0x14: {  	[sflag:s10] =	ssyncset.done $0x0  }
0x15: {  	[sflag:s10] =	ssyncadd.s32 $0xFFFFC000  }
0x16: {  	[tilespmem:s3], [sflag:$0x1] =	stream.linear.gather [hbm4b:s7+s3], $0x2800, $0x38;
	[tilespmem:$0x1A800] =	vst v63  }
0x17: {  	_ =	swait.ge [sflag:s10], $0x2800  }
0x18: {  	[sflag:s10] =	ssyncset.done $0x0  }
0x19: {  	[sflag:s10] =	ssyncadd.s32 $0xFFFFD800  }
0x1a: {  	s15 =	simm.s32 $0x0;
	[bflag:$0x0] =	sbarrier.arrive $0xFFFF  }
0x1b: {  	[spmem:s2] =	stream.indirect.scatter.add.f32 [tilespmem:s11], [sflag:$0x1], $0x80, s15, s12, $0xb8;
	[tilespmem:$0x1A800] =	vst v63  }
0x1c: {  	_ =	swait.ge [sflag:s10], $0x4000  }
0x1d: {  	s15 =	simm.s32 $0x200;
	[sflag:s10] =	ssyncset.done $0x0  }
.LBB2_2:
0x1e: {  	s16 =	sshra.s32 s15, $0x2;
	[sflag:s10] =	ssyncadd.s32 $0xFFFFC000;
	p0 =	sne.s32 s15, $0x9E00  }
0x1f: {  	[spmem:s2] =	stream.indirect.scatter.add.f32 [tilespmem:s11], [sflag:$0x1], $0x80, s16, s12, $0xb8;
	[tilespmem:$0x1A800] =	vst v63  }
.Ltmp0:
0x20: {  	_ = 	snop;
	(pc) =	sbr.rel @p0 .LBB2_2-.Ltmp0, $4  }
0x21: {  	_ = 	snop  }
0x22: {  	s15 =	sadd.s32 $0x200, s15  }
0x23: {  	_ =	swait.ge [sflag:s10], $0x4000  }
0x24: {  	[sflag:s10] =	ssyncset.done $0x0  }
0x25: {  	s14 =	sadd.s32 $0x1, s14  }
0x26: {  	[sflag:s10] =	ssyncadd.s32 $0xFFFFC000;
	p0 =	sne.s32 s14, s8  }
.Ltmp1:
0x27: {  	[bflag:$0x0] =	sbarrier.arrive $0xFFFF;
	(pc) =	sbr.rel @p0 .LBB2_1-.Ltmp1, $4  }
0x28: {  	[hbm:s13], [sflag:s6] =	dma.local [spmem:s9], $0x2800  }
0x29: {  	_ =	swait.ge [sflag:s10], $0x2800  }
0x2a: {  	[sflag:s10] =	ssyncset.done $0x0  }
0x2b: {  	[sflag:s10] =	ssyncadd.s32 $0xFFFFD800  }
0x2c: {  	_ =	sfence.sel $0x180000  }
0x2d: {  	[bflag:$0x0] =	sbarrier.arrive $0xFFFF  }
0x2e: {  	p0 =	sne.s32 s0, $0x0;
	_ =	strace $0x9000004A  }
0x2f: {  	s0 =	sadd.s32 @!p0 $0x100000, s1;
	[bflag:$0x2] =	sbarrier.arrive $0xFFFF  }
0x30: {  	[sflag:s0] =	ssyncadd.tile.s32 @!p0 $0x1;
	_ =	shalt  }
.Lfunc_end2:
_tile_overlayer_lowered:
.L_overlay_start_2:
0x31: {  	(tag) =	ssettag $0x2  }
0x32: {  	s0 =	rddreg [dreg:$0x0];
	s2 =	stileid.u32  }
0x33: {  	s1 =	rddreg [dreg:$0x1];
	p0 =	sne.s32 s2, $0x0  }
0x34: {  	s3 =	rddreg [dreg:$0x2];
	[bflag:$0x3] =	sbarrier.arrive $0xFFFF;
	s2 =	simm.s32 @!p0 $0x1C01  }
0x35: {  	[timem:s3], [sflag:s2] =	dma.local @!p0 [hbm:s0], s1  }
0x36: {  	s0 =	simm.s32 @!p0 $0x1  }
0x37: {  	_ =	swait.ge @!p0 [sflag:s0], s1  }
0x38: {  	s1 =	ssub.s32 @!p0 $0x0, s1;
	[sflag:s0] =	ssyncset.done @!p0 $0x0  }
0x39: {  	[sflag:s0] =	ssyncadd.s32 @!p0 s1  }
0x3a: {  	[bflag:$0x3] =	sbarrier.arrive $0xFFFF  }
0x3b: {  	_ =	shalt  }

// kernel: kernel.15.cloned.1.call-start
scs
__scs_entry_jumppad:
0x0: {  	(pc) =	sbr.rel $0x88, $3  }
0x1: {  	(tag) =	ssettag $0x0;
	lr =	simm.s32 $0x1  }
0x2: {  	[smem:$0x3F9D] =	sst lr;
	_ =	strace $0xD0000000  }
0x3: {  	_ = 	snop  }
0x4: {  	_ = 	snop  }
0x5: {  	_ = 	snop  }
0x6: {  	_ = 	snop  }
0x7: {  	_ = 	snop  }
__scs_overlays_trampoline_lowered:
0x8: {  	[smem:$0x3FAC] =	sst s0  }
0x9: {  	[smem:$0x3FAD] =	sst s1  }
0xa: {  	[smem:$0x3FAE] =	sst s2  }
0xb: {  	[smem:$0x3FAF] =	sst s3  }
0xc: {  	[smem:$0x3FB0] =	sst s4  }
0xd: {  	[smem:$0x3FB1] =	sst s5  }
0xe: {  	[smem:$0x3FB2] =	sst s6  }
0xf: {  	[smem:$0x3FB3] =	sst s7  }
0x10: {  	[smem:$0x3FB4] =	sst s8  }
0x11: {  	[smem:$0x3FB5] =	sst s9;
	s0 =	simm.s32 @!p0 $0x0  }
0x12: {  	s1 =	sld [smem:$0x3F9B];
	s0 =	simm.s32 @p0 $0x1  }
0x13: {  	[smem:$0x3FB6] =	sst s0;
	s0 =	simm.s32 @!p1 $0x0  }
0x14: {  	s2 =	sld [smem:$0x3F9A];
	s0 =	simm.s32 @p1 $0x1  }
0x15: {  	[smem:$0x3FB7] =	sst s0;
	s0 =	simm.s32 @!p2 $0x0  }
0x16: {  	s3 =	sld [smem:$0x3FDB];
	s0 =	simm.s32 @p2 $0x1  }
0x17: {  	s4 =	simm.s32 $0x1BF5;
	[smem:$0x3FB9] =	sst s0  }
0x18: {  	s0 =	sld [smem:$0x3F9C];
	_ =	swait.ge [sflag:s4], $0x0  }
0x19: {  	s7 =	sld [smem:$0x3F9D]  }
0x1a: {  	s8 =	sadd.s32 $0xFFFFE003, lr  }
0x1b: {  	s9 =	sadd.s32 $0xFFFFFEF7, lr;
	s5 =	simm.s32 $0xFFFFFFFF;
	p2 =	slt.u32 s8, $0xFFFFF086  }
0x1c: {  	p1 =	slt.u32 s9, $0xF7A;
	s5 =	simm.s32 @!p2 $0x0  }
0x1d: {  	s5 =	simm.s32 @p1 $0x1;
	p0 =	seq.s32 s7, s2  }
0x1e: {  	s7 =	smul.u32 @!p0 $0xF7A, s2;
	p2 =	seq.s32 @!p0 s5, $0x0  }
0x1f: {  	s9 =	smul.u32 $0xF7A, s1;
	s8 =	simm.s32 @!p0 $0x1BF5;
	p2 =	por !p2, p0  }
0x20: {  	[sflag:s8] =	ssyncset.s32 @!p0 $0xFFFFF086;
	s6 =	sadd.s32 @!p0 s3, s7;
	s7 =	simm.s32 @!p0 $0x108  }
0x21: {  	s3 =	sadd.s32 s3, s9;
	s6 =	sadd.s32 @!p0 $0x88, s6;
	s7 =	simm.s32 @p2 $0x1082  }
0x22: {  	[simem:s7], [sflag:s8] =	dma.local @!p0 [hbm:s6], $0xF7A  }
0x23: {  	s9 =	sor.u32 $0xD0000000, s2;
	s6 =	simm.s32 $0x108;
	_ =	swait.ge @!p0 [sflag:s8], $0x0  }
0x24: {  	s3 =	sadd.s32 $0x88, s3;
	s6 =	simm.s32 @!p1 $0x1082;
	[sflag:s4] =	ssyncset.s32 $0xFFFFF086  }
0x25: {  	[simem:s6], [sflag:s4] =	dma.local [hbm:s3], $0xF7A  }
0x26: {  	[smem:$0x3F9D] =	sst s1;
	(tag) =	ssettag s2;
	_ =	strace s9  }
0x27: {  	s1 =	sld [smem:$0x3FAD]  }
0x28: {  	s2 =	sld [smem:$0x3FAE]  }
0x29: {  	s4 =	sld [smem:$0x3FB0]  }
0x2a: {  	p0 =	seq.s32 s5, $0x0;
	s5 =	sld [smem:$0x3FB1]  }
0x2b: {  	s6 =	sld [smem:$0x3FB2]  }
0x2c: {  	s7 =	sld [smem:$0x3FB3]  }
0x2d: {  	s3 =	simm.s32 $0x108;
	s8 =	sld [smem:$0x3FB4]  }
0x2e: {  	s3 =	simm.s32 @!p0 $0x1082;
	s9 =	sld [smem:$0x3FB5]  }
0x2f: {  	lr =	sadd.s32 s0, s3;
	s0 =	sld [smem:$0x3FAC]  }
0x30: {  	s3 =	sld [smem:$0x3FAF]  }
0x31: {  	[smem:$0x3FB8] =	sst s10  }
0x32: {  	s10 =	sld [smem:$0x3FB6];
	_ =	sdelay $0x3  }
0x33: {  	p0 =	seq.s32 s10, $0x1;
	s10 =	sld [smem:$0x3FB8];
	_ =	sdelay $0x3  }
0x34: {  	[smem:$0x3FB8] =	sst s10  }
0x35: {  	s10 =	sld [smem:$0x3FB7];
	_ =	sdelay $0x3  }
0x36: {  	p1 =	seq.s32 s10, $0x1;
	s10 =	sld [smem:$0x3FB8];
	_ =	sdelay $0x3  }
0x37: {  	[smem:$0x3FB8] =	sst s10  }
0x38: {  	s10 =	sld [smem:$0x3FB9]  }
0x39: {  	_ = 	snop;
	(pc) =	sbr.ind lr, $3  }
0x3a: {  	_ = 	snop  }
0x3b: {  	_ = 	snop  }
0x3c: {  	p2 =	seq.s32 s10, $0x1;
	s10 =	sld [smem:$0x3FB8]  }
0x3d: {  	_ =	shalt  }
0x3e: {  	_ =	shalt  }
0x3f: {  	_ =	shalt  }
0x40: {  	_ =	shalt  }
0x41: {  	_ =	shalt  }
0x42: {  	_ =	shalt  }
0x43: {  	_ =	shalt  }
0x44: {  	_ =	shalt  }
0x45: {  	_ =	shalt  }
0x46: {  	_ =	shalt  }
0x47: {  	_ =	shalt  }
0x48: {  	_ =	shalt  }
0x49: {  	_ =	shalt  }
0x4a: {  	_ =	shalt  }
0x4b: {  	_ =	shalt  }
0x4c: {  	_ =	shalt  }
0x4d: {  	_ =	shalt  }
0x4e: {  	_ =	shalt  }
0x4f: {  	_ =	shalt  }
0x50: {  	_ =	shalt  }
0x51: {  	_ =	shalt  }
0x52: {  	_ =	shalt  }
0x53: {  	_ =	shalt  }
0x54: {  	_ =	shalt  }
0x55: {  	_ =	shalt  }
0x56: {  	_ =	shalt  }
0x57: {  	_ =	shalt  }
0x58: {  	_ =	shalt  }
0x59: {  	_ =	shalt  }
0x5a: {  	_ =	shalt  }
0x5b: {  	_ =	shalt  }
0x5c: {  	_ =	shalt  }
0x5d: {  	_ =	shalt  }
0x5e: {  	_ =	shalt  }
0x5f: {  	_ =	shalt  }
0x60: {  	_ =	shalt  }
0x61: {  	_ =	shalt  }
0x62: {  	_ =	shalt  }
0x63: {  	_ =	shalt  }
0x64: {  	_ =	shalt  }
0x65: {  	_ =	shalt  }
0x66: {  	_ =	shalt  }
0x67: {  	_ =	shalt  }
0x68: {  	_ =	shalt  }
0x69: {  	_ =	shalt  }
0x6a: {  	_ =	shalt  }
0x6b: {  	_ =	shalt  }
0x6c: {  	_ =	shalt  }
0x6d: {  	_ =	shalt  }
0x6e: {  	_ =	shalt  }
0x6f: {  	_ =	shalt  }
0x70: {  	_ =	shalt  }
0x71: {  	_ =	shalt  }
0x72: {  	_ =	shalt  }
0x73: {  	_ =	shalt  }
0x74: {  	_ =	shalt  }
0x75: {  	_ =	shalt  }
0x76: {  	_ =	shalt  }
0x77: {  	_ =	shalt  }
0x78: {  	_ =	shalt  }
0x79: {  	_ =	shalt  }
0x7a: {  	_ =	shalt  }
0x7b: {  	_ =	shalt  }
0x7c: {  	_ =	shalt  }
0x7d: {  	_ =	shalt  }
0x7e: {  	_ =	shalt  }
0x7f: {  	_ =	shalt  }
0x80: {  	_ =	shalt  }
0x81: {  	_ =	shalt  }
0x82: {  	_ =	shalt  }
0x83: {  	_ =	shalt  }
0x84: {  	_ =	shalt  }
0x85: {  	_ =	shalt  }
0x86: {  	_ =	shalt  }
0x87: {  	_ =	shalt  }
.Lfunc_end0:
.L_simem_size_0:
called_computation.2_lowered:
.L_overlay_start_0:
0x88: {  	s2 =	sld [smem:$0x3FD9]  }
0x89: {  	s3 =	sld [smem:$0x3FFE];
	_ =	sdelay $0x1  }
0x8a: {  	s1 =	srdreg.scid  }
0x8b: {  	s0 =	sand.u32 $0x1, s1  }
0x8c: {  	s17 =	sshll.u32 s0, $0xA;
	s2 =	sadd.s32 s3, s2  }
0x8d: {  	s2 =	sadd.s32 s2, s17  }
0x8e: {  	[smem:$0x3FC4] =	sst s2  }
0x8f: {  	_ = 	snop  }
0x90: {  	s18 =	sld [smem:$0x3FD0];
	(tm) =	ssettm $0x1  }
0x91: {  	s19 =	sld [smem:$0x3FFB];
	_ =	sdelay $0x3  }
0x92: {  	_ =	strace s19  }
0x93: {  	s2 =	sld [smem:$0x3FFC];
	_ =	sdelay $0x3  }
0x94: {  	_ =	strace s2  }
0x95: {  	s2 =	sld [smem:$0x3FFD];
	_ =	sdelay $0x3  }
0x96: {  	_ =	strace s2  }
0x97: {  	_ =	strace $0x8FFFFFFF  }
0x98: {  	s20 =	sld [smem:$0x3FDB];
	_ =	sdelay $0x1  }
0x99: {  	s4 =	simm.s32 $_scs_section_size  }
0x9a: {  	s5 =	simm.s32 $_size__tile_overlayer_lowered;
	s6 =	simm.s32 $_tile_overlayer_lowered  }
0x9b: {  	s7 =	simm.s32 $0x1BFF;
	s21 =	sshll.u32 s6, $0x1;
	s4 =	sadd.s32 s4, s20  }
0x9c: {  	s22 =	simm.s32 $0x0;
	s5 =	sshll.u32 s5, $0x1;
	s6 =	sadd.s32 s21, s4  }
0x9d: {  	[timem:s22], [sflag:s7] =	dma.local [hbm:s6], s5  }
0x9e: {  	_ =	swait.ge [sflag:s7], s5  }
0x9f: {  	s5 =	ssub.s32 $0x0, s5;
	[sflag:s7] =	ssyncset.done $0x0  }
0xa0: {  	[sflag:s7] =	ssyncadd.s32 s5;
	_ =	sdelay $0x1  }
0xa1: {  	s23 =	simm.s32 $0x1B8B  }
0xa2: {  	_ =	swait.ge [sflag:s23], $0x1  }
0xa3: {  	[sflag:s23] =	ssyncset.done $0x0  }
0xa4: {  	[sflag:s23] =	ssyncadd.s32 $0xFFFFFFFF  }
0xa5: {  	s5 =	sld [smem:$0x0]  }
0xa6: {  	s6 =	sand.u32 $0xFFFFFFFE, s1  }
0xa7: {  	p0 =	sne.s32 s1, s6  }
0xa8: {  	s6 =	sshll.u32 @p0 s6, $0xE  }
0xa9: {  	s6 =	sadd.s32 @p0 $0x11B8D, s6;
	s7 =	sshll.u32 @p0 s5, $0x11  }
0xaa: {  	s6 =	sor.u32 @p0 s7, s6  }
0xab: {  	[sflag:s6] =	ssyncadd.remote.s32 @p0 $0x1;
	_ =	sdelay $0x1  }
0xac: {  	s6 =	simm.s32 @p0 $0x1B8D  }
0xad: {  	_ =	swait.eq @p0 [sflag:s6], $0x1  }
0xae: {  	[sflag:s6] =	ssyncadd.s32 @p0 $0xFFFFFFFF  }
0xaf: {  	s7 =	sshll.u32 @!p0 s1, $0xE  }
0xb0: {  	s7 =	sor.u32 @!p0 $0x4000, s7;
	s6 =	simm.s32 @!p0 $0x1B8D  }
0xb1: {  	s5 =	sshll.u32 @!p0 s5, $0x11;
	s7 =	sadd.s32 @!p0 $0x11B8D, s7;
	_ =	swait.eq @!p0 [sflag:s6], $0x1  }
0xb2: {  	s5 =	sor.u32 @!p0 s5, s7;
	[sflag:s6] =	ssyncadd.s32 @!p0 $0xFFFFFFFF  }
0xb3: {  	s25 =	simm.s32 $0x1B8E;
	s24 =	sld [smem:$0x3FFE];
	[sflag:s5] =	ssyncadd.remote.s32 @!p0 $0x1  }
0xb4: {  	s26 =	simm.s32 $execute0_lowered;
	[smem:$0x3FD2] =	sst s25  }
0xb5: {  	s6 =	sshll.u32 s26, $0x1;
	_ =	strace $0x8000004C;
	[dreg:$0x1] =	wrdreg $0xFFFFFFFF  }
0xb6: {  	s28 =	simm.s32 $_size_execute0_lowered;
	s4 =	sadd.s32 s4, s6;
	[dreg:$0x0] =	wrdreg $0x0  }
0xb7: {  	s6 =	sshll.u32 s28, $0x1;
	[dreg:$0x2] =	wrdreg s4  }
0xb8: {  	[dreg:$0x3] =	wrdreg s6  }
0xb9: {  	[dreg:$0x4] =	wrdreg $0xC0  }
0xba: {  	_ =	task [dreg:s22], $0x5FFFF  }
0xbb: {  	[dreg:$0x1] =	wrdreg $0xFFFFFFFF  }
0xbc: {  	[dreg:$0x0] =	wrdreg $0x60  }
0xbd: {  	[dreg:$0x2] =	wrdreg s24  }
0xbe: {  	[dreg:$0x3] =	wrdreg s18  }
0xbf: {  	[dreg:$0x4] =	wrdreg $0x90000  }
0xc0: {  	[dreg:$0x5] =	wrdreg $0xA  }
0xc1: {  	_ =	task.clear_ibuf [dreg:s22], $0x6FFFF;
	_ =	strace $0x9000004C  }
0xc2: {  	s29 =	simm.s32 $0xA;
	_ =	strace $0x8000004E  }
0xc3: {  	_ =	swait.ge [sflag:s29], $0x1  }
0xc4: {  	[sflag:s29] =	ssyncadd.s32 $0xFFFFFFFF  }
0xc5: {  	_ =	strace $0x9000004E  }
0xc6: {  	_ =	sfence  }
0xc7: {  	s30 =	sld [smem:$0x0];
	_ =	sdelay $0x2  }
0xc8: {  	s31 =	sshll.u32 s1, $0xD;
	s1 =	sshrl.u32 s1, $0x2  }
0xc9: {  	s4 =	sand.u32 $0x4000, s31;
	s1 =	sadd.s32 s1, s30  }
0xca: {  	s0 =	sor.u32 s4, s0;
	s1 =	sshll.u32 s1, $0x11  }
0xcb: {  	s0 =	sor.u32 s1, s0  }
0xcc: {  	s0 =	sadd.s32 $0x8F2B, s0  }
0xcd: {  	[sflag:s0] =	ssyncadd.remote.s32 $0x1  }
0xce: {  	_ =	sfence.sel $0xFFFF  }
0xcf: {  	[dreg:$0x0] =	wrdreg $0xFFFFFFFF;
	(pc) =	sbr.abs _section_cstart, $3  }
0xd0: {  	[dreg:$0x1] =	wrdreg $0xFFFFFFFF  }
0xd1: {  	_ =	task.clear_ibuf [dreg:s22], $0x2FFFF;
	_ =	strace $0x9FFFFFFF  }
0xd2: {  	(tm) =	ssettm $0x7FFFFFFF  }
0xd3: {  	_ =	shalt  }
tec
execute0_lowered:
.L_overlay_start_1:
0x0: {  	(tag) =	ssettag $0x1  }
0x1: {  	s0 =	srdreg.scid;
	s1 =	rddreg [dreg:$0x0]  }
0x2: {  	s12 =	stileid.u32;
	s3 =	rddreg [dreg:$0x1];
	s24 =	simm.s32 $0x0  }
0x3: {  	s13 =	simm.s32 $0x20;
	s14 =	simm.s32 $0x1000;
	s15 =	simm.s32 $0x2000  }
0x4: {  	s16 =	simm.s32 $0x40;
	s17 =	simm.s32 $0x3000;
	s18 =	simm.s32 $0x60  }
0x5: {  	s19 =	simm.s32 $0x4000;
	s20 =	simm.s32 $0x5000;
	s21 =	simm.s32 $0x6000  }
0x6: {  	s28 =	simm.s32 $0x2;
	s29 =	simm.s32 $0x780;
	s30 =	simm.s32 $0x7A0  }
0x7: {  	s31 =	simm.s32 $0x7C0;
	s0 =	sand.u32 $0x1, s0;
	s6 =	smul.u32 $0x2800, s12  }
0x8: {  	s2 =	sshll.u32 s12, $0x1;
	[smem:$0x7FF] =	sst s24;
	s8 =	smul.u32 $0x50000, s12  }
0x9: {  	s23 =	sshll.u32 s12, $0x6;
	s4 =	sor.u32 s0, s2;
	s2 =	rddreg [dreg:$0x2]  }
0xa: {  	s7 =	smul.u32 $0x28000, s0;
	_ =	strace $0x8000004D;
	s0 =	ssub.s32 $0x2, s0  }
0xb: {  	s5 =	smul.u32 $0x500, s4;
	s4 =	sadd.s32 $0xD4600, s1;
	s22 =	sshrl.u32 s0, $0x1  }
0xc: {  	s10 =	sadd.s32 s6, s1;
	s8 =	sshrl.u32 s8, $0x2;
	s0 =	ssub.s32 s0, s22  }
0xd: {  	s11 =	sadd.s32 s8, s2;
	s25 =	sadd.s32 $0x1E00, s10;
	s10 =	sor.u32 $0x1C03, s23  }
0xe: {  	s22 =	simm.s32 $0x7000;
	s23 =	simm.s32 $0x8000;
	s9 =	sadd.s32 s5, s1  }
0xf: {  	s1 =	sadd.s32 s7, s1;
	[dreg:$0x5] =	wrdreg s25;
	s7 =	sadd.s32 s3, s5  }
0x10: {  	s0 =	smax.u32 s0, $0x1;
	s25 =	simm.s32 $0x1;
	s5 =	simm.s32 $0xF80  }
0x11: {  	[dreg:$0x6] =	wrdreg s10;
	s8 =	sadd.s32 $0x7A600, s9;
	s1 =	sadd.s32 $0xFC600, s1  }
0x12: {  	[dreg:$0x7] =	wrdreg s0;
	s9 =	sshrl.u32 s11, $0x3;
	s11 =	simm.s32 $0x3  }
0x13: {  	s0 =	simm.s32 $0xF00;
	s26 =	sadd.s32 s6, s1;
	[dreg:$0x8] =	wrdreg s9  }
0x14: {  	s1 =	simm.s32 $0x7E0;
	[dreg:$0x9] =	wrdreg s26;
	s26 =	simm.s32 $0x80  }
.LBB2_1:
0x15: {  	[dreg:$0x4] =	wrdreg s24  }
0x16: {  	s3 =	rddreg [dreg:$0x5]  }
0x17: {  	[spmem:s9], [sflag:s10] =	dma.local [hbm:s3], $0x2800  }
0x18: {  	_ =	swait.ge [sflag:s11], $0x2800  }
0x19: {  	[sflag:s11] =	ssyncset.done $0x0  }
0x1a: {  	[sflag:s11] =	ssyncadd.s32 $0xFFFFD800  }
0x1b: {  	s9 =	simm.s32 $0x0;
	[bflag:$0x0] =	sbarrier.arrive $0xFFFF  }
.LBB2_2:
0x1c: {  	s3 =	sshll.u32 s9, $0x8  }
0x1d: {  	s10 =	simm.s32 $0x0;
	s6 =	sadd.s32 s3, s7  }
0x1e: {  	[tilespmem:s10], [sflag:$0x3] =	stream.linear.gather [hbm4b:s6+s10], $0x800, $0x38;
	[tilespmem:$0x1D000] =	vst v63  }
0x1f: {  	_ =	swait.ge [sflag:s11], $0x800  }
0x20: {  	[sflag:s11] =	ssyncset.done $0x0  }
0x21: {  	s24 =	simm.s32 $0x800;
	s3 =	sadd.s32 s3, s8;
	[sflag:s11] =	ssyncadd.s32 $0xFFFFF800  }
0x22: {  	[tilespmem:s24], [sflag:$0x3] =	stream.linear.gather [hbm4b:s3+s10], $0x800, $0x38;
	[tilespmem:$0x1D000] =	vst v63  }
0x23: {  	_ =	swait.ge [sflag:s11], $0x800  }
0x24: {  	[sflag:s11] =	ssyncset.done $0x0  }
0x25: {  	[sflag:s11] =	ssyncadd.s32 $0xFFFFF800  }
0x26: {  	[tilespmem:s14], [sflag:$0x1] =	stream.indirect.gather [hbm4b:s4+s13], $0x80, s10, s13, $0xb8;
	[tilespmem:$0x1D000] =	vst v63  }
0x27: {  	_ = 	snop  }
0x28: {  	[tilespmem:s15], [sflag:$0x1] =	stream.indirect.gather [hbm4b:s4+s13], $0x80, s13, s13, $0xb8;
	[tilespmem:$0x1D000] =	vst v63  }
0x29: {  	_ = 	snop  }
0x2a: {  	[tilespmem:s17], [sflag:$0x1] =	stream.indirect.gather [hbm4b:s4+s13], $0x80, s16, s13, $0xb8;
	[tilespmem:$0x1D000] =	vst v63  }
0x2b: {  	_ = 	snop  }
0x2c: {  	[tilespmem:s19], [sflag:$0x1] =	stream.indirect.gather [hbm4b:s4+s13], $0x80, s18, s13, $0xb8;
	[tilespmem:$0x1D000] =	vst v63  }
0x2d: {  	s12 =	simm.s32 $0x80  }
0x2e: {  	[tilespmem:s20], [sflag:$0x2] =	stream.indirect.gather [hbm4b:s4+s13], $0x80, s12, s13, $0xb8;
	[tilespmem:$0x1D000] =	vst v63  }
0x2f: {  	s24 =	simm.s32 $0xA0  }
0x30: {  	[tilespmem:s21], [sflag:$0x2] =	stream.indirect.gather [hbm4b:s4+s13], $0x80, s24, s13, $0xb8;
	[tilespmem:$0x1D000] =	vst v63  }
0x31: {  	s6 =	simm.s32 $0xC0  }
0x32: {  	[tilespmem:s22], [sflag:$0x2] =	stream.indirect.gather [hbm4b:s4+s13], $0x80, s6, s13, $0xb8;
	[tilespmem:$0x1D000] =	vst v63  }
0x33: {  	s10 =	simm.s32 $0xE0  }
0x34: {  	[tilespmem:s23], [sflag:$0x2] =	stream.indirect.gather [hbm4b:s4+s13], $0x80, s10, s13, $0xb8;
	[tilespmem:$0x1D000] =	vst v63  }
0x35: {  	_ =	swait.ge [sflag:s25], $0x1000  }
0x36: {  	[sflag:s25] =	ssyncset.done $0x0  }
0x37: {  	[sflag:s25] =	ssyncadd.s32 $0xFFFFF000  }
0x38: {  	_ =	swait.ge [sflag:s25], $0x1000  }
0x39: {  	[sflag:s25] =	ssyncset.done $0x0  }
0x3a: {  	[sflag:s25] =	ssyncadd.s32 $0xFFFFF000  }
0x3b: {  	_ =	swait.ge [sflag:s25], $0x1000  }
0x3c: {  	[sflag:s25] =	ssyncset.done $0x0  }
0x3d: {  	[sflag:s25] =	ssyncadd.s32 $0xFFFFF000  }
0x3e: {  	_ =	swait.ge [sflag:s25], $0x1000  }
0x3f: {  	[sflag:s25] =	ssyncset.done $0x0  }
0x40: {  	s12 =	simm.s32 $0x800;
	[sflag:s25] =	ssyncadd.s32 $0xFFFFF000  }
0x41: {  	[spmem:s2] =	stream.indirect.scatter.add.f32 [tilespmem:s14], [sflag:$0x3], $0x80, s12, s26, $0xb8;
	[tilespmem:$0x1D000] =	vst v63  }
0x42: {  	_ =	swait.ge [sflag:s11], $0x4000  }
0x43: {  	[sflag:s11] =	ssyncset.done $0x0  }
0x44: {  	s24 =	simm.s32 $0x100;
	[sflag:s11] =	ssyncadd.s32 $0xFFFFC000  }
0x45: {  	[tilespmem:s14], [sflag:$0x1] =	stream.indirect.gather [hbm4b:s4+s13], $0x80, s24, s13, $0xb8;
	[tilespmem:$0x1D000] =	vst v63  }
0x46: {  	s6 =	simm.s32 $0x120  }
0x47: {  	[tilespmem:s15], [sflag:$0x1] =	stream.indirect.gather [hbm4b:s4+s13], $0x80, s6, s13, $0xb8;
	[tilespmem:$0x1D000] =	vst v63  }
0x48: {  	s10 =	simm.s32 $0x140  }
0x49: {  	[tilespmem:s17], [sflag:$0x1] =	stream.indirect.gather [hbm4b:s4+s13], $0x80, s10, s13, $0xb8;
	[tilespmem:$0x1D000] =	vst v63  }
0x4a: {  	s12 =	simm.s32 $0x160  }
0x4b: {  	[tilespmem:s19], [sflag:$0x1] =	stream.indirect.gather [hbm4b:s4+s13], $0x80, s12, s13, $0xb8;
	[tilespmem:$0x1D000] =	vst v63  }
0x4c: {  	_ =	swait.ge [sflag:s28], $0x1000  }
0x4d: {  	[sflag:s28] =	ssyncset.done $0x0  }
0x4e: {  	[sflag:s28] =	ssyncadd.s32 $0xFFFFF000  }
0x4f: {  	_ =	swait.ge [sflag:s28], $0x1000  }
0x50: {  	[sflag:s28] =	ssyncset.done $0x0  }
0x51: {  	[sflag:s28] =	ssyncadd.s32 $0xFFFFF000  }
0x52: {  	_ =	swait.ge [sflag:s28], $0x1000  }
0x53: {  	[sflag:s28] =	ssyncset.done $0x0  }
0x54: {  	[sflag:s28] =	ssyncadd.s32 $0xFFFFF000  }
0x55: {  	_ =	swait.ge [sflag:s28], $0x1000  }
0x56: {  	[sflag:s28] =	ssyncset.done $0x0  }
0x57: {  	s24 =	simm.s32 $0x880;
	[sflag:s28] =	ssyncadd.s32 $0xFFFFF000  }
0x58: {  	[spmem:s2] =	stream.indirect.scatter.add.f32 [tilespmem:s20], [sflag:$0x3], $0x80, s24, s26, $0xb8;
	[tilespmem:$0x1D000] =	vst v63  }
0x59: {  	_ =	swait.ge [sflag:s11], $0x4000  }
0x5a: {  	s6 =	simm.s32 $0x800;
	s24 =	simm.s32 $0x100;
	[sflag:s11] =	ssyncset.done $0x0  }
.LBB2_3:
0x5b: {  	s12 =	sadd.s32 $0x80, s24  }
0x5c: {  	[sflag:s11] =	ssyncadd.s32 $0xFFFFC000;
	s10 =	smov.u32 s6;
	s3 =	sadd.s32 $0x400, s6  }
0x5d: {  	[tilespmem:s20], [sflag:$0x2] =	stream.indirect.gather [hbm4b:s4+s13], $0x80, s12, s13, $0xb8;
	[tilespmem:$0x1D000] =	vst v63  }
0x5e: {  	p0 =	sne.s32 s6, $0x1800;
	s6 =	sadd.s32 $0xA0, s24  }
0x5f: {  	[tilespmem:s21], [sflag:$0x2] =	stream.indirect.gather [hbm4b:s4+s13], $0x80, s6, s13, $0xb8;
	[tilespmem:$0x1D000] =	vst v63  }
0x60: {  	s6 =	sadd.s32 $0xC0, s24  }
0x61: {  	[tilespmem:s22], [sflag:$0x2] =	stream.indirect.gather [hbm4b:s4+s13], $0x80, s6, s13, $0xb8;
	[tilespmem:$0x1D000] =	vst v63  }
0x62: {  	s6 =	sadd.s32 $0xE0, s24  }
0x63: {  	[tilespmem:s23], [sflag:$0x2] =	stream.indirect.gather [hbm4b:s4+s13], $0x80, s6, s13, $0xb8;
	[tilespmem:$0x1D000] =	vst v63  }
0x64: {  	_ =	swait.ge [sflag:s25], $0x1000  }
0x65: {  	[sflag:s25] =	ssyncset.done $0x0  }
0x66: {  	[sflag:s25] =	ssyncadd.s32 $0xFFFFF000  }
0x67: {  	_ =	swait.ge [sflag:s25], $0x1000  }
0x68: {  	[sflag:s25] =	ssyncset.done $0x0  }
0x69: {  	[sflag:s25] =	ssyncadd.s32 $0xFFFFF000  }
0x6a: {  	_ =	swait.ge [sflag:s25], $0x1000  }
0x6b: {  	[sflag:s25] =	ssyncset.done $0x0  }
0x6c: {  	[sflag:s25] =	ssyncadd.s32 $0xFFFFF000  }
0x6d: {  	_ =	swait.ge [sflag:s25], $0x1000  }
0x6e: {  	[sflag:s25] =	ssyncset.done $0x0  }
0x6f: {  	s6 =	sadd.s32 $0x800, s24;
	[sflag:s25] =	ssyncadd.s32 $0xFFFFF000  }
0x70: {  	[spmem:s2] =	stream.indirect.scatter.add.f32 [tilespmem:s14], [sflag:$0x3], $0x80, s6, s26, $0xb8;
	[tilespmem:$0x1D000] =	vst v63  }
0x71: {  	_ =	swait.ge [sflag:s11], $0x4000  }
0x72: {  	[sflag:s11] =	ssyncset.done $0x0  }
0x73: {  	s6 =	sadd.s32 $0x100, s24;
	[sflag:s11] =	ssyncadd.s32 $0xFFFFC000  }
0x74: {  	[tilespmem:s14], [sflag:$0x1] =	stream.indirect.gather [hbm4b:s4+s13], $0x80, s6, s13, $0xb8;
	[tilespmem:$0x1D000] =	vst v63  }
0x75: {  	s6 =	sadd.s32 $0x120, s24  }
0x76: {  	[tilespmem:s15], [sflag:$0x1] =	stream.indirect.gather [hbm4b:s4+s13], $0x80, s6, s13, $0xb8;
	[tilespmem:$0x1D000] =	vst v63  }
0x77: {  	s6 =	sadd.s32 $0x140, s24  }
0x78: {  	[tilespmem:s17], [sflag:$0x1] =	stream.indirect.gather [hbm4b:s4+s13], $0x80, s6, s13, $0xb8;
	[tilespmem:$0x1D000] =	vst v63  }
0x79: {  	s6 =	sadd.s32 $0x160, s24  }
0x7a: {  	[tilespmem:s19], [sflag:$0x1] =	stream.indirect.gather [hbm4b:s4+s13], $0x80, s6, s13, $0xb8;
	[tilespmem:$0x1D000] =	vst v63  }
0x7b: {  	_ =	swait.ge [sflag:s28], $0x1000  }
0x7c: {  	[sflag:s28] =	ssyncset.done $0x0  }
0x7d: {  	[sflag:s28] =	ssyncadd.s32 $0xFFFFF000  }
0x7e: {  	_ =	swait.ge [sflag:s28], $0x1000  }
0x7f: {  	[sflag:s28] =	ssyncset.done $0x0  }
0x80: {  	[sflag:s28] =	ssyncadd.s32 $0xFFFFF000  }
0x81: {  	_ =	swait.ge [sflag:s28], $0x1000  }
0x82: {  	[sflag:s28] =	ssyncset.done $0x0  }
0x83: {  	[sflag:s28] =	ssyncadd.s32 $0xFFFFF000  }
0x84: {  	_ =	swait.ge [sflag:s28], $0x1000  }
.Ltmp0:
0x85: {  	[sflag:s28] =	ssyncset.done $0x0;
	(pc) =	sbr.rel @p0 .LBB2_3-.Ltmp0, $4  }
0x86: {  	s6 =	sadd.s32 $0x880, s24;
	[sflag:s28] =	ssyncadd.s32 $0xFFFFF000  }
0x87: {  	[spmem:s2] =	stream.indirect.scatter.add.f32 [tilespmem:s20], [sflag:$0x3], $0x80, s6, s26, $0xb8;
	[tilespmem:$0x1D000] =	vst v63  }
0x88: {  	_ =	swait.ge [sflag:s11], $0x4000  }
0x89: {  	s24 =	sshra.s32 s10, $0x2;
	s6 =	smov.u32 s3;
	[sflag:s11] =	ssyncset.done $0x0  }
0x8a: {  	s3 =	sadd.s32 $0x80, s24;
	[sflag:s11] =	ssyncadd.s32 $0xFFFFC000  }
0x8b: {  	[tilespmem:s20], [sflag:$0x2] =	stream.indirect.gather [hbm4b:s4+s13], $0x80, s3, s13, $0xb8;
	[tilespmem:$0x1D000] =	vst v63  }
0x8c: {  	s10 =	sadd.s32 $0xA0, s24  }
0x8d: {  	[tilespmem:s21], [sflag:$0x2] =	stream.indirect.gather [hbm4b:s4+s13], $0x80, s10, s13, $0xb8;
	[tilespmem:$0x1D000] =	vst v63  }
0x8e: {  	s12 =	sadd.s32 $0xC0, s24  }
0x8f: {  	[tilespmem:s22], [sflag:$0x2] =	stream.indirect.gather [hbm4b:s4+s13], $0x80, s12, s13, $0xb8;
	[tilespmem:$0x1D000] =	vst v63  }
0x90: {  	s6 =	sadd.s32 $0xE0, s24  }
0x91: {  	[tilespmem:s23], [sflag:$0x2] =	stream.indirect.gather [hbm4b:s4+s13], $0x80, s6, s13, $0xb8;
	[tilespmem:$0x1D000] =	vst v63  }
0x92: {  	_ =	swait.ge [sflag:s25], $0x1000  }
0x93: {  	[sflag:s25] =	ssyncset.done $0x0  }
0x94: {  	[sflag:s25] =	ssyncadd.s32 $0xFFFFF000  }
0x95: {  	_ =	swait.ge [sflag:s25], $0x1000  }
0x96: {  	[sflag:s25] =	ssyncset.done $0x0  }
0x97: {  	[sflag:s25] =	ssyncadd.s32 $0xFFFFF000  }
0x98: {  	_ =	swait.ge [sflag:s25], $0x1000  }
0x99: {  	[sflag:s25] =	ssyncset.done $0x0  }
0x9a: {  	[sflag:s25] =	ssyncadd.s32 $0xFFFFF000  }
0x9b: {  	_ =	swait.ge [sflag:s25], $0x1000  }
0x9c: {  	[sflag:s25] =	ssyncset.done $0x0  }
0x9d: {  	s10 =	sadd.s32 $0x800, s24;
	[sflag:s25] =	ssyncadd.s32 $0xFFFFF000  }
0x9e: {  	[spmem:s2] =	stream.indirect.scatter.add.f32 [tilespmem:s14], [sflag:$0x3], $0x80, s10, s26, $0xb8;
	[tilespmem:$0x1D000] =	vst v63  }
0x9f: {  	_ =	swait.ge [sflag:s11], $0x4000  }
0xa0: {  	[sflag:s11] =	ssyncset.done $0x0  }
0xa1: {  	s12 =	sadd.s32 $0x100, s24;
	[sflag:s11] =	ssyncadd.s32 $0xFFFFC000  }
0xa2: {  	[tilespmem:s14], [sflag:$0x1] =	stream.indirect.gather [hbm4b:s4+s13], $0x80, s12, s13, $0xb8;
	[tilespmem:$0x1D000] =	vst v63  }
0xa3: {  	s6 =	sadd.s32 $0x120, s24  }
0xa4: {  	[tilespmem:s15], [sflag:$0x1] =	stream.indirect.gather [hbm4b:s4+s13], $0x80, s6, s13, $0xb8;
	[tilespmem:$0x1D000] =	vst v63  }
0xa5: {  	s10 =	sadd.s32 $0x140, s24  }
0xa6: {  	[tilespmem:s17], [sflag:$0x1] =	stream.indirect.gather [hbm4b:s4+s13], $0x80, s10, s13, $0xb8;
	[tilespmem:$0x1D000] =	vst v63  }
0xa7: {  	s12 =	sadd.s32 $0x160, s24  }
0xa8: {  	[tilespmem:s19], [sflag:$0x1] =	stream.indirect.gather [hbm4b:s4+s13], $0x80, s12, s13, $0xb8;
	[tilespmem:$0x1D000] =	vst v63  }
0xa9: {  	_ =	swait.ge [sflag:s28], $0x1000  }
0xaa: {  	[sflag:s28] =	ssyncset.done $0x0  }
0xab: {  	[sflag:s28] =	ssyncadd.s32 $0xFFFFF000  }
0xac: {  	_ =	swait.ge [sflag:s28], $0x1000  }
0xad: {  	[sflag:s28] =	ssyncset.done $0x0  }
0xae: {  	[sflag:s28] =	ssyncadd.s32 $0xFFFFF000  }
0xaf: {  	_ =	swait.ge [sflag:s28], $0x1000  }
0xb0: {  	[sflag:s28] =	ssyncset.done $0x0  }
0xb1: {  	[sflag:s28] =	ssyncadd.s32 $0xFFFFF000  }
0xb2: {  	_ =	swait.ge [sflag:s28], $0x1000  }
0xb3: {  	[sflag:s28] =	ssyncset.done $0x0  }
0xb4: {  	s24 =	sadd.s32 $0x880, s24;
	[sflag:s28] =	ssyncadd.s32 $0xFFFFF000  }
0xb5: {  	[spmem:s2] =	stream.indirect.scatter.add.f32 [tilespmem:s20], [sflag:$0x3], $0x80, s24, s26, $0xb8;
	[tilespmem:$0x1D000] =	vst v63  }
0xb6: {  	_ =	swait.ge [sflag:s11], $0x4000  }
0xb7: {  	[sflag:s11] =	ssyncset.done $0x0  }
0xb8: {  	[sflag:s11] =	ssyncadd.s32 $0xFFFFC000  }
0xb9: {  	[tilespmem:s20], [sflag:$0x2] =	stream.indirect.gather [hbm4b:s4+s13], $0x80, s29, s13, $0xb8;
	[tilespmem:$0x1D000] =	vst v63  }
0xba: {  	_ = 	snop  }
0xbb: {  	[tilespmem:s21], [sflag:$0x2] =	stream.indirect.gather [hbm4b:s4+s13], $0x80, s30, s13, $0xb8;
	[tilespmem:$0x1D000] =	vst v63  }
0xbc: {  	_ = 	snop  }
0xbd: {  	[tilespmem:s22], [sflag:$0x2] =	stream.indirect.gather [hbm4b:s4+s13], $0x80, s31, s13, $0xb8;
	[tilespmem:$0x1D000] =	vst v63  }
0xbe: {  	_ = 	snop  }
0xbf: {  	[tilespmem:s23], [sflag:$0x2] =	stream.indirect.gather [hbm4b:s4+s13], $0x80, s1, s13, $0xb8;
	[tilespmem:$0x1D000] =	vst v63  }
0xc0: {  	_ =	swait.ge [sflag:s25], $0x1000  }
0xc1: {  	[sflag:s25] =	ssyncset.done $0x0  }
0xc2: {  	[sflag:s25] =	ssyncadd.s32 $0xFFFFF000  }
0xc3: {  	_ =	swait.ge [sflag:s25], $0x1000  }
0xc4: {  	[sflag:s25] =	ssyncset.done $0x0  }
0xc5: {  	[sflag:s25] =	ssyncadd.s32 $0xFFFFF000  }
0xc6: {  	_ =	swait.ge [sflag:s25], $0x1000  }
0xc7: {  	[sflag:s25] =	ssyncset.done $0x0  }
0xc8: {  	[sflag:s25] =	ssyncadd.s32 $0xFFFFF000  }
0xc9: {  	_ =	swait.ge [sflag:s25], $0x1000  }
0xca: {  	[sflag:s25] =	ssyncset.done $0x0  }
0xcb: {  	[sflag:s25] =	ssyncadd.s32 $0xFFFFF000  }
0xcc: {  	[spmem:s2] =	stream.indirect.scatter.add.f32 [tilespmem:s14], [sflag:$0x3], $0x80, s0, s26, $0xb8;
	[tilespmem:$0x1D000] =	vst v63  }
0xcd: {  	_ =	swait.ge [sflag:s11], $0x4000  }
0xce: {  	[sflag:s11] =	ssyncset.done $0x0  }
0xcf: {  	[sflag:s11] =	ssyncadd.s32 $0xFFFFC000  }
0xd0: {  	_ =	swait.ge [sflag:s28], $0x1000  }
0xd1: {  	[sflag:s28] =	ssyncset.done $0x0  }
0xd2: {  	[sflag:s28] =	ssyncadd.s32 $0xFFFFF000  }
0xd3: {  	_ =	swait.ge [sflag:s28], $0x1000  }
0xd4: {  	[sflag:s28] =	ssyncset.done $0x0  }
0xd5: {  	[sflag:s28] =	ssyncadd.s32 $0xFFFFF000  }
0xd6: {  	_ =	swait.ge [sflag:s28], $0x1000  }
0xd7: {  	[sflag:s28] =	ssyncset.done $0x0  }
0xd8: {  	[sflag:s28] =	ssyncadd.s32 $0xFFFFF000  }
0xd9: {  	s9 =	sadd.s32 $0x1, s9;
	_ =	swait.ge [sflag:s28], $0x1000  }
0xda: {  	p0 =	sne.s32 s9, $0x5;
	[sflag:s28] =	ssyncset.done $0x0  }
.Ltmp1:
0xdb: {  	[sflag:s28] =	ssyncadd.s32 $0xFFFFF000;
	(pc) =	sbr.rel @p0 .LBB2_2-.Ltmp1, $4  }
0xdc: {  	[spmem:s2] =	stream.indirect.scatter.add.f32 [tilespmem:s20], [sflag:$0x3], $0x80, s5, s26, $0xb8;
	[tilespmem:$0x1D000] =	vst v63  }
0xdd: {  	_ =	swait.ge [sflag:s11], $0x4000  }
0xde: {  	[sflag:s11] =	ssyncset.done $0x0  }
0xdf: {  	[sflag:s11] =	ssyncadd.s32 $0xFFFFC000  }
0xe0: {  	[bflag:$0x0] =	sbarrier.arrive $0xFFFF  }
0xe1: {  	s10 =	rddreg [dreg:$0x6]  }
0xe2: {  	s9 =	rddreg [dreg:$0x8]  }
0xe3: {  	s3 =	rddreg [dreg:$0x9]  }
0xe4: {  	[hbm:s3], [sflag:s10] =	dma.local [spmem:s9], $0x2800  }
0xe5: {  	_ =	swait.ge [sflag:s11], $0x2800  }
0xe6: {  	s24 =	rddreg [dreg:$0x4]  }
0xe7: {  	s12 =	rddreg [dreg:$0x7];
	s24 =	sadd.s32 $0x1, s24  }
0xe8: {  	p0 =	sne.s32 s24, s12  }
.Ltmp2:
0xe9: {  	_ = 	snop;
	(pc) =	sbr.rel @p0 .LBB2_1-.Ltmp2, $3  }
0xea: {  	_ =	sdelay $0x1  }
0xeb: {  	[sflag:s11] =	ssyncset.done $0x0  }
0xec: {  	[sflag:s11] =	ssyncadd.s32 $0xFFFFD800  }
0xed: {  	_ =	sfence.sel $0x180000  }
0xee: {  	[bflag:$0x0] =	sbarrier.arrive $0xFFFF  }
0xef: {  	_ =	strace $0x9000004D  }
0xf0: {  	s0 =	stileid.u32;
	[bflag:$0x2] =	sbarrier.arrive $0xFFFF  }
0xf1: {  	p0 =	sne.s32 s0, $0x0;
	s0 =	rddreg [dreg:$0x3]  }
0xf2: {  	s0 =	sadd.s32 @!p0 $0x100000, s0  }
0xf3: {  	[sflag:s0] =	ssyncadd.tile.s32 @!p0 $0x1;
	_ =	shalt  }
.Lfunc_end2:
_tile_overlayer_lowered:
.L_overlay_start_2:
0xf4: {  	(tag) =	ssettag $0x2  }
0xf5: {  	s0 =	rddreg [dreg:$0x0];
	s2 =	stileid.u32  }
0xf6: {  	s1 =	rddreg [dreg:$0x1];
	p0 =	sne.s32 s2, $0x0  }
0xf7: {  	s3 =	rddreg [dreg:$0x2];
	[bflag:$0x3] =	sbarrier.arrive $0xFFFF;
	s2 =	simm.s32 @!p0 $0x1C03  }
0xf8: {  	[timem:s3], [sflag:s2] =	dma.local @!p0 [hbm:s0], s1  }
0xf9: {  	s0 =	simm.s32 @!p0 $0x3  }
0xfa: {  	_ =	swait.ge @!p0 [sflag:s0], s1  }
0xfb: {  	s1 =	ssub.s32 @!p0 $0x0, s1;
	[sflag:s0] =	ssyncset.done @!p0 $0x0  }
0xfc: {  	[sflag:s0] =	ssyncadd.s32 @!p0 s1  }
0xfd: {  	[bflag:$0x3] =	sbarrier.arrive $0xFFFF  }
0xfe: {  	_ =	shalt  }

// kernel: kernel.18.cloned.1.call-start
scs
__scs_entry_jumppad:
0x0: {  	(pc) =	sbr.rel $0x88, $3  }
0x1: {  	(tag) =	ssettag $0x0;
	lr =	simm.s32 $0x1  }
0x2: {  	[smem:$0x3F9D] =	sst lr;
	_ =	strace $0xD0000000  }
0x3: {  	_ = 	snop  }
0x4: {  	_ = 	snop  }
0x5: {  	_ = 	snop  }
0x6: {  	_ = 	snop  }
0x7: {  	_ = 	snop  }
__scs_overlays_trampoline_lowered:
0x8: {  	[smem:$0x3FAC] =	sst s0  }
0x9: {  	[smem:$0x3FAD] =	sst s1  }
0xa: {  	[smem:$0x3FAE] =	sst s2  }
0xb: {  	[smem:$0x3FAF] =	sst s3  }
0xc: {  	[smem:$0x3FB0] =	sst s4  }
0xd: {  	[smem:$0x3FB1] =	sst s5  }
0xe: {  	[smem:$0x3FB2] =	sst s6  }
0xf: {  	[smem:$0x3FB3] =	sst s7  }
0x10: {  	[smem:$0x3FB4] =	sst s8  }
0x11: {  	[smem:$0x3FB5] =	sst s9;
	s0 =	simm.s32 @!p0 $0x0  }
0x12: {  	s1 =	sld [smem:$0x3F9B];
	s0 =	simm.s32 @p0 $0x1  }
0x13: {  	[smem:$0x3FB6] =	sst s0;
	s0 =	simm.s32 @!p1 $0x0  }
0x14: {  	s2 =	sld [smem:$0x3F9A];
	s0 =	simm.s32 @p1 $0x1  }
0x15: {  	[smem:$0x3FB7] =	sst s0;
	s0 =	simm.s32 @!p2 $0x0  }
0x16: {  	s3 =	sld [smem:$0x3FDB];
	s0 =	simm.s32 @p2 $0x1  }
0x17: {  	s4 =	simm.s32 $0x1BF5;
	[smem:$0x3FB9] =	sst s0  }
0x18: {  	s0 =	sld [smem:$0x3F9C];
	_ =	swait.ge [sflag:s4], $0x0  }
0x19: {  	s7 =	sld [smem:$0x3F9D]  }
0x1a: {  	s8 =	sadd.s32 $0xFFFFE003, lr  }
0x1b: {  	s9 =	sadd.s32 $0xFFFFFEF7, lr;
	s5 =	simm.s32 $0xFFFFFFFF;
	p2 =	slt.u32 s8, $0xFFFFF086  }
0x1c: {  	p1 =	slt.u32 s9, $0xF7A;
	s5 =	simm.s32 @!p2 $0x0  }
0x1d: {  	s5 =	simm.s32 @p1 $0x1;
	p0 =	seq.s32 s7, s2  }
0x1e: {  	s7 =	smul.u32 @!p0 $0xF7A, s2;
	p2 =	seq.s32 @!p0 s5, $0x0  }
0x1f: {  	s9 =	smul.u32 $0xF7A, s1;
	s8 =	simm.s32 @!p0 $0x1BF5;
	p2 =	por !p2, p0  }
0x20: {  	[sflag:s8] =	ssyncset.s32 @!p0 $0xFFFFF086;
	s6 =	sadd.s32 @!p0 s3, s7;
	s7 =	simm.s32 @!p0 $0x108  }
0x21: {  	s3 =	sadd.s32 s3, s9;
	s6 =	sadd.s32 @!p0 $0x88, s6;
	s7 =	simm.s32 @p2 $0x1082  }
0x22: {  	[simem:s7], [sflag:s8] =	dma.local @!p0 [hbm:s6], $0xF7A  }
0x23: {  	s9 =	sor.u32 $0xD0000000, s2;
	s6 =	simm.s32 $0x108;
	_ =	swait.ge @!p0 [sflag:s8], $0x0  }
0x24: {  	s3 =	sadd.s32 $0x88, s3;
	s6 =	simm.s32 @!p1 $0x1082;
	[sflag:s4] =	ssyncset.s32 $0xFFFFF086  }
0x25: {  	[simem:s6], [sflag:s4] =	dma.local [hbm:s3], $0xF7A  }
0x26: {  	[smem:$0x3F9D] =	sst s1;
	(tag) =	ssettag s2;
	_ =	strace s9  }
0x27: {  	s1 =	sld [smem:$0x3FAD]  }
0x28: {  	s2 =	sld [smem:$0x3FAE]  }
0x29: {  	s4 =	sld [smem:$0x3FB0]  }
0x2a: {  	p0 =	seq.s32 s5, $0x0;
	s5 =	sld [smem:$0x3FB1]  }
0x2b: {  	s6 =	sld [smem:$0x3FB2]  }
0x2c: {  	s7 =	sld [smem:$0x3FB3]  }
0x2d: {  	s3 =	simm.s32 $0x108;
	s8 =	sld [smem:$0x3FB4]  }
0x2e: {  	s3 =	simm.s32 @!p0 $0x1082;
	s9 =	sld [smem:$0x3FB5]  }
0x2f: {  	lr =	sadd.s32 s0, s3;
	s0 =	sld [smem:$0x3FAC]  }
0x30: {  	s3 =	sld [smem:$0x3FAF]  }
0x31: {  	[smem:$0x3FB8] =	sst s10  }
0x32: {  	s10 =	sld [smem:$0x3FB6];
	_ =	sdelay $0x3  }
0x33: {  	p0 =	seq.s32 s10, $0x1;
	s10 =	sld [smem:$0x3FB8];
	_ =	sdelay $0x3  }
0x34: {  	[smem:$0x3FB8] =	sst s10  }
0x35: {  	s10 =	sld [smem:$0x3FB7];
	_ =	sdelay $0x3  }
0x36: {  	p1 =	seq.s32 s10, $0x1;
	s10 =	sld [smem:$0x3FB8];
	_ =	sdelay $0x3  }
0x37: {  	[smem:$0x3FB8] =	sst s10  }
0x38: {  	s10 =	sld [smem:$0x3FB9]  }
0x39: {  	_ = 	snop;
	(pc) =	sbr.ind lr, $3  }
0x3a: {  	_ = 	snop  }
0x3b: {  	_ = 	snop  }
0x3c: {  	p2 =	seq.s32 s10, $0x1;
	s10 =	sld [smem:$0x3FB8]  }
0x3d: {  	_ =	shalt  }
0x3e: {  	_ =	shalt  }
0x3f: {  	_ =	shalt  }
0x40: {  	_ =	shalt  }
0x41: {  	_ =	shalt  }
0x42: {  	_ =	shalt  }
0x43: {  	_ =	shalt  }
0x44: {  	_ =	shalt  }
0x45: {  	_ =	shalt  }
0x46: {  	_ =	shalt  }
0x47: {  	_ =	shalt  }
0x48: {  	_ =	shalt  }
0x49: {  	_ =	shalt  }
0x4a: {  	_ =	shalt  }
0x4b: {  	_ =	shalt  }
0x4c: {  	_ =	shalt  }
0x4d: {  	_ =	shalt  }
0x4e: {  	_ =	shalt  }
0x4f: {  	_ =	shalt  }
0x50: {  	_ =	shalt  }
0x51: {  	_ =	shalt  }
0x52: {  	_ =	shalt  }
0x53: {  	_ =	shalt  }
0x54: {  	_ =	shalt  }
0x55: {  	_ =	shalt  }
0x56: {  	_ =	shalt  }
0x57: {  	_ =	shalt  }
0x58: {  	_ =	shalt  }
0x59: {  	_ =	shalt  }
0x5a: {  	_ =	shalt  }
0x5b: {  	_ =	shalt  }
0x5c: {  	_ =	shalt  }
0x5d: {  	_ =	shalt  }
0x5e: {  	_ =	shalt  }
0x5f: {  	_ =	shalt  }
0x60: {  	_ =	shalt  }
0x61: {  	_ =	shalt  }
0x62: {  	_ =	shalt  }
0x63: {  	_ =	shalt  }
0x64: {  	_ =	shalt  }
0x65: {  	_ =	shalt  }
0x66: {  	_ =	shalt  }
0x67: {  	_ =	shalt  }
0x68: {  	_ =	shalt  }
0x69: {  	_ =	shalt  }
0x6a: {  	_ =	shalt  }
0x6b: {  	_ =	shalt  }
0x6c: {  	_ =	shalt  }
0x6d: {  	_ =	shalt  }
0x6e: {  	_ =	shalt  }
0x6f: {  	_ =	shalt  }
0x70: {  	_ =	shalt  }
0x71: {  	_ =	shalt  }
0x72: {  	_ =	shalt  }
0x73: {  	_ =	shalt  }
0x74: {  	_ =	shalt  }
0x75: {  	_ =	shalt  }
0x76: {  	_ =	shalt  }
0x77: {  	_ =	shalt  }
0x78: {  	_ =	shalt  }
0x79: {  	_ =	shalt  }
0x7a: {  	_ =	shalt  }
0x7b: {  	_ =	shalt  }
0x7c: {  	_ =	shalt  }
0x7d: {  	_ =	shalt  }
0x7e: {  	_ =	shalt  }
0x7f: {  	_ =	shalt  }
0x80: {  	_ =	shalt  }
0x81: {  	_ =	shalt  }
0x82: {  	_ =	shalt  }
0x83: {  	_ =	shalt  }
0x84: {  	_ =	shalt  }
0x85: {  	_ =	shalt  }
0x86: {  	_ =	shalt  }
0x87: {  	_ =	shalt  }
.Lfunc_end0:
.L_simem_size_0:
called_computation.3_lowered:
.L_overlay_start_0:
0x88: {  	s2 =	sld [smem:$0x3FD9]  }
0x89: {  	s3 =	sld [smem:$0x3FFE];
	_ =	sdelay $0x1  }
0x8a: {  	s1 =	srdreg.scid  }
0x8b: {  	s0 =	sand.u32 $0x1, s1  }
0x8c: {  	s17 =	sshll.u32 s0, $0xA;
	s2 =	sadd.s32 s3, s2  }
0x8d: {  	s2 =	sadd.s32 s2, s17  }
0x8e: {  	[smem:$0x3FC4] =	sst s2  }
0x8f: {  	_ = 	snop  }
0x90: {  	s2 =	sld [smem:$0x3FD0];
	(tm) =	ssettm $0x1  }
0x91: {  	s18 =	sld [smem:$0x3FFB];
	_ =	sdelay $0x3  }
0x92: {  	_ =	strace s18  }
0x93: {  	s3 =	sld [smem:$0x3FFC];
	_ =	sdelay $0x3  }
0x94: {  	_ =	strace s3  }
0x95: {  	s3 =	sld [smem:$0x3FFD];
	_ =	sdelay $0x3  }
0x96: {  	_ =	strace s3  }
0x97: {  	_ =	strace $0x8FFFFFFF  }
0x98: {  	s19 =	sld [smem:$0x3FDB];
	_ =	sdelay $0x1  }
0x99: {  	s4 =	simm.s32 $_scs_section_size  }
0x9a: {  	s5 =	simm.s32 $_size__tile_overlayer_lowered;
	s6 =	simm.s32 $_tile_overlayer_lowered  }
0x9b: {  	s22 =	simm.s32 $0x1BFF;
	s21 =	sshll.u32 s6, $0x1;
	s3 =	sadd.s32 s4, s19  }
0x9c: {  	s7 =	simm.s32 $0x0;
	s20 =	sshll.u32 s5, $0x1;
	s5 =	sadd.s32 s21, s3  }
0x9d: {  	[timem:s7], [sflag:s22] =	dma.local [hbm:s5], s20  }
0x9e: {  	_ =	swait.ge [sflag:s22], s20  }
0x9f: {  	s4 =	ssub.s32 $0x0, s20;
	[sflag:s22] =	ssyncset.done $0x0  }
0xa0: {  	[sflag:s22] =	ssyncadd.s32 s4;
	_ =	sdelay $0x1  }
0xa1: {  	s23 =	simm.s32 $0x1B8B  }
0xa2: {  	_ =	swait.ge [sflag:s23], $0x1  }
0xa3: {  	[sflag:s23] =	ssyncset.done $0x0  }
0xa4: {  	s25 =	simm.s32 $0x1B8E;
	s24 =	sld [smem:$0x3FFE];
	[sflag:s23] =	ssyncadd.s32 $0xFFFFFFFF  }
0xa5: {  	s26 =	simm.s32 $execute0_lowered;
	[smem:$0x3FD2] =	sst s25  }
0xa6: {  	s5 =	sshll.u32 s26, $0x1;
	_ =	strace $0x8000004F;
	[dreg:$0x1] =	wrdreg $0xFFFFFFFF  }
0xa7: {  	s28 =	simm.s32 $_size_execute0_lowered;
	s3 =	sadd.s32 s3, s5;
	[dreg:$0x0] =	wrdreg $0x0  }
0xa8: {  	s5 =	sshll.u32 s28, $0x1;
	[dreg:$0x2] =	wrdreg s3  }
0xa9: {  	[dreg:$0x3] =	wrdreg s5  }
0xaa: {  	[dreg:$0x4] =	wrdreg $0xC0  }
0xab: {  	_ =	task [dreg:s7], $0x5FFFF  }
0xac: {  	[dreg:$0x1] =	wrdreg $0xFFFFFFFF  }
0xad: {  	[dreg:$0x0] =	wrdreg $0x60  }
0xae: {  	[dreg:$0x2] =	wrdreg s24  }
0xaf: {  	[dreg:$0x3] =	wrdreg s2  }
0xb0: {  	[dreg:$0x4] =	wrdreg $0x90000  }
0xb1: {  	[dreg:$0x5] =	wrdreg $0x9  }
0xb2: {  	_ =	task.clear_ibuf [dreg:s7], $0x6FFFF;
	_ =	strace $0x9000004F  }
0xb3: {  	s29 =	simm.s32 $0x9;
	_ =	strace $0x80000051  }
0xb4: {  	_ =	swait.ge [sflag:s29], $0x1  }
0xb5: {  	[sflag:s29] =	ssyncadd.s32 $0xFFFFFFFF  }
0xb6: {  	_ =	strace $0x90000051  }
0xb7: {  	_ =	sfence  }
0xb8: {  	s30 =	sld [smem:$0x0];
	_ =	sdelay $0x2  }
0xb9: {  	s31 =	sshll.u32 s1, $0xD;
	s1 =	sshrl.u32 s1, $0x2  }
0xba: {  	s3 =	sand.u32 $0x4000, s31;
	s1 =	sadd.s32 s1, s30  }
0xbb: {  	s0 =	sor.u32 s3, s0;
	s1 =	sshll.u32 s1, $0x11  }
0xbc: {  	s0 =	sor.u32 s1, s0  }
0xbd: {  	s0 =	sadd.s32 $0x8F2B, s0  }
0xbe: {  	[sflag:s0] =	ssyncadd.remote.s32 $0x1  }
0xbf: {  	_ =	sfence.sel $0xFFFF  }
0xc0: {  	[dreg:$0x0] =	wrdreg $0xFFFFFFFF;
	(pc) =	sbr.abs _section_cstart, $3  }
0xc1: {  	[dreg:$0x1] =	wrdreg $0xFFFFFFFF  }
0xc2: {  	_ =	task.clear_ibuf [dreg:s7], $0x2FFFF;
	_ =	strace $0x9FFFFFFF  }
0xc3: {  	(tm) =	ssettm $0x7FFFFFFF  }
tec
execute0_lowered:
.L_overlay_start_1:
0x0: {  	(tag) =	ssettag $0x1  }
0x1: {  	s0 =	srdreg.scid;
	s1 =	rddreg [dreg:$0x0]  }
0x2: {  	s12 =	stileid.u32;
	s3 =	rddreg [dreg:$0x1];
	s24 =	simm.s32 $0x0  }
0x3: {  	s13 =	simm.s32 $0x20;
	s14 =	simm.s32 $0x1000;
	s15 =	simm.s32 $0x2000  }
0x4: {  	s16 =	simm.s32 $0x40;
	s17 =	simm.s32 $0x3000;
	s18 =	simm.s32 $0x60  }
0x5: {  	s19 =	simm.s32 $0x4000;
	s20 =	simm.s32 $0x5000;
	s21 =	simm.s32 $0x6000  }
0x6: {  	s28 =	simm.s32 $0x2;
	s29 =	simm.s32 $0x780;
	s30 =	simm.s32 $0x7A0  }
0x7: {  	s31 =	simm.s32 $0x7C0;
	s0 =	sand.u32 $0x1, s0;
	s6 =	smul.u32 $0x2800, s12  }
0x8: {  	s2 =	sshll.u32 s12, $0x1;
	[smem:$0x7FF] =	sst s24;
	s8 =	smul.u32 $0x50000, s12  }
0x9: {  	s23 =	sshll.u32 s12, $0x6;
	s4 =	sor.u32 s0, s2;
	s2 =	rddreg [dreg:$0x2]  }
0xa: {  	s7 =	smul.u32 $0x28000, s0;
	_ =	strace $0x80000050;
	s0 =	ssub.s32 $0x2, s0  }
0xb: {  	s5 =	smul.u32 $0x500, s4;
	s4 =	sadd.s32 $0x29E00, s1;
	s22 =	sshrl.u32 s0, $0x1  }
0xc: {  	s10 =	sadd.s32 s6, s1;
	s8 =	sshrl.u32 s8, $0x2;
	s0 =	ssub.s32 s0, s22  }
0xd: {  	s11 =	sadd.s32 s8, s2;
	s25 =	sadd.s32 $0x1E00, s10;
	s10 =	sor.u32 $0x1C03, s23  }
0xe: {  	s22 =	simm.s32 $0x7000;
	s23 =	simm.s32 $0x8000;
	s9 =	sadd.s32 s5, s1  }
0xf: {  	s1 =	sadd.s32 s7, s1;
	[dreg:$0x5] =	wrdreg s25;
	s7 =	sadd.s32 s3, s5  }
0x10: {  	s0 =	smax.u32 s0, $0x1;
	s25 =	simm.s32 $0x1;
	s5 =	simm.s32 $0xF80  }
0x11: {  	[dreg:$0x6] =	wrdreg s10;
	s8 =	sadd.s32 $0x7A600, s9;
	s1 =	sadd.s32 $0xD4600, s1  }
0x12: {  	[dreg:$0x7] =	wrdreg s0;
	s9 =	sshrl.u32 s11, $0x3;
	s11 =	simm.s32 $0x3  }
0x13: {  	s0 =	simm.s32 $0xF00;
	s26 =	sadd.s32 s6, s1;
	[dreg:$0x8] =	wrdreg s9  }
0x14: {  	s1 =	simm.s32 $0x7E0;
	[dreg:$0x9] =	wrdreg s26;
	s26 =	simm.s32 $0x80  }
.LBB2_1:
0x15: {  	[dreg:$0x4] =	wrdreg s24  }
0x16: {  	s3 =	rddreg [dreg:$0x5]  }
0x17: {  	[spmem:s9], [sflag:s10] =	dma.local [hbm:s3], $0x2800  }
0x18: {  	_ =	swait.ge [sflag:s11], $0x2800  }
0x19: {  	[sflag:s11] =	ssyncset.done $0x0  }
0x1a: {  	[sflag:s11] =	ssyncadd.s32 $0xFFFFD800  }
0x1b: {  	s9 =	simm.s32 $0x0;
	[bflag:$0x0] =	sbarrier.arrive $0xFFFF  }
.LBB2_2:
0x1c: {  	s3 =	sshll.u32 s9, $0x8  }
0x1d: {  	s10 =	simm.s32 $0x0;
	s6 =	sadd.s32 s3, s7  }
0x1e: {  	[tilespmem:s10], [sflag:$0x3] =	stream.linear.gather [hbm4b:s6+s10], $0x800, $0x38;
	[tilespmem:$0x1D000] =	vst v63  }
0x1f: {  	_ =	swait.ge [sflag:s11], $0x800  }
0x20: {  	[sflag:s11] =	ssyncset.done $0x0  }
0x21: {  	s24 =	simm.s32 $0x800;
	s3 =	sadd.s32 s3, s8;
	[sflag:s11] =	ssyncadd.s32 $0xFFFFF800  }
0x22: {  	[tilespmem:s24], [sflag:$0x3] =	stream.linear.gather [hbm4b:s3+s10], $0x800, $0x38;
	[tilespmem:$0x1D000] =	vst v63  }
0x23: {  	_ =	swait.ge [sflag:s11], $0x800  }
0x24: {  	[sflag:s11] =	ssyncset.done $0x0  }
0x25: {  	[sflag:s11] =	ssyncadd.s32 $0xFFFFF800  }
0x26: {  	[tilespmem:s14], [sflag:$0x1] =	stream.indirect.gather [hbm4b:s4+s13], $0x80, s10, s13, $0xb8;
	[tilespmem:$0x1D000] =	vst v63  }
0x27: {  	_ = 	snop  }
0x28: {  	[tilespmem:s15], [sflag:$0x1] =	stream.indirect.gather [hbm4b:s4+s13], $0x80, s13, s13, $0xb8;
	[tilespmem:$0x1D000] =	vst v63  }
0x29: {  	_ = 	snop  }
0x2a: {  	[tilespmem:s17], [sflag:$0x1] =	stream.indirect.gather [hbm4b:s4+s13], $0x80, s16, s13, $0xb8;
	[tilespmem:$0x1D000] =	vst v63  }
0x2b: {  	_ = 	snop  }
0x2c: {  	[tilespmem:s19], [sflag:$0x1] =	stream.indirect.gather [hbm4b:s4+s13], $0x80, s18, s13, $0xb8;
	[tilespmem:$0x1D000] =	vst v63  }
0x2d: {  	s12 =	simm.s32 $0x80  }
0x2e: {  	[tilespmem:s20], [sflag:$0x2] =	stream.indirect.gather [hbm4b:s4+s13], $0x80, s12, s13, $0xb8;
	[tilespmem:$0x1D000] =	vst v63  }
0x2f: {  	s24 =	simm.s32 $0xA0  }
0x30: {  	[tilespmem:s21], [sflag:$0x2] =	stream.indirect.gather [hbm4b:s4+s13], $0x80, s24, s13, $0xb8;
	[tilespmem:$0x1D000] =	vst v63  }
0x31: {  	s6 =	simm.s32 $0xC0  }
0x32: {  	[tilespmem:s22], [sflag:$0x2] =	stream.indirect.gather [hbm4b:s4+s13], $0x80, s6, s13, $0xb8;
	[tilespmem:$0x1D000] =	vst v63  }
0x33: {  	s10 =	simm.s32 $0xE0  }
0x34: {  	[tilespmem:s23], [sflag:$0x2] =	stream.indirect.gather [hbm4b:s4+s13], $0x80, s10, s13, $0xb8;
	[tilespmem:$0x1D000] =	vst v63  }
0x35: {  	_ =	swait.ge [sflag:s25], $0x1000  }
0x36: {  	[sflag:s25] =	ssyncset.done $0x0  }
0x37: {  	[sflag:s25] =	ssyncadd.s32 $0xFFFFF000  }
0x38: {  	_ =	swait.ge [sflag:s25], $0x1000  }
0x39: {  	[sflag:s25] =	ssyncset.done $0x0  }
0x3a: {  	[sflag:s25] =	ssyncadd.s32 $0xFFFFF000  }
0x3b: {  	_ =	swait.ge [sflag:s25], $0x1000  }
0x3c: {  	[sflag:s25] =	ssyncset.done $0x0  }
0x3d: {  	[sflag:s25] =	ssyncadd.s32 $0xFFFFF000  }
0x3e: {  	_ =	swait.ge [sflag:s25], $0x1000  }
0x3f: {  	[sflag:s25] =	ssyncset.done $0x0  }
0x40: {  	s12 =	simm.s32 $0x800;
	[sflag:s25] =	ssyncadd.s32 $0xFFFFF000  }
0x41: {  	[spmem:s2] =	stream.indirect.scatter.add.f32 [tilespmem:s14], [sflag:$0x3], $0x80, s12, s26, $0xb8;
	[tilespmem:$0x1D000] =	vst v63  }
0x42: {  	_ =	swait.ge [sflag:s11], $0x4000  }
0x43: {  	[sflag:s11] =	ssyncset.done $0x0  }
0x44: {  	s24 =	simm.s32 $0x100;
	[sflag:s11] =	ssyncadd.s32 $0xFFFFC000  }
0x45: {  	[tilespmem:s14], [sflag:$0x1] =	stream.indirect.gather [hbm4b:s4+s13], $0x80, s24, s13, $0xb8;
	[tilespmem:$0x1D000] =	vst v63  }
0x46: {  	s6 =	simm.s32 $0x120  }
0x47: {  	[tilespmem:s15], [sflag:$0x1] =	stream.indirect.gather [hbm4b:s4+s13], $0x80, s6, s13, $0xb8;
	[tilespmem:$0x1D000] =	vst v63  }
0x48: {  	s10 =	simm.s32 $0x140  }
0x49: {  	[tilespmem:s17], [sflag:$0x1] =	stream.indirect.gather [hbm4b:s4+s13], $0x80, s10, s13, $0xb8;
	[tilespmem:$0x1D000] =	vst v63  }
0x4a: {  	s12 =	simm.s32 $0x160  }
0x4b: {  	[tilespmem:s19], [sflag:$0x1] =	stream.indirect.gather [hbm4b:s4+s13], $0x80, s12, s13, $0xb8;
	[tilespmem:$0x1D000] =	vst v63  }
0x4c: {  	_ =	swait.ge [sflag:s28], $0x1000  }
0x4d: {  	[sflag:s28] =	ssyncset.done $0x0  }
0x4e: {  	[sflag:s28] =	ssyncadd.s32 $0xFFFFF000  }
0x4f: {  	_ =	swait.ge [sflag:s28], $0x1000  }
0x50: {  	[sflag:s28] =	ssyncset.done $0x0  }
0x51: {  	[sflag:s28] =	ssyncadd.s32 $0xFFFFF000  }
0x52: {  	_ =	swait.ge [sflag:s28], $0x1000  }
0x53: {  	[sflag:s28] =	ssyncset.done $0x0  }
0x54: {  	[sflag:s28] =	ssyncadd.s32 $0xFFFFF000  }
0x55: {  	_ =	swait.ge [sflag:s28], $0x1000  }
0x56: {  	[sflag:s28] =	ssyncset.done $0x0  }
0x57: {  	s24 =	simm.s32 $0x880;
	[sflag:s28] =	ssyncadd.s32 $0xFFFFF000  }
0x58: {  	[spmem:s2] =	stream.indirect.scatter.add.f32 [tilespmem:s20], [sflag:$0x3], $0x80, s24, s26, $0xb8;
	[tilespmem:$0x1D000] =	vst v63  }
0x59: {  	_ =	swait.ge [sflag:s11], $0x4000  }
0x5a: {  	s6 =	simm.s32 $0x800;
	s24 =	simm.s32 $0x100;
	[sflag:s11] =	ssyncset.done $0x0  }
.LBB2_3:
0x5b: {  	s12 =	sadd.s32 $0x80, s24  }
0x5c: {  	[sflag:s11] =	ssyncadd.s32 $0xFFFFC000;
	s10 =	smov.u32 s6;
	s3 =	sadd.s32 $0x400, s6  }
0x5d: {  	[tilespmem:s20], [sflag:$0x2] =	stream.indirect.gather [hbm4b:s4+s13], $0x80, s12, s13, $0xb8;
	[tilespmem:$0x1D000] =	vst v63  }
0x5e: {  	p0 =	sne.s32 s6, $0x1800;
	s6 =	sadd.s32 $0xA0, s24  }
0x5f: {  	[tilespmem:s21], [sflag:$0x2] =	stream.indirect.gather [hbm4b:s4+s13], $0x80, s6, s13, $0xb8;
	[tilespmem:$0x1D000] =	vst v63  }
0x60: {  	s6 =	sadd.s32 $0xC0, s24  }
0x61: {  	[tilespmem:s22], [sflag:$0x2] =	stream.indirect.gather [hbm4b:s4+s13], $0x80, s6, s13, $0xb8;
	[tilespmem:$0x1D000] =	vst v63  }
0x62: {  	s6 =	sadd.s32 $0xE0, s24  }
0x63: {  	[tilespmem:s23], [sflag:$0x2] =	stream.indirect.gather [hbm4b:s4+s13], $0x80, s6, s13, $0xb8;
	[tilespmem:$0x1D000] =	vst v63  }
0x64: {  	_ =	swait.ge [sflag:s25], $0x1000  }
0x65: {  	[sflag:s25] =	ssyncset.done $0x0  }
0x66: {  	[sflag:s25] =	ssyncadd.s32 $0xFFFFF000  }
0x67: {  	_ =	swait.ge [sflag:s25], $0x1000  }
0x68: {  	[sflag:s25] =	ssyncset.done $0x0  }
0x69: {  	[sflag:s25] =	ssyncadd.s32 $0xFFFFF000  }
0x6a: {  	_ =	swait.ge [sflag:s25], $0x1000  }
0x6b: {  	[sflag:s25] =	ssyncset.done $0x0  }
0x6c: {  	[sflag:s25] =	ssyncadd.s32 $0xFFFFF000  }
0x6d: {  	_ =	swait.ge [sflag:s25], $0x1000  }
0x6e: {  	[sflag:s25] =	ssyncset.done $0x0  }
0x6f: {  	s6 =	sadd.s32 $0x800, s24;
	[sflag:s25] =	ssyncadd.s32 $0xFFFFF000  }
0x70: {  	[spmem:s2] =	stream.indirect.scatter.add.f32 [tilespmem:s14], [sflag:$0x3], $0x80, s6, s26, $0xb8;
	[tilespmem:$0x1D000] =	vst v63  }
0x71: {  	_ =	swait.ge [sflag:s11], $0x4000  }
0x72: {  	[sflag:s11] =	ssyncset.done $0x0  }
0x73: {  	s6 =	sadd.s32 $0x100, s24;
	[sflag:s11] =	ssyncadd.s32 $0xFFFFC000  }
0x74: {  	[tilespmem:s14], [sflag:$0x1] =	stream.indirect.gather [hbm4b:s4+s13], $0x80, s6, s13, $0xb8;
	[tilespmem:$0x1D000] =	vst v63  }
0x75: {  	s6 =	sadd.s32 $0x120, s24  }
0x76: {  	[tilespmem:s15], [sflag:$0x1] =	stream.indirect.gather [hbm4b:s4+s13], $0x80, s6, s13, $0xb8;
	[tilespmem:$0x1D000] =	vst v63  }
0x77: {  	s6 =	sadd.s32 $0x140, s24  }
0x78: {  	[tilespmem:s17], [sflag:$0x1] =	stream.indirect.gather [hbm4b:s4+s13], $0x80, s6, s13, $0xb8;
	[tilespmem:$0x1D000] =	vst v63  }
0x79: {  	s6 =	sadd.s32 $0x160, s24  }
0x7a: {  	[tilespmem:s19], [sflag:$0x1] =	stream.indirect.gather [hbm4b:s4+s13], $0x80, s6, s13, $0xb8;
	[tilespmem:$0x1D000] =	vst v63  }
0x7b: {  	_ =	swait.ge [sflag:s28], $0x1000  }
0x7c: {  	[sflag:s28] =	ssyncset.done $0x0  }
0x7d: {  	[sflag:s28] =	ssyncadd.s32 $0xFFFFF000  }
0x7e: {  	_ =	swait.ge [sflag:s28], $0x1000  }
0x7f: {  	[sflag:s28] =	ssyncset.done $0x0  }
0x80: {  	[sflag:s28] =	ssyncadd.s32 $0xFFFFF000  }
0x81: {  	_ =	swait.ge [sflag:s28], $0x1000  }
0x82: {  	[sflag:s28] =	ssyncset.done $0x0  }
0x83: {  	[sflag:s28] =	ssyncadd.s32 $0xFFFFF000  }
0x84: {  	_ =	swait.ge [sflag:s28], $0x1000  }
.Ltmp0:
0x85: {  	[sflag:s28] =	ssyncset.done $0x0;
	(pc) =	sbr.rel @p0 .LBB2_3-.Ltmp0, $4  }
0x86: {  	s6 =	sadd.s32 $0x880, s24;
	[sflag:s28] =	ssyncadd.s32 $0xFFFFF000  }
0x87: {  	[spmem:s2] =	stream.indirect.scatter.add.f32 [tilespmem:s20], [sflag:$0x3], $0x80, s6, s26, $0xb8;
	[tilespmem:$0x1D000] =	vst v63  }
0x88: {  	_ =	swait.ge [sflag:s11], $0x4000  }
0x89: {  	s24 =	sshra.s32 s10, $0x2;
	s6 =	smov.u32 s3;
	[sflag:s11] =	ssyncset.done $0x0  }
0x8a: {  	s3 =	sadd.s32 $0x80, s24;
	[sflag:s11] =	ssyncadd.s32 $0xFFFFC000  }
0x8b: {  	[tilespmem:s20], [sflag:$0x2] =	stream.indirect.gather [hbm4b:s4+s13], $0x80, s3, s13, $0xb8;
	[tilespmem:$0x1D000] =	vst v63  }
0x8c: {  	s10 =	sadd.s32 $0xA0, s24  }
0x8d: {  	[tilespmem:s21], [sflag:$0x2] =	stream.indirect.gather [hbm4b:s4+s13], $0x80, s10, s13, $0xb8;
	[tilespmem:$0x1D000] =	vst v63  }
0x8e: {  	s12 =	sadd.s32 $0xC0, s24  }
0x8f: {  	[tilespmem:s22], [sflag:$0x2] =	stream.indirect.gather [hbm4b:s4+s13], $0x80, s12, s13, $0xb8;
	[tilespmem:$0x1D000] =	vst v63  }
0x90: {  	s6 =	sadd.s32 $0xE0, s24  }
0x91: {  	[tilespmem:s23], [sflag:$0x2] =	stream.indirect.gather [hbm4b:s4+s13], $0x80, s6, s13, $0xb8;
	[tilespmem:$0x1D000] =	vst v63  }
0x92: {  	_ =	swait.ge [sflag:s25], $0x1000  }
0x93: {  	[sflag:s25] =	ssyncset.done $0x0  }
0x94: {  	[sflag:s25] =	ssyncadd.s32 $0xFFFFF000  }
0x95: {  	_ =	swait.ge [sflag:s25], $0x1000  }
0x96: {  	[sflag:s25] =	ssyncset.done $0x0  }
0x97: {  	[sflag:s25] =	ssyncadd.s32 $0xFFFFF000  }
0x98: {  	_ =	swait.ge [sflag:s25], $0x1000  }
0x99: {  	[sflag:s25] =	ssyncset.done $0x0  }
0x9a: {  	[sflag:s25] =	ssyncadd.s32 $0xFFFFF000  }
0x9b: {  	_ =	swait.ge [sflag:s25], $0x1000  }
0x9c: {  	[sflag:s25] =	ssyncset.done $0x0  }
0x9d: {  	s10 =	sadd.s32 $0x800, s24;
	[sflag:s25] =	ssyncadd.s32 $0xFFFFF000  }
0x9e: {  	[spmem:s2] =	stream.indirect.scatter.add.f32 [tilespmem:s14], [sflag:$0x3], $0x80, s10, s26, $0xb8;
	[tilespmem:$0x1D000] =	vst v63  }
0x9f: {  	_ =	swait.ge [sflag:s11], $0x4000  }
0xa0: {  	[sflag:s11] =	ssyncset.done $0x0  }
0xa1: {  	s12 =	sadd.s32 $0x100, s24;
	[sflag:s11] =	ssyncadd.s32 $0xFFFFC000  }
0xa2: {  	[tilespmem:s14], [sflag:$0x1] =	stream.indirect.gather [hbm4b:s4+s13], $0x80, s12, s13, $0xb8;
	[tilespmem:$0x1D000] =	vst v63  }
0xa3: {  	s6 =	sadd.s32 $0x120, s24  }
0xa4: {  	[tilespmem:s15], [sflag:$0x1] =	stream.indirect.gather [hbm4b:s4+s13], $0x80, s6, s13, $0xb8;
	[tilespmem:$0x1D000] =	vst v63  }
0xa5: {  	s10 =	sadd.s32 $0x140, s24  }
0xa6: {  	[tilespmem:s17], [sflag:$0x1] =	stream.indirect.gather [hbm4b:s4+s13], $0x80, s10, s13, $0xb8;
	[tilespmem:$0x1D000] =	vst v63  }
0xa7: {  	s12 =	sadd.s32 $0x160, s24  }
0xa8: {  	[tilespmem:s19], [sflag:$0x1] =	stream.indirect.gather [hbm4b:s4+s13], $0x80, s12, s13, $0xb8;
	[tilespmem:$0x1D000] =	vst v63  }
0xa9: {  	_ =	swait.ge [sflag:s28], $0x1000  }
0xaa: {  	[sflag:s28] =	ssyncset.done $0x0  }
0xab: {  	[sflag:s28] =	ssyncadd.s32 $0xFFFFF000  }
0xac: {  	_ =	swait.ge [sflag:s28], $0x1000  }
0xad: {  	[sflag:s28] =	ssyncset.done $0x0  }
0xae: {  	[sflag:s28] =	ssyncadd.s32 $0xFFFFF000  }
0xaf: {  	_ =	swait.ge [sflag:s28], $0x1000  }
0xb0: {  	[sflag:s28] =	ssyncset.done $0x0  }
0xb1: {  	[sflag:s28] =	ssyncadd.s32 $0xFFFFF000  }
0xb2: {  	_ =	swait.ge [sflag:s28], $0x1000  }
0xb3: {  	[sflag:s28] =	ssyncset.done $0x0  }
0xb4: {  	s24 =	sadd.s32 $0x880, s24;
	[sflag:s28] =	ssyncadd.s32 $0xFFFFF000  }
0xb5: {  	[spmem:s2] =	stream.indirect.scatter.add.f32 [tilespmem:s20], [sflag:$0x3], $0x80, s24, s26, $0xb8;
	[tilespmem:$0x1D000] =	vst v63  }
0xb6: {  	_ =	swait.ge [sflag:s11], $0x4000  }
0xb7: {  	[sflag:s11] =	ssyncset.done $0x0  }
0xb8: {  	[sflag:s11] =	ssyncadd.s32 $0xFFFFC000  }
0xb9: {  	[tilespmem:s20], [sflag:$0x2] =	stream.indirect.gather [hbm4b:s4+s13], $0x80, s29, s13, $0xb8;
	[tilespmem:$0x1D000] =	vst v63  }
0xba: {  	_ = 	snop  }
0xbb: {  	[tilespmem:s21], [sflag:$0x2] =	stream.indirect.gather [hbm4b:s4+s13], $0x80, s30, s13, $0xb8;
	[tilespmem:$0x1D000] =	vst v63  }
0xbc: {  	_ = 	snop  }
0xbd: {  	[tilespmem:s22], [sflag:$0x2] =	stream.indirect.gather [hbm4b:s4+s13], $0x80, s31, s13, $0xb8;
	[tilespmem:$0x1D000] =	vst v63  }
0xbe: {  	_ = 	snop  }
0xbf: {  	[tilespmem:s23], [sflag:$0x2] =	stream.indirect.gather [hbm4b:s4+s13], $0x80, s1, s13, $0xb8;
	[tilespmem:$0x1D000] =	vst v63  }
0xc0: {  	_ =	swait.ge [sflag:s25], $0x1000  }
0xc1: {  	[sflag:s25] =	ssyncset.done $0x0  }
0xc2: {  	[sflag:s25] =	ssyncadd.s32 $0xFFFFF000  }
0xc3: {  	_ =	swait.ge [sflag:s25], $0x1000  }
0xc4: {  	[sflag:s25] =	ssyncset.done $0x0  }
0xc5: {  	[sflag:s25] =	ssyncadd.s32 $0xFFFFF000  }
0xc6: {  	_ =	swait.ge [sflag:s25], $0x1000  }
0xc7: {  	[sflag:s25] =	ssyncset.done $0x0  }
0xc8: {  	[sflag:s25] =	ssyncadd.s32 $0xFFFFF000  }
0xc9: {  	_ =	swait.ge [sflag:s25], $0x1000  }
0xca: {  	[sflag:s25] =	ssyncset.done $0x0  }
0xcb: {  	[sflag:s25] =	ssyncadd.s32 $0xFFFFF000  }
0xcc: {  	[spmem:s2] =	stream.indirect.scatter.add.f32 [tilespmem:s14], [sflag:$0x3], $0x80, s0, s26, $0xb8;
	[tilespmem:$0x1D000] =	vst v63  }
0xcd: {  	_ =	swait.ge [sflag:s11], $0x4000  }
0xce: {  	[sflag:s11] =	ssyncset.done $0x0  }
0xcf: {  	[sflag:s11] =	ssyncadd.s32 $0xFFFFC000  }
0xd0: {  	_ =	swait.ge [sflag:s28], $0x1000  }
0xd1: {  	[sflag:s28] =	ssyncset.done $0x0  }
0xd2: {  	[sflag:s28] =	ssyncadd.s32 $0xFFFFF000  }
0xd3: {  	_ =	swait.ge [sflag:s28], $0x1000  }
0xd4: {  	[sflag:s28] =	ssyncset.done $0x0  }
0xd5: {  	[sflag:s28] =	ssyncadd.s32 $0xFFFFF000  }
0xd6: {  	_ =	swait.ge [sflag:s28], $0x1000  }
0xd7: {  	[sflag:s28] =	ssyncset.done $0x0  }
0xd8: {  	[sflag:s28] =	ssyncadd.s32 $0xFFFFF000  }
0xd9: {  	s9 =	sadd.s32 $0x1, s9;
	_ =	swait.ge [sflag:s28], $0x1000  }
0xda: {  	p0 =	sne.s32 s9, $0x5;
	[sflag:s28] =	ssyncset.done $0x0  }
.Ltmp1:
0xdb: {  	[sflag:s28] =	ssyncadd.s32 $0xFFFFF000;
	(pc) =	sbr.rel @p0 .LBB2_2-.Ltmp1, $4  }
0xdc: {  	[spmem:s2] =	stream.indirect.scatter.add.f32 [tilespmem:s20], [sflag:$0x3], $0x80, s5, s26, $0xb8;
	[tilespmem:$0x1D000] =	vst v63  }
0xdd: {  	_ =	swait.ge [sflag:s11], $0x4000  }
0xde: {  	[sflag:s11] =	ssyncset.done $0x0  }
0xdf: {  	[sflag:s11] =	ssyncadd.s32 $0xFFFFC000  }
0xe0: {  	[bflag:$0x0] =	sbarrier.arrive $0xFFFF  }
0xe1: {  	s10 =	rddreg [dreg:$0x6]  }
0xe2: {  	s9 =	rddreg [dreg:$0x8]  }
0xe3: {  	s3 =	rddreg [dreg:$0x9]  }
0xe4: {  	[hbm:s3], [sflag:s10] =	dma.local [spmem:s9], $0x2800  }
0xe5: {  	_ =	swait.ge [sflag:s11], $0x2800  }
0xe6: {  	s24 =	rddreg [dreg:$0x4]  }
0xe7: {  	s12 =	rddreg [dreg:$0x7];
	s24 =	sadd.s32 $0x1, s24  }
0xe8: {  	p0 =	sne.s32 s24, s12  }
.Ltmp2:
0xe9: {  	_ = 	snop;
	(pc) =	sbr.rel @p0 .LBB2_1-.Ltmp2, $3  }
0xea: {  	_ =	sdelay $0x1  }
0xeb: {  	[sflag:s11] =	ssyncset.done $0x0  }
0xec: {  	[sflag:s11] =	ssyncadd.s32 $0xFFFFD800  }
0xed: {  	_ =	sfence.sel $0x180000  }
0xee: {  	[bflag:$0x0] =	sbarrier.arrive $0xFFFF  }
0xef: {  	_ =	strace $0x90000050  }
0xf0: {  	s0 =	stileid.u32;
	[bflag:$0x2] =	sbarrier.arrive $0xFFFF  }
0xf1: {  	p0 =	sne.s32 s0, $0x0;
	s0 =	rddreg [dreg:$0x3]  }
0xf2: {  	s0 =	sadd.s32 @!p0 $0x100000, s0  }
0xf3: {  	[sflag:s0] =	ssyncadd.tile.s32 @!p0 $0x1;
	_ =	shalt  }
.Lfunc_end2:
_tile_overlayer_lowered:
.L_overlay_start_2:
0xf4: {  	(tag) =	ssettag $0x2  }
0xf5: {  	s0 =	rddreg [dreg:$0x0];
	s2 =	stileid.u32  }
0xf6: {  	s1 =	rddreg [dreg:$0x1];
	p0 =	sne.s32 s2, $0x0  }
0xf7: {  	s3 =	rddreg [dreg:$0x2];
	[bflag:$0x3] =	sbarrier.arrive $0xFFFF;
	s2 =	simm.s32 @!p0 $0x1C03  }
0xf8: {  	[timem:s3], [sflag:s2] =	dma.local @!p0 [hbm:s0], s1  }
0xf9: {  	s0 =	simm.s32 @!p0 $0x3  }
0xfa: {  	_ =	swait.ge @!p0 [sflag:s0], s1  }
0xfb: {  	s1 =	ssub.s32 @!p0 $0x0, s1;
	[sflag:s0] =	ssyncset.done @!p0 $0x0  }
0xfc: {  	[sflag:s0] =	ssyncadd.s32 @!p0 s1  }
0xfd: {  	[bflag:$0x3] =	sbarrier.arrive $0xFFFF  }
0xfe: {  	_ =	shalt  }

// kernel: kernel.9.cloned.1.call-start
scs
__scs_entry_jumppad:
0x0: {  	(pc) =	sbr.rel $0x88, $3  }
0x1: {  	(tag) =	ssettag $0x0;
	lr =	simm.s32 $0x1  }
0x2: {  	[smem:$0x3F9D] =	sst lr;
	_ =	strace $0xD0000000  }
0x3: {  	_ = 	snop  }
0x4: {  	_ = 	snop  }
0x5: {  	_ = 	snop  }
0x6: {  	_ = 	snop  }
0x7: {  	_ = 	snop  }
__scs_overlays_trampoline_lowered:
0x8: {  	[smem:$0x3FAC] =	sst s0  }
0x9: {  	[smem:$0x3FAD] =	sst s1  }
0xa: {  	[smem:$0x3FAE] =	sst s2  }
0xb: {  	[smem:$0x3FAF] =	sst s3  }
0xc: {  	[smem:$0x3FB0] =	sst s4  }
0xd: {  	[smem:$0x3FB1] =	sst s5  }
0xe: {  	[smem:$0x3FB2] =	sst s6  }
0xf: {  	[smem:$0x3FB3] =	sst s7  }
0x10: {  	[smem:$0x3FB4] =	sst s8  }
0x11: {  	[smem:$0x3FB5] =	sst s9;
	s0 =	simm.s32 @!p0 $0x0  }
0x12: {  	s1 =	sld [smem:$0x3F9B];
	s0 =	simm.s32 @p0 $0x1  }
0x13: {  	[smem:$0x3FB6] =	sst s0;
	s0 =	simm.s32 @!p1 $0x0  }
0x14: {  	s2 =	sld [smem:$0x3F9A];
	s0 =	simm.s32 @p1 $0x1  }
0x15: {  	[smem:$0x3FB7] =	sst s0;
	s0 =	simm.s32 @!p2 $0x0  }
0x16: {  	s3 =	sld [smem:$0x3FDB];
	s0 =	simm.s32 @p2 $0x1  }
0x17: {  	s4 =	simm.s32 $0x1BF5;
	[smem:$0x3FB9] =	sst s0  }
0x18: {  	s0 =	sld [smem:$0x3F9C];
	_ =	swait.ge [sflag:s4], $0x0  }
0x19: {  	s7 =	sld [smem:$0x3F9D]  }
0x1a: {  	s8 =	sadd.s32 $0xFFFFE003, lr  }
0x1b: {  	s9 =	sadd.s32 $0xFFFFFEF7, lr;
	s5 =	simm.s32 $0xFFFFFFFF;
	p2 =	slt.u32 s8, $0xFFFFF086  }
0x1c: {  	p1 =	slt.u32 s9, $0xF7A;
	s5 =	simm.s32 @!p2 $0x0  }
0x1d: {  	s5 =	simm.s32 @p1 $0x1;
	p0 =	seq.s32 s7, s2  }
0x1e: {  	s7 =	smul.u32 @!p0 $0xF7A, s2;
	p2 =	seq.s32 @!p0 s5, $0x0  }
0x1f: {  	s9 =	smul.u32 $0xF7A, s1;
	s8 =	simm.s32 @!p0 $0x1BF5;
	p2 =	por !p2, p0  }
0x20: {  	[sflag:s8] =	ssyncset.s32 @!p0 $0xFFFFF086;
	s6 =	sadd.s32 @!p0 s3, s7;
	s7 =	simm.s32 @!p0 $0x108  }
0x21: {  	s3 =	sadd.s32 s3, s9;
	s6 =	sadd.s32 @!p0 $0x88, s6;
	s7 =	simm.s32 @p2 $0x1082  }
0x22: {  	[simem:s7], [sflag:s8] =	dma.local @!p0 [hbm:s6], $0xF7A  }
0x23: {  	s9 =	sor.u32 $0xD0000000, s2;
	s6 =	simm.s32 $0x108;
	_ =	swait.ge @!p0 [sflag:s8], $0x0  }
0x24: {  	s3 =	sadd.s32 $0x88, s3;
	s6 =	simm.s32 @!p1 $0x1082;
	[sflag:s4] =	ssyncset.s32 $0xFFFFF086  }
0x25: {  	[simem:s6], [sflag:s4] =	dma.local [hbm:s3], $0xF7A  }
0x26: {  	[smem:$0x3F9D] =	sst s1;
	(tag) =	ssettag s2;
	_ =	strace s9  }
0x27: {  	s1 =	sld [smem:$0x3FAD]  }
0x28: {  	s2 =	sld [smem:$0x3FAE]  }
0x29: {  	s4 =	sld [smem:$0x3FB0]  }
0x2a: {  	p0 =	seq.s32 s5, $0x0;
	s5 =	sld [smem:$0x3FB1]  }
0x2b: {  	s6 =	sld [smem:$0x3FB2]  }
0x2c: {  	s7 =	sld [smem:$0x3FB3]  }
0x2d: {  	s3 =	simm.s32 $0x108;
	s8 =	sld [smem:$0x3FB4]  }
0x2e: {  	s3 =	simm.s32 @!p0 $0x1082;
	s9 =	sld [smem:$0x3FB5]  }
0x2f: {  	lr =	sadd.s32 s0, s3;
	s0 =	sld [smem:$0x3FAC]  }
0x30: {  	s3 =	sld [smem:$0x3FAF]  }
0x31: {  	[smem:$0x3FB8] =	sst s10  }
0x32: {  	s10 =	sld [smem:$0x3FB6];
	_ =	sdelay $0x3  }
0x33: {  	p0 =	seq.s32 s10, $0x1;
	s10 =	sld [smem:$0x3FB8];
	_ =	sdelay $0x3  }
0x34: {  	[smem:$0x3FB8] =	sst s10  }
0x35: {  	s10 =	sld [smem:$0x3FB7];
	_ =	sdelay $0x3  }
0x36: {  	p1 =	seq.s32 s10, $0x1;
	s10 =	sld [smem:$0x3FB8];
	_ =	sdelay $0x3  }
0x37: {  	[smem:$0x3FB8] =	sst s10  }
0x38: {  	s10 =	sld [smem:$0x3FB9]  }
0x39: {  	_ = 	snop;
	(pc) =	sbr.ind lr, $3  }
0x3a: {  	_ = 	snop  }
0x3b: {  	_ = 	snop  }
0x3c: {  	p2 =	seq.s32 s10, $0x1;
	s10 =	sld [smem:$0x3FB8]  }
0x3d: {  	_ =	shalt  }
0x3e: {  	_ =	shalt  }
0x3f: {  	_ =	shalt  }
0x40: {  	_ =	shalt  }
0x41: {  	_ =	shalt  }
0x42: {  	_ =	shalt  }
0x43: {  	_ =	shalt  }
0x44: {  	_ =	shalt  }
0x45: {  	_ =	shalt  }
0x46: {  	_ =	shalt  }
0x47: {  	_ =	shalt  }
0x48: {  	_ =	shalt  }
0x49: {  	_ =	shalt  }
0x4a: {  	_ =	shalt  }
0x4b: {  	_ =	shalt  }
0x4c: {  	_ =	shalt  }
0x4d: {  	_ =	shalt  }
0x4e: {  	_ =	shalt  }
0x4f: {  	_ =	shalt  }
0x50: {  	_ =	shalt  }
0x51: {  	_ =	shalt  }
0x52: {  	_ =	shalt  }
0x53: {  	_ =	shalt  }
0x54: {  	_ =	shalt  }
0x55: {  	_ =	shalt  }
0x56: {  	_ =	shalt  }
0x57: {  	_ =	shalt  }
0x58: {  	_ =	shalt  }
0x59: {  	_ =	shalt  }
0x5a: {  	_ =	shalt  }
0x5b: {  	_ =	shalt  }
0x5c: {  	_ =	shalt  }
0x5d: {  	_ =	shalt  }
0x5e: {  	_ =	shalt  }
0x5f: {  	_ =	shalt  }
0x60: {  	_ =	shalt  }
0x61: {  	_ =	shalt  }
0x62: {  	_ =	shalt  }
0x63: {  	_ =	shalt  }
0x64: {  	_ =	shalt  }
0x65: {  	_ =	shalt  }
0x66: {  	_ =	shalt  }
0x67: {  	_ =	shalt  }
0x68: {  	_ =	shalt  }
0x69: {  	_ =	shalt  }
0x6a: {  	_ =	shalt  }
0x6b: {  	_ =	shalt  }
0x6c: {  	_ =	shalt  }
0x6d: {  	_ =	shalt  }
0x6e: {  	_ =	shalt  }
0x6f: {  	_ =	shalt  }
0x70: {  	_ =	shalt  }
0x71: {  	_ =	shalt  }
0x72: {  	_ =	shalt  }
0x73: {  	_ =	shalt  }
0x74: {  	_ =	shalt  }
0x75: {  	_ =	shalt  }
0x76: {  	_ =	shalt  }
0x77: {  	_ =	shalt  }
0x78: {  	_ =	shalt  }
0x79: {  	_ =	shalt  }
0x7a: {  	_ =	shalt  }
0x7b: {  	_ =	shalt  }
0x7c: {  	_ =	shalt  }
0x7d: {  	_ =	shalt  }
0x7e: {  	_ =	shalt  }
0x7f: {  	_ =	shalt  }
0x80: {  	_ =	shalt  }
0x81: {  	_ =	shalt  }
0x82: {  	_ =	shalt  }
0x83: {  	_ =	shalt  }
0x84: {  	_ =	shalt  }
0x85: {  	_ =	shalt  }
0x86: {  	_ =	shalt  }
0x87: {  	_ =	shalt  }
.Lfunc_end0:
.L_simem_size_0:
called_computation_lowered:
.L_overlay_start_0:
0x88: {  	s2 =	sld [smem:$0x3FD9]  }
0x89: {  	s3 =	sld [smem:$0x3FFE];
	_ =	sdelay $0x1  }
0x8a: {  	s1 =	srdreg.scid  }
0x8b: {  	s0 =	sand.u32 $0x1, s1  }
0x8c: {  	s17 =	sshll.u32 s0, $0xA;
	s2 =	sadd.s32 s3, s2  }
0x8d: {  	s2 =	sadd.s32 s2, s17  }
0x8e: {  	[smem:$0x3FC4] =	sst s2  }
0x8f: {  	_ = 	snop  }
0x90: {  	s2 =	sld [smem:$0x3FD0];
	(tm) =	ssettm $0x1  }
0x91: {  	s18 =	sld [smem:$0x3FFB];
	_ =	sdelay $0x3  }
0x92: {  	_ =	strace s18  }
0x93: {  	s3 =	sld [smem:$0x3FFC];
	_ =	sdelay $0x3  }
0x94: {  	_ =	strace s3  }
0x95: {  	s3 =	sld [smem:$0x3FFD];
	_ =	sdelay $0x3  }
0x96: {  	_ =	strace s3  }
0x97: {  	_ =	strace $0x8FFFFFFF  }
0x98: {  	s19 =	sld [smem:$0x3FDB];
	_ =	sdelay $0x1  }
0x99: {  	s4 =	simm.s32 $_scs_section_size  }
0x9a: {  	s5 =	simm.s32 $_size__tile_overlayer_lowered;
	s6 =	simm.s32 $_tile_overlayer_lowered  }
0x9b: {  	s22 =	simm.s32 $0x1BFF;
	s21 =	sshll.u32 s6, $0x1;
	s3 =	sadd.s32 s4, s19  }
0x9c: {  	s7 =	simm.s32 $0x0;
	s20 =	sshll.u32 s5, $0x1;
	s5 =	sadd.s32 s21, s3  }
0x9d: {  	[timem:s7], [sflag:s22] =	dma.local [hbm:s5], s20  }
0x9e: {  	_ =	swait.ge [sflag:s22], s20  }
0x9f: {  	s4 =	ssub.s32 $0x0, s20;
	[sflag:s22] =	ssyncset.done $0x0  }
0xa0: {  	[sflag:s22] =	ssyncadd.s32 s4;
	_ =	sdelay $0x1  }
0xa1: {  	s23 =	simm.s32 $0x1B8B  }
0xa2: {  	_ =	swait.ge [sflag:s23], $0x1  }
0xa3: {  	[sflag:s23] =	ssyncset.done $0x0  }
0xa4: {  	s25 =	simm.s32 $0x1B8E;
	s24 =	sld [smem:$0x3FFE];
	[sflag:s23] =	ssyncadd.s32 $0xFFFFFFFF  }
0xa5: {  	s26 =	simm.s32 $execute0_lowered;
	[smem:$0x3FD2] =	sst s25  }
0xa6: {  	s5 =	sshll.u32 s26, $0x1;
	_ =	strace $0x80000046;
	[dreg:$0x1] =	wrdreg $0xFFFFFFFF  }
0xa7: {  	s28 =	simm.s32 $_size_execute0_lowered;
	s3 =	sadd.s32 s3, s5;
	[dreg:$0x0] =	wrdreg $0x0  }
0xa8: {  	s5 =	sshll.u32 s28, $0x1;
	[dreg:$0x2] =	wrdreg s3  }
0xa9: {  	[dreg:$0x3] =	wrdreg s5  }
0xaa: {  	[dreg:$0x4] =	wrdreg $0xC0  }
0xab: {  	_ =	task [dreg:s7], $0x5FFFF  }
0xac: {  	[dreg:$0x1] =	wrdreg $0xFFFFFFFF  }
0xad: {  	[dreg:$0x0] =	wrdreg $0x60  }
0xae: {  	[dreg:$0x2] =	wrdreg s2  }
0xaf: {  	[dreg:$0x3] =	wrdreg s24  }
0xb0: {  	[dreg:$0x4] =	wrdreg $0x68000  }
0xb1: {  	[dreg:$0x5] =	wrdreg $0xA  }
0xb2: {  	_ =	task.clear_ibuf [dreg:s7], $0x6FFFF;
	_ =	strace $0x90000046  }
0xb3: {  	s29 =	simm.s32 $0xA;
	_ =	strace $0x80000048  }
0xb4: {  	_ =	swait.ge [sflag:s29], $0x1  }
0xb5: {  	[sflag:s29] =	ssyncadd.s32 $0xFFFFFFFF  }
0xb6: {  	_ =	strace $0x90000048  }
0xb7: {  	_ =	sfence  }
0xb8: {  	s30 =	sld [smem:$0x0];
	_ =	sdelay $0x2  }
0xb9: {  	s31 =	sshll.u32 s1, $0xD;
	s1 =	sshrl.u32 s1, $0x2  }
0xba: {  	s3 =	sand.u32 $0x4000, s31;
	s1 =	sadd.s32 s1, s30  }
0xbb: {  	s0 =	sor.u32 s3, s0;
	s1 =	sshll.u32 s1, $0x11  }
0xbc: {  	s0 =	sor.u32 s1, s0  }
0xbd: {  	s0 =	sadd.s32 $0x8F2B, s0  }
0xbe: {  	[sflag:s0] =	ssyncadd.remote.s32 $0x1  }
0xbf: {  	_ =	sfence.sel $0xFFFF  }
0xc0: {  	[dreg:$0x0] =	wrdreg $0xFFFFFFFF;
	(pc) =	sbr.abs _section_cstart, $3  }
0xc1: {  	[dreg:$0x1] =	wrdreg $0xFFFFFFFF  }
0xc2: {  	_ =	task.clear_ibuf [dreg:s7], $0x2FFFF;
	_ =	strace $0x9FFFFFFF  }
0xc3: {  	(tm) =	ssettm $0x7FFFFFFF  }
tec
execute0_lowered:
.L_overlay_start_1:
0x0: {  	(tag) =	ssettag $0x1  }
0x1: {  	s7 =	rddreg [dreg:$0x0]  }
0x2: {  	s5 =	rddreg [dreg:$0x1]  }
0x3: {  	s2 =	rddreg [dreg:$0x2];
	s1 =	stileid.u32  }
0x4: {  	s0 =	rddreg [dreg:$0x3];
	s3 =	simm.s32 $0x0;
	s4 =	srdreg.scid  }
0x5: {  	s13 =	smul.u32 $0x2800, s1;
	[smem:$0x7FF] =	sst s3  }
0x6: {  	s8 =	sand.u32 $0x1, s4;
	s4 =	sadd.s32 $0x29E00, s5;
	s12 =	smul.u32 $0x50000, s1  }
0x7: {  	s14 =	sshll.u32 s1, $0x1;
	s29 =	sshll.u32 s1, $0x6;
	_ =	strace $0x80000047  }
0x8: {  	s9 =	smul.u32 $0x28000, s8;
	s10 =	ssub.s32 $0x2, s8;
	s26 =	sor.u32 s8, s14  }
0x9: {  	s14 =	simm.s32 $0x0;
	s6 =	sadd.s32 s13, s5;
	s11 =	sshrl.u32 s10, $0x1  }
0xa: {  	s28 =	sshrl.u32 s12, $0x2;
	s30 =	smul.u32 $0x500, s26;
	s12 =	simm.s32 $0x80  }
0xb: {  	s9 =	sadd.s32 s9, s5;
	s10 =	ssub.s32 s10, s11;
	s31 =	sadd.s32 s28, s2  }
0xc: {  	s5 =	sadd.s32 $0x1E00, s6;
	s6 =	sor.u32 $0x1C01, s29;
	s11 =	simm.s32 $0x2800  }
0xd: {  	s7 =	sadd.s32 s7, s30;
	s15 =	sadd.s32 $0x2A600, s9;
	s8 =	smax.u32 s10, $0x1  }
0xe: {  	s9 =	sshrl.u32 s31, $0x3;
	s10 =	simm.s32 $0x1;
	s13 =	sadd.s32 s13, s15  }
.LBB2_1:
0xf: {  	[spmem:s9], [sflag:s6] =	dma.local [hbm:s5], $0x2800  }
0x10: {  	_ =	swait.ge [sflag:s10], $0x2800  }
0x11: {  	[sflag:s10] =	ssyncset.done $0x0  }
0x12: {  	[sflag:s10] =	ssyncadd.s32 $0xFFFFD800  }
0x13: {  	[tilespmem:s11], [sflag:$0x1] =	stream.linear.gather [hbm4b:s4+s3], $0x4000, $0x38;
	[tilespmem:$0x1A800] =	vst v63  }
0x14: {  	_ =	swait.ge [sflag:s10], $0x4000  }
0x15: {  	[sflag:s10] =	ssyncset.done $0x0  }
0x16: {  	[sflag:s10] =	ssyncadd.s32 $0xFFFFC000  }
0x17: {  	[tilespmem:s3], [sflag:$0x1] =	stream.linear.gather [hbm4b:s7+s3], $0x2800, $0x38;
	[tilespmem:$0x1A800] =	vst v63  }
0x18: {  	_ =	swait.ge [sflag:s10], $0x2800  }
0x19: {  	[sflag:s10] =	ssyncset.done $0x0  }
0x1a: {  	[sflag:s10] =	ssyncadd.s32 $0xFFFFD800  }
0x1b: {  	s15 =	simm.s32 $0x0;
	[bflag:$0x0] =	sbarrier.arrive $0xFFFF  }
0x1c: {  	[spmem:s2] =	stream.indirect.scatter.add.f32 [tilespmem:s11], [sflag:$0x1], $0x80, s15, s12, $0xb8;
	[tilespmem:$0x1A800] =	vst v63  }
0x1d: {  	_ =	swait.ge [sflag:s10], $0x4000  }
0x1e: {  	s15 =	simm.s32 $0x200;
	[sflag:s10] =	ssyncset.done $0x0  }
.LBB2_2:
0x1f: {  	s16 =	sshra.s32 s15, $0x2;
	[sflag:s10] =	ssyncadd.s32 $0xFFFFC000;
	p0 =	sne.s32 s15, $0x9E00  }
0x20: {  	[spmem:s2] =	stream.indirect.scatter.add.f32 [tilespmem:s11], [sflag:$0x1], $0x80, s16, s12, $0xb8;
	[tilespmem:$0x1A800] =	vst v63  }
.Ltmp0:
0x21: {  	_ = 	snop;
	(pc) =	sbr.rel @p0 .LBB2_2-.Ltmp0, $4  }
0x22: {  	_ = 	snop  }
0x23: {  	s15 =	sadd.s32 $0x200, s15  }
0x24: {  	_ =	swait.ge [sflag:s10], $0x4000  }
0x25: {  	[sflag:s10] =	ssyncset.done $0x0  }
0x26: {  	s14 =	sadd.s32 $0x1, s14  }
0x27: {  	[sflag:s10] =	ssyncadd.s32 $0xFFFFC000;
	p0 =	sne.s32 s14, s8  }
.Ltmp1:
0x28: {  	[bflag:$0x0] =	sbarrier.arrive $0xFFFF;
	(pc) =	sbr.rel @p0 .LBB2_1-.Ltmp1, $4  }
0x29: {  	[hbm:s13], [sflag:s6] =	dma.local [spmem:s9], $0x2800  }
0x2a: {  	_ =	swait.ge [sflag:s10], $0x2800  }
0x2b: {  	[sflag:s10] =	ssyncset.done $0x0  }
0x2c: {  	[sflag:s10] =	ssyncadd.s32 $0xFFFFD800  }
0x2d: {  	_ =	sfence.sel $0x180000  }
0x2e: {  	[bflag:$0x0] =	sbarrier.arrive $0xFFFF  }
0x2f: {  	p0 =	sne.s32 s1, $0x0;
	_ =	strace $0x90000047  }
0x30: {  	s0 =	sadd.s32 @!p0 $0x100000, s0;
	[bflag:$0x2] =	sbarrier.arrive $0xFFFF  }
0x31: {  	[sflag:s0] =	ssyncadd.tile.s32 @!p0 $0x1;
	_ =	shalt  }
.Lfunc_end2:
_tile_overlayer_lowered:
.L_overlay_start_2:
0x32: {  	(tag) =	ssettag $0x2  }
0x33: {  	s0 =	rddreg [dreg:$0x0];
	s2 =	stileid.u32  }
0x34: {  	s1 =	rddreg [dreg:$0x1];
	p0 =	sne.s32 s2, $0x0  }
0x35: {  	s3 =	rddreg [dreg:$0x2];
	[bflag:$0x3] =	sbarrier.arrive $0xFFFF;
	s2 =	simm.s32 @!p0 $0x1C01  }
0x36: {  	[timem:s3], [sflag:s2] =	dma.local @!p0 [hbm:s0], s1  }
0x37: {  	s0 =	simm.s32 @!p0 $0x1  }
0x38: {  	_ =	swait.ge @!p0 [sflag:s0], s1  }
0x39: {  	s1 =	ssub.s32 @!p0 $0x0, s1;
	[sflag:s0] =	ssyncset.done @!p0 $0x0  }
0x3a: {  	[sflag:s0] =	ssyncadd.s32 @!p0 s1  }
0x3b: {  	[bflag:$0x3] =	sbarrier.arrive $0xFFFF  }
0x3c: {  	_ =	shalt  }

</sc_bundles>
